<compile_context>
chip_gen: v7x
topology: tpu7x:2x2x1
jax: 0.10.2.dev20260603
libtpu: 0.0.44.dev20260713+nightly
codegen_flags: <defaults>
</compile_context>

<pallas_src>
import functools

import jax
import jax.numpy as jnp
from jax import lax
from jax.experimental import pallas as pl
from jax.experimental.pallas import tpu as pltpu
from jax.experimental.pallas import tpu_sc as plsc

_VOCAB = 100000
_D = 64
_B = 4096
_L = 200
_C = 20
_CP = 32
_NC = 2
_NS = 16
_NW = _NC * _NS
_DOCS_W = _B // _NW
_SPLITS = ((0, 104), (104, 96))
_NBUF = 8
_ROWS = 3584
_UNROLL = 8


_Q = 4
_VQ = 25088
_VP = _Q * _VQ


def _proj_body(t0, t1, t2, t3, w_ref, o_ref):
    dn = (((0,), (0,)), ((), ()))
    o_ref[...] = jnp.concatenate(
        [lax.dot_general(t[...], w_ref[...], dn,
                         preferred_element_type=jnp.float32)
         for t in (t0, t1, t2, t3)], axis=1)


def _project(tableT, wp):
    grid = _VQ // _ROWS
    specs = [pl.BlockSpec((_D, _ROWS),
                          functools.partial(lambda j, i: (0, i + j * grid), j))
             for j in range(_Q)]
    return pl.pallas_call(
        _proj_body,
        grid=(grid,),
        in_specs=specs + [pl.BlockSpec((_D, _CP), lambda i: (0, 0))],
        out_specs=pl.BlockSpec((_ROWS, _Q * _CP), lambda i: (i, 0)),
        out_shape=jax.ShapeDtypeStruct((_VQ, _Q * _CP), jnp.float32),
    )(tableT, tableT, tableT, tableT, wp)


def _sc_body(tp_hbm, xf_hbm, bp_hbm, out_hbm, idx_v, bpv, bufs, outb,
             gsem, isem):
    cid = lax.axis_index("c")
    sid = lax.axis_index("s")
    wid = cid * _NS + sid

    pltpu.async_copy(xf_hbm.at[wid], idx_v, isem).wait()
    pltpu.sync_copy(bp_hbm, bpv)
    bias0 = bpv[pl.ds(0, 16)]
    bias1 = bpv[pl.ds(16, 16)]

    def gather_halves(d, k):
        return tuple(
            pltpu.make_async_copy(
                tp_hbm.at[idx_v.at[d, pl.ds(off, n)]],
                bufs.at[k, pl.ds(off, n)], gsem.at[k])
            for off, n in _SPLITS)

    def fire(d, k):
        for c in gather_halves(d, k):
            c.start()

    def wait(d, k):
        for c in gather_halves(d, k):
            c.wait()

    for k in range(_NBUF):
        fire(k, k)

    zero = jnp.zeros((16,), jnp.float32)

    def reduce_doc(d, k):
        def rbody(j, carry):
            a0, a1, b0, b1 = carry
            for t in range(_UNROLL):
                r = j * _UNROLL + t
                v0 = bufs[k, r, pl.ds(0, 16)]
                v1 = bufs[k, r, pl.ds(16, 16)]
                if t % 2 == 0:
                    a0, a1 = a0 + v0, a1 + v1
                else:
                    b0, b1 = b0 + v0, b1 + v1
            return a0, a1, b0, b1

        a0, a1, b0, b1 = lax.fori_loop(0, _L // _UNROLL, rbody,
                                       (bias0, bias1, zero, zero))
        l0 = a0 + b0
        l1 = a1 + b1
        m = jnp.full((16,), jnp.maximum(jnp.max(l0, axis=0),
                                        jnp.max(l1, axis=0)))
        e0 = jnp.exp(l0 - m)
        e1 = jnp.exp(l1 - m)
        s = jnp.full((16,), jnp.sum(e0, axis=0) + jnp.sum(e1, axis=0))
        outb[d, pl.ds(0, 16)] = e0 / s
        outb[d, pl.ds(16, 16)] = e1 / s

    def body(i, carry):
        for k in range(_NBUF):
            d = i * _NBUF + k
            wait(d, k)
            reduce_doc(d, k)

            @pl.when(i < _DOCS_W // _NBUF - 1)
            def _():
                fire(d + _NBUF, k)
        return carry

    lax.fori_loop(0, _DOCS_W // _NBUF, body, 0)

    pltpu.sync_copy(outb, out_hbm.at[pl.ds(wid * _DOCS_W, _DOCS_W)])


def _sc_pool(tp, xf, bp):
    mesh = plsc.VectorSubcoreMesh(core_axis_name="c", subcore_axis_name="s",
                                  num_cores=_NC, num_subcores=_NS)
    run = functools.partial(
        pl.kernel,
        mesh=mesh,
        out_type=jax.ShapeDtypeStruct((_B, _CP), jnp.float32),
        scratch_types=[
            pltpu.VMEM((_DOCS_W, _L), jnp.int32),
            pltpu.VMEM((_CP,), jnp.float32),
            pltpu.VMEM((_NBUF, _L, _CP), jnp.float32),
            pltpu.VMEM((_DOCS_W, _CP), jnp.float32),
            pltpu.SemaphoreType.DMA((_NBUF,)),
            pltpu.SemaphoreType.DMA,
        ],
        compiler_params=pltpu.CompilerParams(use_tc_tiling_on_sc=False,
                                             needs_layout_passes=False),
    )(_sc_body)
    return run(tp, xf, bp)


def kernel(x, table, W, b):
    wp = jnp.pad(W.astype(jnp.float32), ((0, 0), (0, _CP - _C))) / _L
    tp = _project(table.T, wp).reshape(_VP, _CP)
    xq = (x % _VQ) * _Q + x // _VQ
    xf = xq.reshape(_NW, _DOCS_W, _L)
    bp = jnp.concatenate([b.astype(jnp.float32),
                          jnp.full((_CP - _C,), -1e30, jnp.float32)])
    probs = _sc_pool(tp, xf, bp)
    return probs[:, :_C]

# --- scband reference (transcript-rebuilt; emitter-appended) ---
"""Pipeline reference for scband-classification-average-model-59837484367969 (READ-ONLY COPY).

The authoritative reference and input builder live on the scoring server;
editing this copy changes nothing except your own understanding.
"""

import jax, jax.numpy as jnp
import numpy as np

VOCAB = 100000
EMBED_DIM = 64
BATCH = 4096
DOC_LEN = 200
NUM_CLASSES = 20

def setup_inputs(seed: int = 0) -> dict:
    key = jax.random.key(seed)
    k1, k2, k3, k4 = jax.random.split(key, 4)
    x = jax.random.randint(k1, (BATCH, DOC_LEN), 0, VOCAB, dtype=jnp.int64 if jax.config.jax_enable_x64 else jnp.int32).astype(jnp.int32)
    table = jax.random.normal(k2, (VOCAB, EMBED_DIM), dtype=jnp.float32) * 0.02
    W = jax.random.normal(k3, (EMBED_DIM, NUM_CLASSES), dtype=jnp.float32) * 0.1
    b = jnp.zeros((NUM_CLASSES,), dtype=jnp.float32)
    return {"x": x, "table": table, "W": W, "b": b}

def reference(x, table, W, b):
    # Embedding lookup: (B, L, D) gather from (V, D) table
    emb = jnp.take(table, x, axis=0)
    # Mean-pool over document length -> (B, D)
    y = jnp.mean(emb, axis=1)
    # Linear classifier head -> (B, C)
    logits = y @ W + b
    # Softmax over classes
    probs = jax.nn.softmax(logits, axis=1)
    return probs

if __name__ == "__main__":
    import jax
    _d = setup_inputs()
    print(jax.jit(kernel)(*tuple(_d.values())))

</pallas_src>

<mosaic_0001>
#map = affine_map<(d0, d1) -> (0, 0)>
#map1 = affine_map<(d0, d1) -> (0, 0, 0)>
#map2 = affine_map<(d0, d1) -> (0)>
module attributes {stable_mosaic.version = 14 : i64} {
  func.func @_sc_body(%arg0: i32, %arg1: i32, %arg2: memref<100352x32xf32, #tpu.memory_space<hbm>>, %arg3: memref<32x128x200xi32, #tpu.memory_space<hbm>>, %arg4: memref<32xf32, #tpu.memory_space<hbm>>, %arg5: memref<4096x32xf32, #tpu.memory_space<hbm>>, %arg6: memref<128x200xi32, #tpu.memory_space<vmem>>, %arg7: memref<32xf32, #tpu.memory_space<vmem>>, %arg8: memref<8x200x32xf32, #tpu.memory_space<vmem>>, %arg9: memref<128x32xf32, #tpu.memory_space<vmem>>, %arg10: memref<8x!tpu.dma_semaphore, #tpu.memory_space<semaphore_mem>>, %arg11: memref<!tpu.dma_semaphore, #tpu.memory_space<semaphore_mem>>) attributes {dimension_semantics = [#tpu.dimension_semantics<core_parallel>, #tpu.dimension_semantics<subcore_parallel>], iteration_bounds = array<i64: 2, 16>, scalar_prefetch = 0 : i64, scratch_operands = 6 : i64, tpu.core_type = #tpu.core_type<sc_vector_subcore>, window_params = [{transform_indices = #map}, {transform_indices = #map1}, {transform_indices = #map2}, {transform_indices = #map}]} {
    %mul3A = arith.constant 16 : i32
    %mul3A_0 = arith.muli %arg0, %mul3A : i32
    %add3A = arith.addi %mul3A_0, %arg1 : i32
    %dma_start3A = arith.constant 0 : i32
    %dma_start3A_1 = arith.constant 0 : i32
    %dma_start3A_2 = tpu.memref_slice %arg3[%add3A, %dma_start3A, %dma_start3A_1] : memref<32x128x200xi32, #tpu.memory_space<hbm>> -> memref<1x128x200xi32, #tpu.memory_space<hbm>>
    %dma_start3A_3 = tpu.memref_squeeze %dma_start3A_2 : memref<1x128x200xi32, #tpu.memory_space<hbm>> -> memref<128x200xi32, #tpu.memory_space<hbm>>
    %dma_start3A_4 = arith.constant 0 : i32
    %dma_start3A_5 = arith.constant 0 : i32
    %dma_start3A_6 = tpu.memref_slice %arg3[%add3A, %dma_start3A_4, %dma_start3A_5] : memref<32x128x200xi32, #tpu.memory_space<hbm>> -> memref<1x128x200xi32, #tpu.memory_space<hbm>>
    %dma_start3A_7 = tpu.memref_squeeze %dma_start3A_6 : memref<1x128x200xi32, #tpu.memory_space<hbm>> -> memref<128x200xi32, #tpu.memory_space<hbm>>
    tpu.enqueue_dma source(%dma_start3A_7 : memref<128x200xi32, #tpu.memory_space<hbm>>) target(%arg6 : memref<128x200xi32, #tpu.memory_space<vmem>>) target_semaphore(%arg11 : memref<!tpu.dma_semaphore, #tpu.memory_space<semaphore_mem>>)
    %dma_wait3A = arith.constant 0 : i32
    %dma_wait3A_8 = arith.constant 0 : i32
    %dma_wait3A_9 = tpu.memref_slice %arg3[%add3A, %dma_wait3A, %dma_wait3A_8] : memref<32x128x200xi32, #tpu.memory_space<hbm>> -> memref<1x128x200xi32, #tpu.memory_space<hbm>>
    %dma_wait3A_10 = tpu.memref_squeeze %dma_wait3A_9 : memref<1x128x200xi32, #tpu.memory_space<hbm>> -> memref<128x200xi32, #tpu.memory_space<hbm>>
    %dma_wait3A_11 = arith.constant 0 : i32
    %dma_wait3A_12 = arith.constant 0 : i32
    %dma_wait3A_13 = tpu.memref_slice %arg3[%add3A, %dma_wait3A_11, %dma_wait3A_12] : memref<32x128x200xi32, #tpu.memory_space<hbm>> -> memref<1x128x200xi32, #tpu.memory_space<hbm>>
    %dma_wait3A_14 = tpu.memref_squeeze %dma_wait3A_13 : memref<1x128x200xi32, #tpu.memory_space<hbm>> -> memref<128x200xi32, #tpu.memory_space<hbm>>
    tpu.wait_dma2 semaphore(%arg11 : memref<!tpu.dma_semaphore, #tpu.memory_space<semaphore_mem>>) src(%dma_wait3A_14 : memref<128x200xi32, #tpu.memory_space<hbm>>) dst(%arg6 : memref<128x200xi32, #tpu.memory_space<vmem>>)
    "tpu.region"() ({
      %run_scoped3A = tpu.sem_alloc : memref<!tpu.dma_semaphore, #tpu.memory_space<semaphore_mem>>
      tpu.enqueue_dma source(%arg4 : memref<32xf32, #tpu.memory_space<hbm>>) target(%arg7 : memref<32xf32, #tpu.memory_space<vmem>>) target_semaphore(%run_scoped3A : memref<!tpu.dma_semaphore, #tpu.memory_space<semaphore_mem>>)
      tpu.wait_dma2 semaphore(%run_scoped3A : memref<!tpu.dma_semaphore, #tpu.memory_space<semaphore_mem>>) src(%arg4 : memref<32xf32, #tpu.memory_space<hbm>>) dst(%arg7 : memref<32xf32, #tpu.memory_space<vmem>>)
      tpu.yield
    }) : () -> ()
    %get3A = arith.constant 0 : index
    %get3A_15 = tpu.vector_load %arg7[%get3A] {strides = array<i32>} : memref<32xf32, #tpu.memory_space<vmem>>, vector<16xf32>,
    %get3A_16 = arith.constant 16 : index
    %get3A_17 = tpu.vector_load %arg7[%get3A_16] {strides = array<i32>} : memref<32xf32, #tpu.memory_space<vmem>>, vector<16xf32>,
    %dma_start3A_18 = arith.constant 0 : i32
    %dma_start3A_19 = arith.constant 0 : i32
    %dma_start3A_20 = arith.constant 0 : i32
    %dma_start3A_21 = arith.constant 0 : i32
    %dma_start3A_22 = arith.constant 0 : i32
    %dma_start3A_23 = tpu.memref_slice %arg8[%dma_start3A_19, %dma_start3A_21, %dma_start3A_22] : memref<8x200x32xf32, #tpu.memory_space<vmem>> -> memref<1x104x32xf32, #tpu.memory_space<vmem>>
    %dma_start3A_24 = tpu.memref_squeeze %dma_start3A_23 : memref<1x104x32xf32, #tpu.memory_space<vmem>> -> memref<104x32xf32, #tpu.memory_space<vmem>>
    %dma_start3A_25 = arith.constant 0 : i32
    %dma_start3A_26 = tpu.memref_slice %arg6[%dma_start3A_18, %dma_start3A_25] : memref<128x200xi32, #tpu.memory_space<vmem>> -> memref<1x104xi32, #tpu.memory_space<vmem>>
    %dma_start3A_27 = tpu.memref_squeeze %dma_start3A_26 : memref<1x104xi32, #tpu.memory_space<vmem>> -> memref<104xi32, #tpu.memory_space<vmem>>
    %dma_start3A_28 = arith.constant 0 : i32
    %dma_start3A_29 = arith.constant 0 : i32
    %dma_start3A_30 = tpu.memref_slice %arg2[%dma_start3A_28, %dma_start3A_29] : memref<100352x32xf32, #tpu.memory_space<hbm>> -> memref<100352x32xf32, #tpu.memory_space<hbm>>
    %dma_start3A_31 = tpu.memref_slice %arg10[%dma_start3A_20] : memref<8x!tpu.dma_semaphore, #tpu.memory_space<semaphore_mem>> -> memref<1x!tpu.dma_semaphore, #tpu.memory_space<semaphore_mem>>
    %dma_start3A_32 = tpu.memref_squeeze %dma_start3A_31 : memref<1x!tpu.dma_semaphore, #tpu.memory_space<semaphore_mem>> -> memref<!tpu.dma_semaphore, #tpu.memory_space<semaphore_mem>>
    tpu.enqueue_indirect_dma source(%dma_start3A_30 : memref<100352x32xf32, #tpu.memory_space<hbm>>) target(%dma_start3A_24 : memref<104x32xf32, #tpu.memory_space<vmem>>) offsets(%dma_start3A_27 : memref<104xi32, #tpu.memory_space<vmem>>) semaphore(%dma_start3A_32 : memref<!tpu.dma_semaphore, #tpu.memory_space<semaphore_mem>>)
    %dma_start3A_33 = arith.constant 0 : i32
    %dma_start3A_34 = arith.constant 0 : i32
    %dma_start3A_35 = arith.constant 0 : i32
    %dma_start3A_36 = arith.constant 104 : i32
    %dma_start3A_37 = arith.constant 0 : i32
    %dma_start3A_38 = tpu.memref_slice %arg8[%dma_start3A_34, %dma_start3A_36, %dma_start3A_37] : memref<8x200x32xf32, #tpu.memory_space<vmem>> -> memref<1x96x32xf32, #tpu.memory_space<vmem>>
    %dma_start3A_39 = tpu.memref_squeeze %dma_start3A_38 : memref<1x96x32xf32, #tpu.memory_space<vmem>> -> memref<96x32xf32, #tpu.memory_space<vmem>>
    %dma_start3A_40 = arith.constant 104 : i32
    %dma_start3A_41 = tpu.memref_slice %arg6[%dma_start3A_33, %dma_start3A_40] : memref<128x200xi32, #tpu.memory_space<vmem>> -> memref<1x96xi32, #tpu.memory_space<vmem>>
    %dma_start3A_42 = tpu.memref_squeeze %dma_start3A_41 : memref<1x96xi32, #tpu.memory_space<vmem>> -> memref<96xi32, #tpu.memory_space<vmem>>
    %dma_start3A_43 = arith.constant 0 : i32
    %dma_start3A_44 = arith.constant 0 : i32
    %dma_start3A_45 = tpu.memref_slice %arg2[%dma_start3A_43, %dma_start3A_44] : memref<100352x32xf32, #tpu.memory_space<hbm>> -> memref<100352x32xf32, #tpu.memory_space<hbm>>
    %dma_start3A_46 = tpu.memref_slice %arg10[%dma_start3A_35] : memref<8x!tpu.dma_semaphore, #tpu.memory_space<semaphore_mem>> -> memref<1x!tpu.dma_semaphore, #tpu.memory_space<semaphore_mem>>
    %dma_start3A_47 = tpu.memref_squeeze %dma_start3A_46 : memref<1x!tpu.dma_semaphore, #tpu.memory_space<semaphore_mem>> -> memref<!tpu.dma_semaphore, #tpu.memory_space<semaphore_mem>>
    tpu.enqueue_indirect_dma source(%dma_start3A_45 : memref<100352x32xf32, #tpu.memory_space<hbm>>) target(%dma_start3A_39 : memref<96x32xf32, #tpu.memory_space<vmem>>) offsets(%dma_start3A_42 : memref<96xi32, #tpu.memory_space<vmem>>) semaphore(%dma_start3A_47 : memref<!tpu.dma_semaphore, #tpu.memory_space<semaphore_mem>>)
    %dma_start3A_48 = arith.constant 1 : i32
    %dma_start3A_49 = arith.constant 1 : i32
    %dma_start3A_50 = arith.constant 1 : i32
    %dma_start3A_51 = arith.constant 0 : i32
    %dma_start3A_52 = arith.constant 0 : i32
    %dma_start3A_53 = tpu.memref_slice %arg8[%dma_start3A_49, %dma_start3A_51, %dma_start3A_52] : memref<8x200x32xf32, #tpu.memory_space<vmem>> -> memref<1x104x32xf32, #tpu.memory_space<vmem>>
    %dma_start3A_54 = tpu.memref_squeeze %dma_start3A_53 : memref<1x104x32xf32, #tpu.memory_space<vmem>> -> memref<104x32xf32, #tpu.memory_space<vmem>>
    %dma_start3A_55 = arith.constant 0 : i32
    %dma_start3A_56 = tpu.memref_slice %arg6[%dma_start3A_48, %dma_start3A_55] : memref<128x200xi32, #tpu.memory_space<vmem>> -> memref<1x104xi32, #tpu.memory_space<vmem>>
    %dma_start3A_57 = tpu.memref_squeeze %dma_start3A_56 : memref<1x104xi32, #tpu.memory_space<vmem>> -> memref<104xi32, #tpu.memory_space<vmem>>
    %dma_start3A_58 = arith.constant 0 : i32
    %dma_start3A_59 = arith.constant 0 : i32
    %dma_start3A_60 = tpu.memref_slice %arg2[%dma_start3A_58, %dma_start3A_59] : memref<100352x32xf32, #tpu.memory_space<hbm>> -> memref<100352x32xf32, #tpu.memory_space<hbm>>
    %dma_start3A_61 = tpu.memref_slice %arg10[%dma_start3A_50] : memref<8x!tpu.dma_semaphore, #tpu.memory_space<semaphore_mem>> -> memref<1x!tpu.dma_semaphore, #tpu.memory_space<semaphore_mem>>
    %dma_start3A_62 = tpu.memref_squeeze %dma_start3A_61 : memref<1x!tpu.dma_semaphore, #tpu.memory_space<semaphore_mem>> -> memref<!tpu.dma_semaphore, #tpu.memory_space<semaphore_mem>>
    tpu.enqueue_indirect_dma source(%dma_start3A_60 : memref<100352x32xf32, #tpu.memory_space<hbm>>) target(%dma_start3A_54 : memref<104x32xf32, #tpu.memory_space<vmem>>) offsets(%dma_start3A_57 : memref<104xi32, #tpu.memory_space<vmem>>) semaphore(%dma_start3A_62 : memref<!tpu.dma_semaphore, #tpu.memory_space<semaphore_mem>>)
    %dma_start3A_63 = arith.constant 1 : i32
    %dma_start3A_64 = arith.constant 1 : i32
    %dma_start3A_65 = arith.constant 1 : i32
    %dma_start3A_66 = arith.constant 104 : i32
    %dma_start3A_67 = arith.constant 0 : i32
    %dma_start3A_68 = tpu.memref_slice %arg8[%dma_start3A_64, %dma_start3A_66, %dma_start3A_67] : memref<8x200x32xf32, #tpu.memory_space<vmem>> -> memref<1x96x32xf32, #tpu.memory_space<vmem>>
    %dma_start3A_69 = tpu.memref_squeeze %dma_start3A_68 : memref<1x96x32xf32, #tpu.memory_space<vmem>> -> memref<96x32xf32, #tpu.memory_space<vmem>>
    %dma_start3A_70 = arith.constant 104 : i32
    %dma_start3A_71 = tpu.memref_slice %arg6[%dma_start3A_63, %dma_start3A_70] : memref<128x200xi32, #tpu.memory_space<vmem>> -> memref<1x96xi32, #tpu.memory_space<vmem>>
    %dma_start3A_72 = tpu.memref_squeeze %dma_start3A_71 : memref<1x96xi32, #tpu.memory_space<vmem>> -> memref<96xi32, #tpu.memory_space<vmem>>
    %dma_start3A_73 = arith.constant 0 : i32
    %dma_start3A_74 = arith.constant 0 : i32
    %dma_start3A_75 = tpu.memref_slice %arg2[%dma_start3A_73, %dma_start3A_74] : memref<100352x32xf32, #tpu.memory_space<hbm>> -> memref<100352x32xf32, #tpu.memory_space<hbm>>
    %dma_start3A_76 = tpu.memref_slice %arg10[%dma_start3A_65] : memref<8x!tpu.dma_semaphore, #tpu.memory_space<semaphore_mem>> -> memref<1x!tpu.dma_semaphore, #tpu.memory_space<semaphore_mem>>
    %dma_start3A_77 = tpu.memref_squeeze %dma_start3A_76 : memref<1x!tpu.dma_semaphore, #tpu.memory_space<semaphore_mem>> -> memref<!tpu.dma_semaphore, #tpu.memory_space<semaphore_mem>>
    tpu.enqueue_indirect_dma source(%dma_start3A_75 : memref<100352x32xf32, #tpu.memory_space<hbm>>) target(%dma_start3A_69 : memref<96x32xf32, #tpu.memory_space<vmem>>) offsets(%dma_start3A_72 : memref<96xi32, #tpu.memory_space<vmem>>) semaphore(%dma_start3A_77 : memref<!tpu.dma_semaphore, #tpu.memory_space<semaphore_mem>>)
    %dma_start3A_78 = arith.constant 2 : i32
    %dma_start3A_79 = arith.constant 2 : i32
    %dma_start3A_80 = arith.constant 2 : i32
    %dma_start3A_81 = arith.constant 0 : i32
    %dma_start3A_82 = arith.constant 0 : i32
    %dma_start3A_83 = tpu.memref_slice %arg8[%dma_start3A_79, %dma_start3A_81, %dma_start3A_82] : memref<8x200x32xf32, #tpu.memory_space<vmem>> -> memref<1x104x32xf32, #tpu.memory_space<vmem>>
    %dma_start3A_84 = tpu.memref_squeeze %dma_start3A_83 : memref<1x104x32xf32, #tpu.memory_space<vmem>> -> memref<104x32xf32, #tpu.memory_space<vmem>>
    %dma_start3A_85 = arith.constant 0 : i32
    %dma_start3A_86 = tpu.memref_slice %arg6[%dma_start3A_78, %dma_start3A_85] : memref<128x200xi32, #tpu.memory_space<vmem>> -> memref<1x104xi32, #tpu.memory_space<vmem>>
    %dma_start3A_87 = tpu.memref_squeeze %dma_start3A_86 : memref<1x104xi32, #tpu.memory_space<vmem>> -> memref<104xi32, #tpu.memory_space<vmem>>
    %dma_start3A_88 = arith.constant 0 : i32
    %dma_start3A_89 = arith.constant 0 : i32
    %dma_start3A_90 = tpu.memref_slice %arg2[%dma_start3A_88, %dma_start3A_89] : memref<100352x32xf32, #tpu.memory_space<hbm>> -> memref<100352x32xf32, #tpu.memory_space<hbm>>
    %dma_start3A_91 = tpu.memref_slice %arg10[%dma_start3A_80] : memref<8x!tpu.dma_semaphore, #tpu.memory_space<semaphore_mem>> -> memref<1x!tpu.dma_semaphore, #tpu.memory_space<semaphore_mem>>
    %dma_start3A_92 = tpu.memref_squeeze %dma_start3A_91 : memref<1x!tpu.dma_semaphore, #tpu.memory_space<semaphore_mem>> -> memref<!tpu.dma_semaphore, #tpu.memory_space<semaphore_mem>>
    tpu.enqueue_indirect_dma source(%dma_start3A_90 : memref<100352x32xf32, #tpu.memory_space<hbm>>) target(%dma_start3A_84 : memref<104x32xf32, #tpu.memory_space<vmem>>) offsets(%dma_start3A_87 : memref<104xi32, #tpu.memory_space<vmem>>) semaphore(%dma_start3A_92 : memref<!tpu.dma_semaphore, #tpu.memory_space<semaphore_mem>>)
    %dma_start3A_93 = arith.constant 2 : i32
    %dma_start3A_94 = arith.constant 2 : i32
    %dma_start3A_95 = arith.constant 2 : i32
    %dma_start3A_96 = arith.constant 104 : i32
    %dma_start3A_97 = arith.constant 0 : i32
    %dma_start3A_98 = tpu.memref_slice %arg8[%dma_start3A_94, %dma_start3A_96, %dma_start3A_97] : memref<8x200x32xf32, #tpu.memory_space<vmem>> -> memref<1x96x32xf32, #tpu.memory_space<vmem>>
    %dma_start3A_99 = tpu.memref_squeeze %dma_start3A_98 : memref<1x96x32xf32, #tpu.memory_space<vmem>> -> memref<96x32xf32, #tpu.memory_space<vmem>>
    %dma_start3A_100 = arith.constant 104 : i32
    %dma_start3A_101 = tpu.memref_slice %arg6[%dma_start3A_93, %dma_start3A_100] : memref<128x200xi32, #tpu.memory_space<vmem>> -> memref<1x96xi32, #tpu.memory_space<vmem>>
    %dma_start3A_102 = tpu.memref_squeeze %dma_start3A_101 : memref<1x96xi32, #tpu.memory_space<vmem>> -> memref<96xi32, #tpu.memory_space<vmem>>
    %dma_start3A_103 = arith.constant 0 : i32
    %dma_start3A_104 = arith.constant 0 : i32
    %dma_start3A_105 = tpu.memref_slice %arg2[%dma_start3A_103, %dma_start3A_104] : memref<100352x32xf32, #tpu.memory_space<hbm>> -> memref<100352x32xf32, #tpu.memory_space<hbm>>
    %dma_start3A_106 = tpu.memref_slice %arg10[%dma_start3A_95] : memref<8x!tpu.dma_semaphore, #tpu.memory_space<semaphore_mem>> -> memref<1x!tpu.dma_semaphore, #tpu.memory_space<semaphore_mem>>
    %dma_start3A_107 = tpu.memref_squeeze %dma_start3A_106 : memref<1x!tpu.dma_semaphore, #tpu.memory_space<semaphore_mem>> -> memref<!tpu.dma_semaphore, #tpu.memory_space<semaphore_mem>>
    tpu.enqueue_indirect_dma source(%dma_start3A_105 : memref<100352x32xf32, #tpu.memory_space<hbm>>) target(%dma_start3A_99 : memref<96x32xf32, #tpu.memory_space<vmem>>) offsets(%dma_start3A_102 : memref<96xi32, #tpu.memory_space<vmem>>) semaphore(%dma_start3A_107 : memref<!tpu.dma_semaphore, #tpu.memory_space<semaphore_mem>>)
    %dma_start3A_108 = arith.constant 3 : i32
    %dma_start3A_109 = arith.constant 3 : i32
    %dma_start3A_110 = arith.constant 3 : i32
    %dma_start3A_111 = arith.constant 0 : i32
    %dma_start3A_112 = arith.constant 0 : i32
    %dma_start3A_113 = tpu.memref_slice %arg8[%dma_start3A_109, %dma_start3A_111, %dma_start3A_112] : memref<8x200x32xf32, #tpu.memory_space<vmem>> -> memref<1x104x32xf32, #tpu.memory_space<vmem>>
    %dma_start3A_114 = tpu.memref_squeeze %dma_start3A_113 : memref<1x104x32xf32, #tpu.memory_space<vmem>> -> memref<104x32xf32, #tpu.memory_space<vmem>>
    %dma_start3A_115 = arith.constant 0 : i32
    %dma_start3A_116 = tpu.memref_slice %arg6[%dma_start3A_108, %dma_start3A_115] : memref<128x200xi32, #tpu.memory_space<vmem>> -> memref<1x104xi32, #tpu.memory_space<vmem>>
    %dma_start3A_117 = tpu.memref_squeeze %dma_start3A_116 : memref<1x104xi32, #tpu.memory_space<vmem>> -> memref<104xi32, #tpu.memory_space<vmem>>
    %dma_start3A_118 = arith.constant 0 : i32
    %dma_start3A_119 = arith.constant 0 : i32
    %dma_start3A_120 = tpu.memref_slice %arg2[%dma_start3A_118, %dma_start3A_119] : memref<100352x32xf32, #tpu.memory_space<hbm>> -> memref<100352x32xf32, #tpu.memory_space<hbm>>
    %dma_start3A_121 = tpu.memref_slice %arg10[%dma_start3A_110] : memref<8x!tpu.dma_semaphore, #tpu.memory_space<semaphore_mem>> -> memref<1x!tpu.dma_semaphore, #tpu.memory_space<semaphore_mem>>
    %dma_start3A_122 = tpu.memref_squeeze %dma_start3A_121 : memref<1x!tpu.dma_semaphore, #tpu.memory_space<semaphore_mem>> -> memref<!tpu.dma_semaphore, #tpu.memory_space<semaphore_mem>>
    tpu.enqueue_indirect_dma source(%dma_start3A_120 : memref<100352x32xf32, #tpu.memory_space<hbm>>) target(%dma_start3A_114 : memref<104x32xf32, #tpu.memory_space<vmem>>) offsets(%dma_start3A_117 : memref<104xi32, #tpu.memory_space<vmem>>) semaphore(%dma_start3A_122 : memref<!tpu.dma_semaphore, #tpu.memory_space<semaphore_mem>>)
    %dma_start3A_123 = arith.constant 3 : i32
    %dma_start3A_124 = arith.constant 3 : i32
    %dma_start3A_125 = arith.constant 3 : i32
    %dma_start3A_126 = arith.constant 104 : i32
    %dma_start3A_127 = arith.constant 0 : i32
    %dma_start3A_128 = tpu.memref_slice %arg8[%dma_start3A_124, %dma_start3A_126, %dma_start3A_127] : memref<8x200x32xf32, #tpu.memory_space<vmem>> -> memref<1x96x32xf32, #tpu.memory_space<vmem>>
    %dma_start3A_129 = tpu.memref_squeeze %dma_start3A_128 : memref<1x96x32xf32, #tpu.memory_space<vmem>> -> memref<96x32xf32, #tpu.memory_space<vmem>>
    %dma_start3A_130 = arith.constant 104 : i32
    %dma_start3A_131 = tpu.memref_slice %arg6[%dma_start3A_123, %dma_start3A_130] : memref<128x200xi32, #tpu.memory_space<vmem>> -> memref<1x96xi32, #tpu.memory_space<vmem>>
    %dma_start3A_132 = tpu.memref_squeeze %dma_start3A_131 : memref<1x96xi32, #tpu.memory_space<vmem>> -> memref<96xi32, #tpu.memory_space<vmem>>
    %dma_start3A_133 = arith.constant 0 : i32
    %dma_start3A_134 = arith.constant 0 : i32
    %dma_start3A_135 = tpu.memref_slice %arg2[%dma_start3A_133, %dma_start3A_134] : memref<100352x32xf32, #tpu.memory_space<hbm>> -> memref<100352x32xf32, #tpu.memory_space<hbm>>
    %dma_start3A_136 = tpu.memref_slice %arg10[%dma_start3A_125] : memref<8x!tpu.dma_semaphore, #tpu.memory_space<semaphore_mem>> -> memref<1x!tpu.dma_semaphore, #tpu.memory_space<semaphore_mem>>
    %dma_start3A_137 = tpu.memref_squeeze %dma_start3A_136 : memref<1x!tpu.dma_semaphore, #tpu.memory_space<semaphore_mem>> -> memref<!tpu.dma_semaphore, #tpu.memory_space<semaphore_mem>>
    tpu.enqueue_indirect_dma source(%dma_start3A_135 : memref<100352x32xf32, #tpu.memory_space<hbm>>) target(%dma_start3A_129 : memref<96x32xf32, #tpu.memory_space<vmem>>) offsets(%dma_start3A_132 : memref<96xi32, #tpu.memory_space<vmem>>) semaphore(%dma_start3A_137 : memref<!tpu.dma_semaphore, #tpu.memory_space<semaphore_mem>>)
    %dma_start3A_138 = arith.constant 4 : i32
    %dma_start3A_139 = arith.constant 4 : i32
    %dma_start3A_140 = arith.constant 4 : i32
    %dma_start3A_141 = arith.constant 0 : i32
    %dma_start3A_142 = arith.constant 0 : i32
    %dma_start3A_143 = tpu.memref_slice %arg8[%dma_start3A_139, %dma_start3A_141, %dma_start3A_142] : memref<8x200x32xf32, #tpu.memory_space<vmem>> -> memref<1x104x32xf32, #tpu.memory_space<vmem>>
    %dma_start3A_144 = tpu.memref_squeeze %dma_start3A_143 : memref<1x104x32xf32, #tpu.memory_space<vmem>> -> memref<104x32xf32, #tpu.memory_space<vmem>>
    %dma_start3A_145 = arith.constant 0 : i32
    %dma_start3A_146 = tpu.memref_slice %arg6[%dma_start3A_138, %dma_start3A_145] : memref<128x200xi32, #tpu.memory_space<vmem>> -> memref<1x104xi32, #tpu.memory_space<vmem>>
    %dma_start3A_147 = tpu.memref_squeeze %dma_start3A_146 : memref<1x104xi32, #tpu.memory_space<vmem>> -> memref<104xi32, #tpu.memory_space<vmem>>
    %dma_start3A_148 = arith.constant 0 : i32
    %dma_start3A_149 = arith.constant 0 : i32
    %dma_start3A_150 = tpu.memref_slice %arg2[%dma_start3A_148, %dma_start3A_149] : memref<100352x32xf32, #tpu.memory_space<hbm>> -> memref<100352x32xf32, #tpu.memory_space<hbm>>
    %dma_start3A_151 = tpu.memref_slice %arg10[%dma_start3A_140] : memref<8x!tpu.dma_semaphore, #tpu.memory_space<semaphore_mem>> -> memref<1x!tpu.dma_semaphore, #tpu.memory_space<semaphore_mem>>
    %dma_start3A_152 = tpu.memref_squeeze %dma_start3A_151 : memref<1x!tpu.dma_semaphore, #tpu.memory_space<semaphore_mem>> -> memref<!tpu.dma_semaphore, #tpu.memory_space<semaphore_mem>>
    tpu.enqueue_indirect_dma source(%dma_start3A_150 : memref<100352x32xf32, #tpu.memory_space<hbm>>) target(%dma_start3A_144 : memref<104x32xf32, #tpu.memory_space<vmem>>) offsets(%dma_start3A_147 : memref<104xi32, #tpu.memory_space<vmem>>) semaphore(%dma_start3A_152 : memref<!tpu.dma_semaphore, #tpu.memory_space<semaphore_mem>>)
    %dma_start3A_153 = arith.constant 4 : i32
    %dma_start3A_154 = arith.constant 4 : i32
    %dma_start3A_155 = arith.constant 4 : i32
    %dma_start3A_156 = arith.constant 104 : i32
    %dma_start3A_157 = arith.constant 0 : i32
    %dma_start3A_158 = tpu.memref_slice %arg8[%dma_start3A_154, %dma_start3A_156, %dma_start3A_157] : memref<8x200x32xf32, #tpu.memory_space<vmem>> -> memref<1x96x32xf32, #tpu.memory_space<vmem>>
    %dma_start3A_159 = tpu.memref_squeeze %dma_start3A_158 : memref<1x96x32xf32, #tpu.memory_space<vmem>> -> memref<96x32xf32, #tpu.memory_space<vmem>>
    %dma_start3A_160 = arith.constant 104 : i32
    %dma_start3A_161 = tpu.memref_slice %arg6[%dma_start3A_153, %dma_start3A_160] : memref<128x200xi32, #tpu.memory_space<vmem>> -> memref<1x96xi32, #tpu.memory_space<vmem>>
    %dma_start3A_162 = tpu.memref_squeeze %dma_start3A_161 : memref<1x96xi32, #tpu.memory_space<vmem>> -> memref<96xi32, #tpu.memory_space<vmem>>
    %dma_start3A_163 = arith.constant 0 : i32
    %dma_start3A_164 = arith.constant 0 : i32
    %dma_start3A_165 = tpu.memref_slice %arg2[%dma_start3A_163, %dma_start3A_164] : memref<100352x32xf32, #tpu.memory_space<hbm>> -> memref<100352x32xf32, #tpu.memory_space<hbm>>
    %dma_start3A_166 = tpu.memref_slice %arg10[%dma_start3A_155] : memref<8x!tpu.dma_semaphore, #tpu.memory_space<semaphore_mem>> -> memref<1x!tpu.dma_semaphore, #tpu.memory_space<semaphore_mem>>
    %dma_start3A_167 = tpu.memref_squeeze %dma_start3A_166 : memref<1x!tpu.dma_semaphore, #tpu.memory_space<semaphore_mem>> -> memref<!tpu.dma_semaphore, #tpu.memory_space<semaphore_mem>>
    tpu.enqueue_indirect_dma source(%dma_start3A_165 : memref<100352x32xf32, #tpu.memory_space<hbm>>) target(%dma_start3A_159 : memref<96x32xf32, #tpu.memory_space<vmem>>) offsets(%dma_start3A_162 : memref<96xi32, #tpu.memory_space<vmem>>) semaphore(%dma_start3A_167 : memref<!tpu.dma_semaphore, #tpu.memory_space<semaphore_mem>>)
    %dma_start3A_168 = arith.constant 5 : i32
    %dma_start3A_169 = arith.constant 5 : i32
    %dma_start3A_170 = arith.constant 5 : i32
    %dma_start3A_171 = arith.constant 0 : i32
    %dma_start3A_172 = arith.constant 0 : i32
    %dma_start3A_173 = tpu.memref_slice %arg8[%dma_start3A_169, %dma_start3A_171, %dma_start3A_172] : memref<8x200x32xf32, #tpu.memory_space<vmem>> -> memref<1x104x32xf32, #tpu.memory_space<vmem>>
    %dma_start3A_174 = tpu.memref_squeeze %dma_start3A_173 : memref<1x104x32xf32, #tpu.memory_space<vmem>> -> memref<104x32xf32, #tpu.memory_space<vmem>>
    %dma_start3A_175 = arith.constant 0 : i32
    %dma_start3A_176 = tpu.memref_slice %arg6[%dma_start3A_168, %dma_start3A_175] : memref<128x200xi32, #tpu.memory_space<vmem>> -> memref<1x104xi32, #tpu.memory_space<vmem>>
    %dma_start3A_177 = tpu.memref_squeeze %dma_start3A_176 : memref<1x104xi32, #tpu.memory_space<vmem>> -> memref<104xi32, #tpu.memory_space<vmem>>
    %dma_start3A_178 = arith.constant 0 : i32
    %dma_start3A_179 = arith.constant 0 : i32
    %dma_start3A_180 = tpu.memref_slice %arg2[%dma_start3A_178, %dma_start3A_179] : memref<100352x32xf32, #tpu.memory_space<hbm>> -> memref<100352x32xf32, #tpu.memory_space<hbm>>
    %dma_start3A_181 = tpu.memref_slice %arg10[%dma_start3A_170] : memref<8x!tpu.dma_semaphore, #tpu.memory_space<semaphore_mem>> -> memref<1x!tpu.dma_semaphore, #tpu.memory_space<semaphore_mem>>
    %dma_start3A_182 = tpu.memref_squeeze %dma_start3A_181 : memref<1x!tpu.dma_semaphore, #tpu.memory_space<semaphore_mem>> -> memref<!tpu.dma_semaphore, #tpu.memory_space<semaphore_mem>>
    tpu.enqueue_indirect_dma source(%dma_start3A_180 : memref<100352x32xf32, #tpu.memory_space<hbm>>) target(%dma_start3A_174 : memref<104x32xf32, #tpu.memory_space<vmem>>) offsets(%dma_start3A_177 : memref<104xi32, #tpu.memory_space<vmem>>) semaphore(%dma_start3A_182 : memref<!tpu.dma_semaphore, #tpu.memory_space<semaphore_mem>>)
    %dma_start3A_183 = arith.constant 5 : i32
    %dma_start3A_184 = arith.constant 5 : i32
    %dma_start3A_185 = arith.constant 5 : i32
    %dma_start3A_186 = arith.constant 104 : i32
    %dma_start3A_187 = arith.constant 0 : i32
    %dma_start3A_188 = tpu.memref_slice %arg8[%dma_start3A_184, %dma_start3A_186, %dma_start3A_187] : memref<8x200x32xf32, #tpu.memory_space<vmem>> -> memref<1x96x32xf32, #tpu.memory_space<vmem>>
    %dma_start3A_189 = tpu.memref_squeeze %dma_start3A_188 : memref<1x96x32xf32, #tpu.memory_space<vmem>> -> memref<96x32xf32, #tpu.memory_space<vmem>>
    %dma_start3A_190 = arith.constant 104 : i32
    %dma_start3A_191 = tpu.memref_slice %arg6[%dma_start3A_183, %dma_start3A_190] : memref<128x200xi32, #tpu.memory_space<vmem>> -> memref<1x96xi32, #tpu.memory_space<vmem>>
    %dma_start3A_192 = tpu.memref_squeeze %dma_start3A_191 : memref<1x96xi32, #tpu.memory_space<vmem>> -> memref<96xi32, #tpu.memory_space<vmem>>
    %dma_start3A_193 = arith.constant 0 : i32
    %dma_start3A_194 = arith.constant 0 : i32
    %dma_start3A_195 = tpu.memref_slice %arg2[%dma_start3A_193, %dma_start3A_194] : memref<100352x32xf32, #tpu.memory_space<hbm>> -> memref<100352x32xf32, #tpu.memory_space<hbm>>
    %dma_start3A_196 = tpu.memref_slice %arg10[%dma_start3A_185] : memref<8x!tpu.dma_semaphore, #tpu.memory_space<semaphore_mem>> -> memref<1x!tpu.dma_semaphore, #tpu.memory_space<semaphore_mem>>
    %dma_start3A_197 = tpu.memref_squeeze %dma_start3A_196 : memref<1x!tpu.dma_semaphore, #tpu.memory_space<semaphore_mem>> -> memref<!tpu.dma_semaphore, #tpu.memory_space<semaphore_mem>>
    tpu.enqueue_indirect_dma source(%dma_start3A_195 : memref<100352x32xf32, #tpu.memory_space<hbm>>) target(%dma_start3A_189 : memref<96x32xf32, #tpu.memory_space<vmem>>) offsets(%dma_start3A_192 : memref<96xi32, #tpu.memory_space<vmem>>) semaphore(%dma_start3A_197 : memref<!tpu.dma_semaphore, #tpu.memory_space<semaphore_mem>>)
    %dma_start3A_198 = arith.constant 6 : i32
    %dma_start3A_199 = arith.constant 6 : i32
    %dma_start3A_200 = arith.constant 6 : i32
    %dma_start3A_201 = arith.constant 0 : i32
    %dma_start3A_202 = arith.constant 0 : i32
    %dma_start3A_203 = tpu.memref_slice %arg8[%dma_start3A_199, %dma_start3A_201, %dma_start3A_202] : memref<8x200x32xf32, #tpu.memory_space<vmem>> -> memref<1x104x32xf32, #tpu.memory_space<vmem>>
    %dma_start3A_204 = tpu.memref_squeeze %dma_start3A_203 : memref<1x104x32xf32, #tpu.memory_space<vmem>> -> memref<104x32xf32, #tpu.memory_space<vmem>>
    %dma_start3A_205 = arith.constant 0 : i32
    %dma_start3A_206 = tpu.memref_slice %arg6[%dma_start3A_198, %dma_start3A_205] : memref<128x200xi32, #tpu.memory_space<vmem>> -> memref<1x104xi32, #tpu.memory_space<vmem>>
    %dma_start3A_207 = tpu.memref_squeeze %dma_start3A_206 : memref<1x104xi32, #tpu.memory_space<vmem>> -> memref<104xi32, #tpu.memory_space<vmem>>
    %dma_start3A_208 = arith.constant 0 : i32
    %dma_start3A_209 = arith.constant 0 : i32
    %dma_start3A_210 = tpu.memref_slice %arg2[%dma_start3A_208, %dma_start3A_209] : memref<100352x32xf32, #tpu.memory_space<hbm>> -> memref<100352x32xf32, #tpu.memory_space<hbm>>
    %dma_start3A_211 = tpu.memref_slice %arg10[%dma_start3A_200] : memref<8x!tpu.dma_semaphore, #tpu.memory_space<semaphore_mem>> -> memref<1x!tpu.dma_semaphore, #tpu.memory_space<semaphore_mem>>
    %dma_start3A_212 = tpu.memref_squeeze %dma_start3A_211 : memref<1x!tpu.dma_semaphore, #tpu.memory_space<semaphore_mem>> -> memref<!tpu.dma_semaphore, #tpu.memory_space<semaphore_mem>>
    tpu.enqueue_indirect_dma source(%dma_start3A_210 : memref<100352x32xf32, #tpu.memory_space<hbm>>) target(%dma_start3A_204 : memref<104x32xf32, #tpu.memory_space<vmem>>) offsets(%dma_start3A_207 : memref<104xi32, #tpu.memory_space<vmem>>) semaphore(%dma_start3A_212 : memref<!tpu.dma_semaphore, #tpu.memory_space<semaphore_mem>>)
    %dma_start3A_213 = arith.constant 6 : i32
    %dma_start3A_214 = arith.constant 6 : i32
    %dma_start3A_215 = arith.constant 6 : i32
    %dma_start3A_216 = arith.constant 104 : i32
    %dma_start3A_217 = arith.constant 0 : i32
    %dma_start3A_218 = tpu.memref_slice %arg8[%dma_start3A_214, %dma_start3A_216, %dma_start3A_217] : memref<8x200x32xf32, #tpu.memory_space<vmem>> -> memref<1x96x32xf32, #tpu.memory_space<vmem>>
    %dma_start3A_219 = tpu.memref_squeeze %dma_start3A_218 : memref<1x96x32xf32, #tpu.memory_space<vmem>> -> memref<96x32xf32, #tpu.memory_space<vmem>>
    %dma_start3A_220 = arith.constant 104 : i32
    %dma_start3A_221 = tpu.memref_slice %arg6[%dma_start3A_213, %dma_start3A_220] : memref<128x200xi32, #tpu.memory_space<vmem>> -> memref<1x96xi32, #tpu.memory_space<vmem>>
    %dma_start3A_222 = tpu.memref_squeeze %dma_start3A_221 : memref<1x96xi32, #tpu.memory_space<vmem>> -> memref<96xi32, #tpu.memory_space<vmem>>
    %dma_start3A_223 = arith.constant 0 : i32
    %dma_start3A_224 = arith.constant 0 : i32
    %dma_start3A_225 = tpu.memref_slice %arg2[%dma_start3A_223, %dma_start3A_224] : memref<100352x32xf32, #tpu.memory_space<hbm>> -> memref<100352x32xf32, #tpu.memory_space<hbm>>
    %dma_start3A_226 = tpu.memref_slice %arg10[%dma_start3A_215] : memref<8x!tpu.dma_semaphore, #tpu.memory_space<semaphore_mem>> -> memref<1x!tpu.dma_semaphore, #tpu.memory_space<semaphore_mem>>
    %dma_start3A_227 = tpu.memref_squeeze %dma_start3A_226 : memref<1x!tpu.dma_semaphore, #tpu.memory_space<semaphore_mem>> -> memref<!tpu.dma_semaphore, #tpu.memory_space<semaphore_mem>>
    tpu.enqueue_indirect_dma source(%dma_start3A_225 : memref<100352x32xf32, #tpu.memory_space<hbm>>) target(%dma_start3A_219 : memref<96x32xf32, #tpu.memory_space<vmem>>) offsets(%dma_start3A_222 : memref<96xi32, #tpu.memory_space<vmem>>) semaphore(%dma_start3A_227 : memref<!tpu.dma_semaphore, #tpu.memory_space<semaphore_mem>>)
    %dma_start3A_228 = arith.constant 7 : i32
    %dma_start3A_229 = arith.constant 7 : i32
    %dma_start3A_230 = arith.constant 7 : i32
    %dma_start3A_231 = arith.constant 0 : i32
    %dma_start3A_232 = arith.constant 0 : i32
    %dma_start3A_233 = tpu.memref_slice %arg8[%dma_start3A_229, %dma_start3A_231, %dma_start3A_232] : memref<8x200x32xf32, #tpu.memory_space<vmem>> -> memref<1x104x32xf32, #tpu.memory_space<vmem>>
    %dma_start3A_234 = tpu.memref_squeeze %dma_start3A_233 : memref<1x104x32xf32, #tpu.memory_space<vmem>> -> memref<104x32xf32, #tpu.memory_space<vmem>>
    %dma_start3A_235 = arith.constant 0 : i32
    %dma_start3A_236 = tpu.memref_slice %arg6[%dma_start3A_228, %dma_start3A_235] : memref<128x200xi32, #tpu.memory_space<vmem>> -> memref<1x104xi32, #tpu.memory_space<vmem>>
    %dma_start3A_237 = tpu.memref_squeeze %dma_start3A_236 : memref<1x104xi32, #tpu.memory_space<vmem>> -> memref<104xi32, #tpu.memory_space<vmem>>
    %dma_start3A_238 = arith.constant 0 : i32
    %dma_start3A_239 = arith.constant 0 : i32
    %dma_start3A_240 = tpu.memref_slice %arg2[%dma_start3A_238, %dma_start3A_239] : memref<100352x32xf32, #tpu.memory_space<hbm>> -> memref<100352x32xf32, #tpu.memory_space<hbm>>
    %dma_start3A_241 = tpu.memref_slice %arg10[%dma_start3A_230] : memref<8x!tpu.dma_semaphore, #tpu.memory_space<semaphore_mem>> -> memref<1x!tpu.dma_semaphore, #tpu.memory_space<semaphore_mem>>
    %dma_start3A_242 = tpu.memref_squeeze %dma_start3A_241 : memref<1x!tpu.dma_semaphore, #tpu.memory_space<semaphore_mem>> -> memref<!tpu.dma_semaphore, #tpu.memory_space<semaphore_mem>>
    tpu.enqueue_indirect_dma source(%dma_start3A_240 : memref<100352x32xf32, #tpu.memory_space<hbm>>) target(%dma_start3A_234 : memref<104x32xf32, #tpu.memory_space<vmem>>) offsets(%dma_start3A_237 : memref<104xi32, #tpu.memory_space<vmem>>) semaphore(%dma_start3A_242 : memref<!tpu.dma_semaphore, #tpu.memory_space<semaphore_mem>>)
    %dma_start3A_243 = arith.constant 7 : i32
    %dma_start3A_244 = arith.constant 7 : i32
    %dma_start3A_245 = arith.constant 7 : i32
    %dma_start3A_246 = arith.constant 104 : i32
    %dma_start3A_247 = arith.constant 0 : i32
    %dma_start3A_248 = tpu.memref_slice %arg8[%dma_start3A_244, %dma_start3A_246, %dma_start3A_247] : memref<8x200x32xf32, #tpu.memory_space<vmem>> -> memref<1x96x32xf32, #tpu.memory_space<vmem>>
    %dma_start3A_249 = tpu.memref_squeeze %dma_start3A_248 : memref<1x96x32xf32, #tpu.memory_space<vmem>> -> memref<96x32xf32, #tpu.memory_space<vmem>>
    %dma_start3A_250 = arith.constant 104 : i32
    %dma_start3A_251 = tpu.memref_slice %arg6[%dma_start3A_243, %dma_start3A_250] : memref<128x200xi32, #tpu.memory_space<vmem>> -> memref<1x96xi32, #tpu.memory_space<vmem>>
    %dma_start3A_252 = tpu.memref_squeeze %dma_start3A_251 : memref<1x96xi32, #tpu.memory_space<vmem>> -> memref<96xi32, #tpu.memory_space<vmem>>
    %dma_start3A_253 = arith.constant 0 : i32
    %dma_start3A_254 = arith.constant 0 : i32
    %dma_start3A_255 = tpu.memref_slice %arg2[%dma_start3A_253, %dma_start3A_254] : memref<100352x32xf32, #tpu.memory_space<hbm>> -> memref<100352x32xf32, #tpu.memory_space<hbm>>
    %dma_start3A_256 = tpu.memref_slice %arg10[%dma_start3A_245] : memref<8x!tpu.dma_semaphore, #tpu.memory_space<semaphore_mem>> -> memref<1x!tpu.dma_semaphore, #tpu.memory_space<semaphore_mem>>
    %dma_start3A_257 = tpu.memref_squeeze %dma_start3A_256 : memref<1x!tpu.dma_semaphore, #tpu.memory_space<semaphore_mem>> -> memref<!tpu.dma_semaphore, #tpu.memory_space<semaphore_mem>>
    tpu.enqueue_indirect_dma source(%dma_start3A_255 : memref<100352x32xf32, #tpu.memory_space<hbm>>) target(%dma_start3A_249 : memref<96x32xf32, #tpu.memory_space<vmem>>) offsets(%dma_start3A_252 : memref<96xi32, #tpu.memory_space<vmem>>) semaphore(%dma_start3A_257 : memref<!tpu.dma_semaphore, #tpu.memory_space<semaphore_mem>>)
    %broadcast_in_dim3A = arith.constant 0.000000e+00 : f32
    %broadcast_in_dim3A_258 = vector.broadcast %broadcast_in_dim3A : f32 to vector<16xf32>
    %scan3A = arith.constant 0 : i32
    %scan3A_259 = arith.constant 0 : i32
    %scan3A_260 = arith.constant 16 : i32
    %scan3A_261 = arith.addi %scan3A_259, %scan3A_260 : i32
    %scan3A_262 = arith.constant 1 : i32
    scf.for %scan3A_266 = %scan3A_259 to %scan3A_261 step %scan3A_262  : i32 {
      %mul3A_267 = arith.constant 8 : i32
      %mul3A_268 = arith.muli %scan3A_266, %mul3A_267 : i32
      %add3A_269 = arith.constant 0 : i32
      %add3A_270 = arith.addi %mul3A_268, %add3A_269 : i32
      %dma_wait3A_271 = arith.constant 0 : i32
      %dma_wait3A_272 = arith.constant 0 : i32
      %dma_wait3A_273 = arith.constant 0 : i32
      %dma_wait3A_274 = arith.constant 0 : i32
      %dma_wait3A_275 = tpu.memref_slice %arg8[%dma_wait3A_271, %dma_wait3A_273, %dma_wait3A_274] : memref<8x200x32xf32, #tpu.memory_space<vmem>> -> memref<1x104x32xf32, #tpu.memory_space<vmem>>
      %dma_wait3A_276 = tpu.memref_squeeze %dma_wait3A_275 : memref<1x104x32xf32, #tpu.memory_space<vmem>> -> memref<104x32xf32, #tpu.memory_space<vmem>>
      %dma_wait3A_277 = arith.constant 0 : i32
      %dma_wait3A_278 = tpu.memref_slice %arg6[%add3A_270, %dma_wait3A_277] : memref<128x200xi32, #tpu.memory_space<vmem>> -> memref<1x104xi32, #tpu.memory_space<vmem>>
      %dma_wait3A_279 = tpu.memref_squeeze %dma_wait3A_278 : memref<1x104xi32, #tpu.memory_space<vmem>> -> memref<104xi32, #tpu.memory_space<vmem>>
      %dma_wait3A_280 = arith.constant 0 : i32
      %dma_wait3A_281 = arith.constant 0 : i32
      %dma_wait3A_282 = tpu.memref_slice %arg2[%dma_wait3A_280, %dma_wait3A_281] : memref<100352x32xf32, #tpu.memory_space<hbm>> -> memref<100352x32xf32, #tpu.memory_space<hbm>>
      %dma_wait3A_283 = tpu.memref_slice %arg10[%dma_wait3A_272] : memref<8x!tpu.dma_semaphore, #tpu.memory_space<semaphore_mem>> -> memref<1x!tpu.dma_semaphore, #tpu.memory_space<semaphore_mem>>
      %dma_wait3A_284 = tpu.memref_squeeze %dma_wait3A_283 : memref<1x!tpu.dma_semaphore, #tpu.memory_space<semaphore_mem>> -> memref<!tpu.dma_semaphore, #tpu.memory_space<semaphore_mem>>
      tpu.wait_indirect_dma semaphore(%dma_wait3A_284 : memref<!tpu.dma_semaphore, #tpu.memory_space<semaphore_mem>>) src(%dma_wait3A_282 : memref<100352x32xf32, #tpu.memory_space<hbm>>) dst(%dma_wait3A_276 : memref<104x32xf32, #tpu.memory_space<vmem>>)
      %dma_wait3A_285 = arith.constant 0 : i32
      %dma_wait3A_286 = arith.constant 0 : i32
      %dma_wait3A_287 = arith.constant 104 : i32
      %dma_wait3A_288 = arith.constant 0 : i32
      %dma_wait3A_289 = tpu.memref_slice %arg8[%dma_wait3A_285, %dma_wait3A_287, %dma_wait3A_288] : memref<8x200x32xf32, #tpu.memory_space<vmem>> -> memref<1x96x32xf32, #tpu.memory_space<vmem>>
      %dma_wait3A_290 = tpu.memref_squeeze %dma_wait3A_289 : memref<1x96x32xf32, #tpu.memory_space<vmem>> -> memref<96x32xf32, #tpu.memory_space<vmem>>
      %dma_wait3A_291 = arith.constant 104 : i32
      %dma_wait3A_292 = tpu.memref_slice %arg6[%add3A_270, %dma_wait3A_291] : memref<128x200xi32, #tpu.memory_space<vmem>> -> memref<1x96xi32, #tpu.memory_space<vmem>>
      %dma_wait3A_293 = tpu.memref_squeeze %dma_wait3A_292 : memref<1x96xi32, #tpu.memory_space<vmem>> -> memref<96xi32, #tpu.memory_space<vmem>>
      %dma_wait3A_294 = arith.constant 0 : i32
      %dma_wait3A_295 = arith.constant 0 : i32
      %dma_wait3A_296 = tpu.memref_slice %arg2[%dma_wait3A_294, %dma_wait3A_295] : memref<100352x32xf32, #tpu.memory_space<hbm>> -> memref<100352x32xf32, #tpu.memory_space<hbm>>
      %dma_wait3A_297 = tpu.memref_slice %arg10[%dma_wait3A_286] : memref<8x!tpu.dma_semaphore, #tpu.memory_space<semaphore_mem>> -> memref<1x!tpu.dma_semaphore, #tpu.memory_space<semaphore_mem>>
      %dma_wait3A_298 = tpu.memref_squeeze %dma_wait3A_297 : memref<1x!tpu.dma_semaphore, #tpu.memory_space<semaphore_mem>> -> memref<!tpu.dma_semaphore, #tpu.memory_space<semaphore_mem>>
      tpu.wait_indirect_dma semaphore(%dma_wait3A_298 : memref<!tpu.dma_semaphore, #tpu.memory_space<semaphore_mem>>) src(%dma_wait3A_296 : memref<100352x32xf32, #tpu.memory_space<hbm>>) dst(%dma_wait3A_290 : memref<96x32xf32, #tpu.memory_space<vmem>>)
      %scan3A_299 = arith.constant 0 : i32
      %scan3A_300 = arith.constant 25 : i32
      %scan3A_301 = arith.addi %scan3A_299, %scan3A_300 : i32
      %scan3A_302 = arith.constant 1 : i32
      %scan3A_303:4 = scf.for %scan3A_873 = %scan3A_299 to %scan3A_301 step %scan3A_302 iter_args(%scan3A_874 = %get3A_15, %scan3A_875 = %get3A_17, %scan3A_876 = %broadcast_in_dim3A_258, %scan3A_877 = %broadcast_in_dim3A_258) -> (vector<16xf32>, vector<16xf32>, vector<16xf32>, vector<16xf32>)  : i32 {
        %mul3A_878 = arith.constant 8 : i32
        %mul3A_879 = arith.muli %scan3A_873, %mul3A_878 : i32
        %add3A_880 = arith.constant 0 : i32
        %add3A_881 = arith.addi %mul3A_879, %add3A_880 : i32
        %get3A_882 = arith.constant 0 : i32
        %get3A_883 = arith.index_cast %get3A_882 : i32 to index
        %get3A_884 = arith.index_cast %add3A_881 : i32 to index
        %get3A_885 = arith.constant 0 : index
        %get3A_886 = tpu.vector_load %arg8[%get3A_883, %get3A_884, %get3A_885] {strides = array<i32>} : memref<8x200x32xf32, #tpu.memory_space<vmem>>, vector<16xf32>,
        %get3A_887 = arith.constant 0 : i32
        %get3A_888 = arith.index_cast %get3A_887 : i32 to index
        %get3A_889 = arith.index_cast %add3A_881 : i32 to index
        %get3A_890 = arith.constant 16 : index
        %get3A_891 = tpu.vector_load %arg8[%get3A_888, %get3A_889, %get3A_890] {strides = array<i32>} : memref<8x200x32xf32, #tpu.memory_space<vmem>>, vector<16xf32>,
        %add3A_892 = arith.addf %scan3A_874, %get3A_886 : vector<16xf32>
        %add3A_893 = arith.addf %scan3A_875, %get3A_891 : vector<16xf32>
        %mul3A_894 = arith.constant 8 : i32
        %mul3A_895 = arith.muli %scan3A_873, %mul3A_894 : i32
        %add3A_896 = arith.constant 1 : i32
        %add3A_897 = arith.addi %mul3A_895, %add3A_896 : i32
        %get3A_898 = arith.constant 0 : i32
        %get3A_899 = arith.index_cast %get3A_898 : i32 to index
        %get3A_900 = arith.index_cast %add3A_897 : i32 to index
        %get3A_901 = arith.constant 0 : index
        %get3A_902 = tpu.vector_load %arg8[%get3A_899, %get3A_900, %get3A_901] {strides = array<i32>} : memref<8x200x32xf32, #tpu.memory_space<vmem>>, vector<16xf32>,
        %get3A_903 = arith.constant 0 : i32
        %get3A_904 = arith.index_cast %get3A_903 : i32 to index
        %get3A_905 = arith.index_cast %add3A_897 : i32 to index
        %get3A_906 = arith.constant 16 : index
        %get3A_907 = tpu.vector_load %arg8[%get3A_904, %get3A_905, %get3A_906] {strides = array<i32>} : memref<8x200x32xf32, #tpu.memory_space<vmem>>, vector<16xf32>,
        %add3A_908 = arith.addf %scan3A_876, %get3A_902 : vector<16xf32>
        %add3A_909 = arith.addf %scan3A_877, %get3A_907 : vector<16xf32>
        %mul3A_910 = arith.constant 8 : i32
        %mul3A_911 = arith.muli %scan3A_873, %mul3A_910 : i32
        %add3A_912 = arith.constant 2 : i32
        %add3A_913 = arith.addi %mul3A_911, %add3A_912 : i32
        %get3A_914 = arith.constant 0 : i32
        %get3A_915 = arith.index_cast %get3A_914 : i32 to index
        %get3A_916 = arith.index_cast %add3A_913 : i32 to index
        %get3A_917 = arith.constant 0 : index
        %get3A_918 = tpu.vector_load %arg8[%get3A_915, %get3A_916, %get3A_917] {strides = array<i32>} : memref<8x200x32xf32, #tpu.memory_space<vmem>>, vector<16xf32>,
        %get3A_919 = arith.constant 0 : i32
        %get3A_920 = arith.index_cast %get3A_919 : i32 to index
        %get3A_921 = arith.index_cast %add3A_913 : i32 to index
        %get3A_922 = arith.constant 16 : index
        %get3A_923 = tpu.vector_load %arg8[%get3A_920, %get3A_921, %get3A_922] {strides = array<i32>} : memref<8x200x32xf32, #tpu.memory_space<vmem>>, vector<16xf32>,
        %add3A_924 = arith.addf %add3A_892, %get3A_918 : vector<16xf32>
        %add3A_925 = arith.addf %add3A_893, %get3A_923 : vector<16xf32>
        %mul3A_926 = arith.constant 8 : i32
        %mul3A_927 = arith.muli %scan3A_873, %mul3A_926 : i32
        %add3A_928 = arith.constant 3 : i32
        %add3A_929 = arith.addi %mul3A_927, %add3A_928 : i32
        %get3A_930 = arith.constant 0 : i32
        %get3A_931 = arith.index_cast %get3A_930 : i32 to index
        %get3A_932 = arith.index_cast %add3A_929 : i32 to index
        %get3A_933 = arith.constant 0 : index
        %get3A_934 = tpu.vector_load %arg8[%get3A_931, %get3A_932, %get3A_933] {strides = array<i32>} : memref<8x200x32xf32, #tpu.memory_space<vmem>>, vector<16xf32>,
        %get3A_935 = arith.constant 0 : i32
        %get3A_936 = arith.index_cast %get3A_935 : i32 to index
        %get3A_937 = arith.index_cast %add3A_929 : i32 to index
        %get3A_938 = arith.constant 16 : index
        %get3A_939 = tpu.vector_load %arg8[%get3A_936, %get3A_937, %get3A_938] {strides = array<i32>} : memref<8x200x32xf32, #tpu.memory_space<vmem>>, vector<16xf32>,
        %add3A_940 = arith.addf %add3A_908, %get3A_934 : vector<16xf32>
        %add3A_941 = arith.addf %add3A_909, %get3A_939 : vector<16xf32>
        %mul3A_942 = arith.constant 8 : i32
        %mul3A_943 = arith.muli %scan3A_873, %mul3A_942 : i32
        %add3A_944 = arith.constant 4 : i32
        %add3A_945 = arith.addi %mul3A_943, %add3A_944 : i32
        %get3A_946 = arith.constant 0 : i32
        %get3A_947 = arith.index_cast %get3A_946 : i32 to index
        %get3A_948 = arith.index_cast %add3A_945 : i32 to index
        %get3A_949 = arith.constant 0 : index
        %get3A_950 = tpu.vector_load %arg8[%get3A_947, %get3A_948, %get3A_949] {strides = array<i32>} : memref<8x200x32xf32, #tpu.memory_space<vmem>>, vector<16xf32>,
        %get3A_951 = arith.constant 0 : i32
        %get3A_952 = arith.index_cast %get3A_951 : i32 to index
        %get3A_953 = arith.index_cast %add3A_945 : i32 to index
        %get3A_954 = arith.constant 16 : index
        %get3A_955 = tpu.vector_load %arg8[%get3A_952, %get3A_953, %get3A_954] {strides = array<i32>} : memref<8x200x32xf32, #tpu.memory_space<vmem>>, vector<16xf32>,
        %add3A_956 = arith.addf %add3A_924, %get3A_950 : vector<16xf32>
        %add3A_957 = arith.addf %add3A_925, %get3A_955 : vector<16xf32>
        %mul3A_958 = arith.constant 8 : i32
        %mul3A_959 = arith.muli %scan3A_873, %mul3A_958 : i32
        %add3A_960 = arith.constant 5 : i32
        %add3A_961 = arith.addi %mul3A_959, %add3A_960 : i32
        %get3A_962 = arith.constant 0 : i32
        %get3A_963 = arith.index_cast %get3A_962 : i32 to index
        %get3A_964 = arith.index_cast %add3A_961 : i32 to index
        %get3A_965 = arith.constant 0 : index
        %get3A_966 = tpu.vector_load %arg8[%get3A_963, %get3A_964, %get3A_965] {strides = array<i32>} : memref<8x200x32xf32, #tpu.memory_space<vmem>>, vector<16xf32>,
        %get3A_967 = arith.constant 0 : i32
        %get3A_968 = arith.index_cast %get3A_967 : i32 to index
        %get3A_969 = arith.index_cast %add3A_961 : i32 to index
        %get3A_970 = arith.constant 16 : index
        %get3A_971 = tpu.vector_load %arg8[%get3A_968, %get3A_969, %get3A_970] {strides = array<i32>} : memref<8x200x32xf32, #tpu.memory_space<vmem>>, vector<16xf32>,
        %add3A_972 = arith.addf %add3A_940, %get3A_966 : vector<16xf32>
        %add3A_973 = arith.addf %add3A_941, %get3A_971 : vector<16xf32>
        %mul3A_974 = arith.constant 8 : i32
        %mul3A_975 = arith.muli %scan3A_873, %mul3A_974 : i32
        %add3A_976 = arith.constant 6 : i32
        %add3A_977 = arith.addi %mul3A_975, %add3A_976 : i32
        %get3A_978 = arith.constant 0 : i32
        %get3A_979 = arith.index_cast %get3A_978 : i32 to index
        %get3A_980 = arith.index_cast %add3A_977 : i32 to index
        %get3A_981 = arith.constant 0 : index
        %get3A_982 = tpu.vector_load %arg8[%get3A_979, %get3A_980, %get3A_981] {strides = array<i32>} : memref<8x200x32xf32, #tpu.memory_space<vmem>>, vector<16xf32>,
        %get3A_983 = arith.constant 0 : i32
        %get3A_984 = arith.index_cast %get3A_983 : i32 to index
        %get3A_985 = arith.index_cast %add3A_977 : i32 to index
        %get3A_986 = arith.constant 16 : index
        %get3A_987 = tpu.vector_load %arg8[%get3A_984, %get3A_985, %get3A_986] {strides = array<i32>} : memref<8x200x32xf32, #tpu.memory_space<vmem>>, vector<16xf32>,
        %add3A_988 = arith.addf %add3A_956, %get3A_982 : vector<16xf32>
        %add3A_989 = arith.addf %add3A_957, %get3A_987 : vector<16xf32>
        %mul3A_990 = arith.constant 8 : i32
        %mul3A_991 = arith.muli %scan3A_873, %mul3A_990 : i32
        %add3A_992 = arith.constant 7 : i32
        %add3A_993 = arith.addi %mul3A_991, %add3A_992 : i32
        %get3A_994 = arith.constant 0 : i32
        %get3A_995 = arith.index_cast %get3A_994 : i32 to index
        %get3A_996 = arith.index_cast %add3A_993 : i32 to index
        %get3A_997 = arith.constant 0 : index
        %get3A_998 = tpu.vector_load %arg8[%get3A_995, %get3A_996, %get3A_997] {strides = array<i32>} : memref<8x200x32xf32, #tpu.memory_space<vmem>>, vector<16xf32>,
        %get3A_999 = arith.constant 0 : i32
        %get3A_1000 = arith.index_cast %get3A_999 : i32 to index
        %get3A_1001 = arith.index_cast %add3A_993 : i32 to index
        %get3A_1002 = arith.constant 16 : index
        %get3A_1003 = tpu.vector_load %arg8[%get3A_1000, %get3A_1001, %get3A_1002] {strides = array<i32>} : memref<8x200x32xf32, #tpu.memory_space<vmem>>, vector<16xf32>,
        %add3A_1004 = arith.addf %add3A_972, %get3A_998 : vector<16xf32>
        %add3A_1005 = arith.addf %add3A_973, %get3A_1003 : vector<16xf32>
        scf.yield %add3A_988, %add3A_989, %add3A_1004, %add3A_1005 : vector<16xf32>, vector<16xf32>, vector<16xf32>, vector<16xf32>
      }
      %scan3A_304 = arith.constant 25 : i32
      %add3A_305 = arith.addf %scan3A_303#0, %scan3A_303#2 : vector<16xf32>
      %add3A_306 = arith.addf %scan3A_303#1, %scan3A_303#3 : vector<16xf32>
      %reduce_max3A = arith.constant true
      %reduce_max3A_307 = vector.broadcast %reduce_max3A : i1 to vector<16xi1>
      %reduce_max3A_308 = tpu.scan <max>, %add3A_305 masked %reduce_max3A_307 : vector<16xf32>, vector<16xi1> -> vector<16xf32>
      %reduce_max3A_309 = vector.extract %reduce_max3A_308[15] : f32 from vector<16xf32>
      %reduce_max3A_310 = arith.constant true
      %reduce_max3A_311 = vector.broadcast %reduce_max3A_310 : i1 to vector<16xi1>
      %reduce_max3A_312 = tpu.scan <max>, %add3A_306 masked %reduce_max3A_311 : vector<16xf32>, vector<16xi1> -> vector<16xf32>
      %reduce_max3A_313 = vector.extract %reduce_max3A_312[15] : f32 from vector<16xf32>
      %max3A = arith.maximumf %reduce_max3A_309, %reduce_max3A_313 : f32
      %broadcast_in_dim3A_314 = vector.broadcast %max3A : f32 to vector<16xf32>
      %sub3A = arith.subf %add3A_305, %broadcast_in_dim3A_314 : vector<16xf32>
      %exp3A = math.exp %sub3A : vector<16xf32>
      %sub3A_315 = arith.subf %add3A_306, %broadcast_in_dim3A_314 : vector<16xf32>
      %exp3A_316 = math.exp %sub3A_315 : vector<16xf32>
      %reduce_sum3A = arith.constant true
      %reduce_sum3A_317 = vector.broadcast %reduce_sum3A : i1 to vector<16xi1>
      %reduce_sum3A_318 = tpu.scan <sum>, %exp3A masked %reduce_sum3A_317 : vector<16xf32>, vector<16xi1> -> vector<16xf32>
      %reduce_sum3A_319 = vector.extract %reduce_sum3A_318[15] : f32 from vector<16xf32>
      %reduce_sum3A_320 = arith.constant true
      %reduce_sum3A_321 = vector.broadcast %reduce_sum3A_320 : i1 to vector<16xi1>
      %reduce_sum3A_322 = tpu.scan <sum>, %exp3A_316 masked %reduce_sum3A_321 : vector<16xf32>, vector<16xi1> -> vector<16xf32>
      %reduce_sum3A_323 = vector.extract %reduce_sum3A_322[15] : f32 from vector<16xf32>
      %add3A_324 = arith.addf %reduce_sum3A_319, %reduce_sum3A_323 : f32
      %broadcast_in_dim3A_325 = vector.broadcast %add3A_324 : f32 to vector<16xf32>
      %div3A = arith.divf %exp3A, %broadcast_in_dim3A_325 : vector<16xf32>
      %swap3A = arith.index_cast %add3A_270 : i32 to index
      %swap3A_326 = arith.constant 0 : index
      %swap3A_327 = tpu.vector_load %arg9[%swap3A, %swap3A_326] {strides = array<i32>} : memref<128x32xf32, #tpu.memory_space<vmem>>, vector<16xf32>,
      tpu.vector_store %arg9[%swap3A, %swap3A_326], %div3A {strides = array<i32>} : memref<128x32xf32, #tpu.memory_space<vmem>>, vector<16xf32>,
      %div3A_328 = arith.divf %exp3A_316, %broadcast_in_dim3A_325 : vector<16xf32>
      %swap3A_329 = arith.index_cast %add3A_270 : i32 to index
      %swap3A_330 = arith.constant 16 : index
      %swap3A_331 = tpu.vector_load %arg9[%swap3A_329, %swap3A_330] {strides = array<i32>} : memref<128x32xf32, #tpu.memory_space<vmem>>, vector<16xf32>,
      tpu.vector_store %arg9[%swap3A_329, %swap3A_330], %div3A_328 {strides = array<i32>} : memref<128x32xf32, #tpu.memory_space<vmem>>, vector<16xf32>,
      %lt3A = arith.constant 15 : i32
      %lt3A_332 = arith.cmpi slt, %scan3A_266, %lt3A : i32
      %convert_element_type3A = arith.extui %lt3A_332 : i1 to i32
      %cond3A = arith.constant 0 : i32
      %cond3A_333 = arith.cmpi ne, %convert_element_type3A, %cond3A : i32
      scf.if %cond3A_333 {
        %add3A_873 = arith.constant 8 : i32
        %add3A_874 = arith.addi %add3A_270, %add3A_873 : i32
        %dma_start3A_875 = arith.constant 0 : i32
        %dma_start3A_876 = arith.constant 0 : i32
        %dma_start3A_877 = arith.constant 0 : i32
        %dma_start3A_878 = arith.constant 0 : i32
        %dma_start3A_879 = tpu.memref_slice %arg8[%dma_start3A_875, %dma_start3A_877, %dma_start3A_878] : memref<8x200x32xf32, #tpu.memory_space<vmem>> -> memref<1x104x32xf32, #tpu.memory_space<vmem>>
        %dma_start3A_880 = tpu.memref_squeeze %dma_start3A_879 : memref<1x104x32xf32, #tpu.memory_space<vmem>> -> memref<104x32xf32, #tpu.memory_space<vmem>>
        %dma_start3A_881 = arith.constant 0 : i32
        %dma_start3A_882 = tpu.memref_slice %arg6[%add3A_874, %dma_start3A_881] : memref<128x200xi32, #tpu.memory_space<vmem>> -> memref<1x104xi32, #tpu.memory_space<vmem>>
        %dma_start3A_883 = tpu.memref_squeeze %dma_start3A_882 : memref<1x104xi32, #tpu.memory_space<vmem>> -> memref<104xi32, #tpu.memory_space<vmem>>
        %dma_start3A_884 = arith.constant 0 : i32
        %dma_start3A_885 = arith.constant 0 : i32
        %dma_start3A_886 = tpu.memref_slice %arg2[%dma_start3A_884, %dma_start3A_885] : memref<100352x32xf32, #tpu.memory_space<hbm>> -> memref<100352x32xf32, #tpu.memory_space<hbm>>
        %dma_start3A_887 = tpu.memref_slice %arg10[%dma_start3A_876] : memref<8x!tpu.dma_semaphore, #tpu.memory_space<semaphore_mem>> -> memref<1x!tpu.dma_semaphore, #tpu.memory_space<semaphore_mem>>
        %dma_start3A_888 = tpu.memref_squeeze %dma_start3A_887 : memref<1x!tpu.dma_semaphore, #tpu.memory_space<semaphore_mem>> -> memref<!tpu.dma_semaphore, #tpu.memory_space<semaphore_mem>>
        tpu.enqueue_indirect_dma source(%dma_start3A_886 : memref<100352x32xf32, #tpu.memory_space<hbm>>) target(%dma_start3A_880 : memref<104x32xf32, #tpu.memory_space<vmem>>) offsets(%dma_start3A_883 : memref<104xi32, #tpu.memory_space<vmem>>) semaphore(%dma_start3A_888 : memref<!tpu.dma_semaphore, #tpu.memory_space<semaphore_mem>>)
        %dma_start3A_889 = arith.constant 0 : i32
        %dma_start3A_890 = arith.constant 0 : i32
        %dma_start3A_891 = arith.constant 104 : i32
        %dma_start3A_892 = arith.constant 0 : i32
        %dma_start3A_893 = tpu.memref_slice %arg8[%dma_start3A_889, %dma_start3A_891, %dma_start3A_892] : memref<8x200x32xf32, #tpu.memory_space<vmem>> -> memref<1x96x32xf32, #tpu.memory_space<vmem>>
        %dma_start3A_894 = tpu.memref_squeeze %dma_start3A_893 : memref<1x96x32xf32, #tpu.memory_space<vmem>> -> memref<96x32xf32, #tpu.memory_space<vmem>>
        %dma_start3A_895 = arith.constant 104 : i32
        %dma_start3A_896 = tpu.memref_slice %arg6[%add3A_874, %dma_start3A_895] : memref<128x200xi32, #tpu.memory_space<vmem>> -> memref<1x96xi32, #tpu.memory_space<vmem>>
        %dma_start3A_897 = tpu.memref_squeeze %dma_start3A_896 : memref<1x96xi32, #tpu.memory_space<vmem>> -> memref<96xi32, #tpu.memory_space<vmem>>
        %dma_start3A_898 = arith.constant 0 : i32
        %dma_start3A_899 = arith.constant 0 : i32
        %dma_start3A_900 = tpu.memref_slice %arg2[%dma_start3A_898, %dma_start3A_899] : memref<100352x32xf32, #tpu.memory_space<hbm>> -> memref<100352x32xf32, #tpu.memory_space<hbm>>
        %dma_start3A_901 = tpu.memref_slice %arg10[%dma_start3A_890] : memref<8x!tpu.dma_semaphore, #tpu.memory_space<semaphore_mem>> -> memref<1x!tpu.dma_semaphore, #tpu.memory_space<semaphore_mem>>
        %dma_start3A_902 = tpu.memref_squeeze %dma_start3A_901 : memref<1x!tpu.dma_semaphore, #tpu.memory_space<semaphore_mem>> -> memref<!tpu.dma_semaphore, #tpu.memory_space<semaphore_mem>>
        tpu.enqueue_indirect_dma source(%dma_start3A_900 : memref<100352x32xf32, #tpu.memory_space<hbm>>) target(%dma_start3A_894 : memref<96x32xf32, #tpu.memory_space<vmem>>) offsets(%dma_start3A_897 : memref<96xi32, #tpu.memory_space<vmem>>) semaphore(%dma_start3A_902 : memref<!tpu.dma_semaphore, #tpu.memory_space<semaphore_mem>>)
      } else {
      }
      %mul3A_334 = arith.constant 8 : i32
      %mul3A_335 = arith.muli %scan3A_266, %mul3A_334 : i32
      %add3A_336 = arith.constant 1 : i32
      %add3A_337 = arith.addi %mul3A_335, %add3A_336 : i32
      %dma_wait3A_338 = arith.constant 1 : i32
      %dma_wait3A_339 = arith.constant 1 : i32
      %dma_wait3A_340 = arith.constant 0 : i32
      %dma_wait3A_341 = arith.constant 0 : i32
      %dma_wait3A_342 = tpu.memref_slice %arg8[%dma_wait3A_338, %dma_wait3A_340, %dma_wait3A_341] : memref<8x200x32xf32, #tpu.memory_space<vmem>> -> memref<1x104x32xf32, #tpu.memory_space<vmem>>
      %dma_wait3A_343 = tpu.memref_squeeze %dma_wait3A_342 : memref<1x104x32xf32, #tpu.memory_space<vmem>> -> memref<104x32xf32, #tpu.memory_space<vmem>>
      %dma_wait3A_344 = arith.constant 0 : i32
      %dma_wait3A_345 = tpu.memref_slice %arg6[%add3A_337, %dma_wait3A_344] : memref<128x200xi32, #tpu.memory_space<vmem>> -> memref<1x104xi32, #tpu.memory_space<vmem>>
      %dma_wait3A_346 = tpu.memref_squeeze %dma_wait3A_345 : memref<1x104xi32, #tpu.memory_space<vmem>> -> memref<104xi32, #tpu.memory_space<vmem>>
      %dma_wait3A_347 = arith.constant 0 : i32
      %dma_wait3A_348 = arith.constant 0 : i32
      %dma_wait3A_349 = tpu.memref_slice %arg2[%dma_wait3A_347, %dma_wait3A_348] : memref<100352x32xf32, #tpu.memory_space<hbm>> -> memref<100352x32xf32, #tpu.memory_space<hbm>>
      %dma_wait3A_350 = tpu.memref_slice %arg10[%dma_wait3A_339] : memref<8x!tpu.dma_semaphore, #tpu.memory_space<semaphore_mem>> -> memref<1x!tpu.dma_semaphore, #tpu.memory_space<semaphore_mem>>
      %dma_wait3A_351 = tpu.memref_squeeze %dma_wait3A_350 : memref<1x!tpu.dma_semaphore, #tpu.memory_space<semaphore_mem>> -> memref<!tpu.dma_semaphore, #tpu.memory_space<semaphore_mem>>
      tpu.wait_indirect_dma semaphore(%dma_wait3A_351 : memref<!tpu.dma_semaphore, #tpu.memory_space<semaphore_mem>>) src(%dma_wait3A_349 : memref<100352x32xf32, #tpu.memory_space<hbm>>) dst(%dma_wait3A_343 : memref<104x32xf32, #tpu.memory_space<vmem>>)
      %dma_wait3A_352 = arith.constant 1 : i32
      %dma_wait3A_353 = arith.constant 1 : i32
      %dma_wait3A_354 = arith.constant 104 : i32
      %dma_wait3A_355 = arith.constant 0 : i32
      %dma_wait3A_356 = tpu.memref_slice %arg8[%dma_wait3A_352, %dma_wait3A_354, %dma_wait3A_355] : memref<8x200x32xf32, #tpu.memory_space<vmem>> -> memref<1x96x32xf32, #tpu.memory_space<vmem>>
      %dma_wait3A_357 = tpu.memref_squeeze %dma_wait3A_356 : memref<1x96x32xf32, #tpu.memory_space<vmem>> -> memref<96x32xf32, #tpu.memory_space<vmem>>
      %dma_wait3A_358 = arith.constant 104 : i32
      %dma_wait3A_359 = tpu.memref_slice %arg6[%add3A_337, %dma_wait3A_358] : memref<128x200xi32, #tpu.memory_space<vmem>> -> memref<1x96xi32, #tpu.memory_space<vmem>>
      %dma_wait3A_360 = tpu.memref_squeeze %dma_wait3A_359 : memref<1x96xi32, #tpu.memory_space<vmem>> -> memref<96xi32, #tpu.memory_space<vmem>>
      %dma_wait3A_361 = arith.constant 0 : i32
      %dma_wait3A_362 = arith.constant 0 : i32
      %dma_wait3A_363 = tpu.memref_slice %arg2[%dma_wait3A_361, %dma_wait3A_362] : memref<100352x32xf32, #tpu.memory_space<hbm>> -> memref<100352x32xf32, #tpu.memory_space<hbm>>
      %dma_wait3A_364 = tpu.memref_slice %arg10[%dma_wait3A_353] : memref<8x!tpu.dma_semaphore, #tpu.memory_space<semaphore_mem>> -> memref<1x!tpu.dma_semaphore, #tpu.memory_space<semaphore_mem>>
      %dma_wait3A_365 = tpu.memref_squeeze %dma_wait3A_364 : memref<1x!tpu.dma_semaphore, #tpu.memory_space<semaphore_mem>> -> memref<!tpu.dma_semaphore, #tpu.memory_space<semaphore_mem>>
      tpu.wait_indirect_dma semaphore(%dma_wait3A_365 : memref<!tpu.dma_semaphore, #tpu.memory_space<semaphore_mem>>) src(%dma_wait3A_363 : memref<100352x32xf32, #tpu.memory_space<hbm>>) dst(%dma_wait3A_357 : memref<96x32xf32, #tpu.memory_space<vmem>>)
      %scan3A_366 = arith.constant 0 : i32
      %scan3A_367 = arith.constant 25 : i32
      %scan3A_368 = arith.addi %scan3A_366, %scan3A_367 : i32
      %scan3A_369 = arith.constant 1 : i32
      %scan3A_370:4 = scf.for %scan3A_873 = %scan3A_366 to %scan3A_368 step %scan3A_369 iter_args(%scan3A_874 = %get3A_15, %scan3A_875 = %get3A_17, %scan3A_876 = %broadcast_in_dim3A_258, %scan3A_877 = %broadcast_in_dim3A_258) -> (vector<16xf32>, vector<16xf32>, vector<16xf32>, vector<16xf32>)  : i32 {
        %mul3A_878 = arith.constant 8 : i32
        %mul3A_879 = arith.muli %scan3A_873, %mul3A_878 : i32
        %add3A_880 = arith.constant 0 : i32
        %add3A_881 = arith.addi %mul3A_879, %add3A_880 : i32
        %get3A_882 = arith.constant 1 : i32
        %get3A_883 = arith.index_cast %get3A_882 : i32 to index
        %get3A_884 = arith.index_cast %add3A_881 : i32 to index
        %get3A_885 = arith.constant 0 : index
        %get3A_886 = tpu.vector_load %arg8[%get3A_883, %get3A_884, %get3A_885] {strides = array<i32>} : memref<8x200x32xf32, #tpu.memory_space<vmem>>, vector<16xf32>,
        %get3A_887 = arith.constant 1 : i32
        %get3A_888 = arith.index_cast %get3A_887 : i32 to index
        %get3A_889 = arith.index_cast %add3A_881 : i32 to index
        %get3A_890 = arith.constant 16 : index
        %get3A_891 = tpu.vector_load %arg8[%get3A_888, %get3A_889, %get3A_890] {strides = array<i32>} : memref<8x200x32xf32, #tpu.memory_space<vmem>>, vector<16xf32>,
        %add3A_892 = arith.addf %scan3A_874, %get3A_886 : vector<16xf32>
        %add3A_893 = arith.addf %scan3A_875, %get3A_891 : vector<16xf32>
        %mul3A_894 = arith.constant 8 : i32
        %mul3A_895 = arith.muli %scan3A_873, %mul3A_894 : i32
        %add3A_896 = arith.constant 1 : i32
        %add3A_897 = arith.addi %mul3A_895, %add3A_896 : i32
        %get3A_898 = arith.constant 1 : i32
        %get3A_899 = arith.index_cast %get3A_898 : i32 to index
        %get3A_900 = arith.index_cast %add3A_897 : i32 to index
        %get3A_901 = arith.constant 0 : index
        %get3A_902 = tpu.vector_load %arg8[%get3A_899, %get3A_900, %get3A_901] {strides = array<i32>} : memref<8x200x32xf32, #tpu.memory_space<vmem>>, vector<16xf32>,
        %get3A_903 = arith.constant 1 : i32
        %get3A_904 = arith.index_cast %get3A_903 : i32 to index
        %get3A_905 = arith.index_cast %add3A_897 : i32 to index
        %get3A_906 = arith.constant 16 : index
        %get3A_907 = tpu.vector_load %arg8[%get3A_904, %get3A_905, %get3A_906] {strides = array<i32>} : memref<8x200x32xf32, #tpu.memory_space<vmem>>, vector<16xf32>,
        %add3A_908 = arith.addf %scan3A_876, %get3A_902 : vector<16xf32>
        %add3A_909 = arith.addf %scan3A_877, %get3A_907 : vector<16xf32>
        %mul3A_910 = arith.constant 8 : i32
        %mul3A_911 = arith.muli %scan3A_873, %mul3A_910 : i32
        %add3A_912 = arith.constant 2 : i32
        %add3A_913 = arith.addi %mul3A_911, %add3A_912 : i32
        %get3A_914 = arith.constant 1 : i32
        %get3A_915 = arith.index_cast %get3A_914 : i32 to index
        %get3A_916 = arith.index_cast %add3A_913 : i32 to index
        %get3A_917 = arith.constant 0 : index
        %get3A_918 = tpu.vector_load %arg8[%get3A_915, %get3A_916, %get3A_917] {strides = array<i32>} : memref<8x200x32xf32, #tpu.memory_space<vmem>>, vector<16xf32>,
        %get3A_919 = arith.constant 1 : i32
        %get3A_920 = arith.index_cast %get3A_919 : i32 to index
        %get3A_921 = arith.index_cast %add3A_913 : i32 to index
        %get3A_922 = arith.constant 16 : index
        %get3A_923 = tpu.vector_load %arg8[%get3A_920, %get3A_921, %get3A_922] {strides = array<i32>} : memref<8x200x32xf32, #tpu.memory_space<vmem>>, vector<16xf32>,
        %add3A_924 = arith.addf %add3A_892, %get3A_918 : vector<16xf32>
        %add3A_925 = arith.addf %add3A_893, %get3A_923 : vector<16xf32>
        %mul3A_926 = arith.constant 8 : i32
        %mul3A_927 = arith.muli %scan3A_873, %mul3A_926 : i32
        %add3A_928 = arith.constant 3 : i32
        %add3A_929 = arith.addi %mul3A_927, %add3A_928 : i32
        %get3A_930 = arith.constant 1 : i32
        %get3A_931 = arith.index_cast %get3A_930 : i32 to index
        %get3A_932 = arith.index_cast %add3A_929 : i32 to index
        %get3A_933 = arith.constant 0 : index
        %get3A_934 = tpu.vector_load %arg8[%get3A_931, %get3A_932, %get3A_933] {strides = array<i32>} : memref<8x200x32xf32, #tpu.memory_space<vmem>>, vector<16xf32>,
        %get3A_935 = arith.constant 1 : i32
        %get3A_936 = arith.index_cast %get3A_935 : i32 to index
        %get3A_937 = arith.index_cast %add3A_929 : i32 to index
        %get3A_938 = arith.constant 16 : index
        %get3A_939 = tpu.vector_load %arg8[%get3A_936, %get3A_937, %get3A_938] {strides = array<i32>} : memref<8x200x32xf32, #tpu.memory_space<vmem>>, vector<16xf32>,
        %add3A_940 = arith.addf %add3A_908, %get3A_934 : vector<16xf32>
        %add3A_941 = arith.addf %add3A_909, %get3A_939 : vector<16xf32>
        %mul3A_942 = arith.constant 8 : i32
        %mul3A_943 = arith.muli %scan3A_873, %mul3A_942 : i32
        %add3A_944 = arith.constant 4 : i32
        %add3A_945 = arith.addi %mul3A_943, %add3A_944 : i32
        %get3A_946 = arith.constant 1 : i32
        %get3A_947 = arith.index_cast %get3A_946 : i32 to index
        %get3A_948 = arith.index_cast %add3A_945 : i32 to index
        %get3A_949 = arith.constant 0 : index
        %get3A_950 = tpu.vector_load %arg8[%get3A_947, %get3A_948, %get3A_949] {strides = array<i32>} : memref<8x200x32xf32, #tpu.memory_space<vmem>>, vector<16xf32>,
        %get3A_951 = arith.constant 1 : i32
        %get3A_952 = arith.index_cast %get3A_951 : i32 to index
        %get3A_953 = arith.index_cast %add3A_945 : i32 to index
        %get3A_954 = arith.constant 16 : index
        %get3A_955 = tpu.vector_load %arg8[%get3A_952, %get3A_953, %get3A_954] {strides = array<i32>} : memref<8x200x32xf32, #tpu.memory_space<vmem>>, vector<16xf32>,
        %add3A_956 = arith.addf %add3A_924, %get3A_950 : vector<16xf32>
        %add3A_957 = arith.addf %add3A_925, %get3A_955 : vector<16xf32>
        %mul3A_958 = arith.constant 8 : i32
        %mul3A_959 = arith.muli %scan3A_873, %mul3A_958 : i32
        %add3A_960 = arith.constant 5 : i32
        %add3A_961 = arith.addi %mul3A_959, %add3A_960 : i32
        %get3A_962 = arith.constant 1 : i32
        %get3A_963 = arith.index_cast %get3A_962 : i32 to index
        %get3A_964 = arith.index_cast %add3A_961 : i32 to index
        %get3A_965 = arith.constant 0 : index
        %get3A_966 = tpu.vector_load %arg8[%get3A_963, %get3A_964, %get3A_965] {strides = array<i32>} : memref<8x200x32xf32, #tpu.memory_space<vmem>>, vector<16xf32>,
        %get3A_967 = arith.constant 1 : i32
        %get3A_968 = arith.index_cast %get3A_967 : i32 to index
        %get3A_969 = arith.index_cast %add3A_961 : i32 to index
        %get3A_970 = arith.constant 16 : index
        %get3A_971 = tpu.vector_load %arg8[%get3A_968, %get3A_969, %get3A_970] {strides = array<i32>} : memref<8x200x32xf32, #tpu.memory_space<vmem>>, vector<16xf32>,
        %add3A_972 = arith.addf %add3A_940, %get3A_966 : vector<16xf32>
        %add3A_973 = arith.addf %add3A_941, %get3A_971 : vector<16xf32>
        %mul3A_974 = arith.constant 8 : i32
        %mul3A_975 = arith.muli %scan3A_873, %mul3A_974 : i32
        %add3A_976 = arith.constant 6 : i32
        %add3A_977 = arith.addi %mul3A_975, %add3A_976 : i32
        %get3A_978 = arith.constant 1 : i32
        %get3A_979 = arith.index_cast %get3A_978 : i32 to index
        %get3A_980 = arith.index_cast %add3A_977 : i32 to index
        %get3A_981 = arith.constant 0 : index
        %get3A_982 = tpu.vector_load %arg8[%get3A_979, %get3A_980, %get3A_981] {strides = array<i32>} : memref<8x200x32xf32, #tpu.memory_space<vmem>>, vector<16xf32>,
        %get3A_983 = arith.constant 1 : i32
        %get3A_984 = arith.index_cast %get3A_983 : i32 to index
        %get3A_985 = arith.index_cast %add3A_977 : i32 to index
        %get3A_986 = arith.constant 16 : index
        %get3A_987 = tpu.vector_load %arg8[%get3A_984, %get3A_985, %get3A_986] {strides = array<i32>} : memref<8x200x32xf32, #tpu.memory_space<vmem>>, vector<16xf32>,
        %add3A_988 = arith.addf %add3A_956, %get3A_982 : vector<16xf32>
        %add3A_989 = arith.addf %add3A_957, %get3A_987 : vector<16xf32>
        %mul3A_990 = arith.constant 8 : i32
        %mul3A_991 = arith.muli %scan3A_873, %mul3A_990 : i32
        %add3A_992 = arith.constant 7 : i32
        %add3A_993 = arith.addi %mul3A_991, %add3A_992 : i32
        %get3A_994 = arith.constant 1 : i32
        %get3A_995 = arith.index_cast %get3A_994 : i32 to index
        %get3A_996 = arith.index_cast %add3A_993 : i32 to index
        %get3A_997 = arith.constant 0 : index
        %get3A_998 = tpu.vector_load %arg8[%get3A_995, %get3A_996, %get3A_997] {strides = array<i32>} : memref<8x200x32xf32, #tpu.memory_space<vmem>>, vector<16xf32>,
        %get3A_999 = arith.constant 1 : i32
        %get3A_1000 = arith.index_cast %get3A_999 : i32 to index
        %get3A_1001 = arith.index_cast %add3A_993 : i32 to index
        %get3A_1002 = arith.constant 16 : index
        %get3A_1003 = tpu.vector_load %arg8[%get3A_1000, %get3A_1001, %get3A_1002] {strides = array<i32>} : memref<8x200x32xf32, #tpu.memory_space<vmem>>, vector<16xf32>,
        %add3A_1004 = arith.addf %add3A_972, %get3A_998 : vector<16xf32>
        %add3A_1005 = arith.addf %add3A_973, %get3A_1003 : vector<16xf32>
        scf.yield %add3A_988, %add3A_989, %add3A_1004, %add3A_1005 : vector<16xf32>, vector<16xf32>, vector<16xf32>, vector<16xf32>
      }
      %scan3A_371 = arith.constant 25 : i32
      %add3A_372 = arith.addf %scan3A_370#0, %scan3A_370#2 : vector<16xf32>
      %add3A_373 = arith.addf %scan3A_370#1, %scan3A_370#3 : vector<16xf32>
      %reduce_max3A_374 = arith.constant true
      %reduce_max3A_375 = vector.broadcast %reduce_max3A_374 : i1 to vector<16xi1>
      %reduce_max3A_376 = tpu.scan <max>, %add3A_372 masked %reduce_max3A_375 : vector<16xf32>, vector<16xi1> -> vector<16xf32>
      %reduce_max3A_377 = vector.extract %reduce_max3A_376[15] : f32 from vector<16xf32>
      %reduce_max3A_378 = arith.constant true
      %reduce_max3A_379 = vector.broadcast %reduce_max3A_378 : i1 to vector<16xi1>
      %reduce_max3A_380 = tpu.scan <max>, %add3A_373 masked %reduce_max3A_379 : vector<16xf32>, vector<16xi1> -> vector<16xf32>
      %reduce_max3A_381 = vector.extract %reduce_max3A_380[15] : f32 from vector<16xf32>
      %max3A_382 = arith.maximumf %reduce_max3A_377, %reduce_max3A_381 : f32
      %broadcast_in_dim3A_383 = vector.broadcast %max3A_382 : f32 to vector<16xf32>
      %sub3A_384 = arith.subf %add3A_372, %broadcast_in_dim3A_383 : vector<16xf32>
      %exp3A_385 = math.exp %sub3A_384 : vector<16xf32>
      %sub3A_386 = arith.subf %add3A_373, %broadcast_in_dim3A_383 : vector<16xf32>
      %exp3A_387 = math.exp %sub3A_386 : vector<16xf32>
      %reduce_sum3A_388 = arith.constant true
      %reduce_sum3A_389 = vector.broadcast %reduce_sum3A_388 : i1 to vector<16xi1>
      %reduce_sum3A_390 = tpu.scan <sum>, %exp3A_385 masked %reduce_sum3A_389 : vector<16xf32>, vector<16xi1> -> vector<16xf32>
      %reduce_sum3A_391 = vector.extract %reduce_sum3A_390[15] : f32 from vector<16xf32>
      %reduce_sum3A_392 = arith.constant true
      %reduce_sum3A_393 = vector.broadcast %reduce_sum3A_392 : i1 to vector<16xi1>
      %reduce_sum3A_394 = tpu.scan <sum>, %exp3A_387 masked %reduce_sum3A_393 : vector<16xf32>, vector<16xi1> -> vector<16xf32>
      %reduce_sum3A_395 = vector.extract %reduce_sum3A_394[15] : f32 from vector<16xf32>
      %add3A_396 = arith.addf %reduce_sum3A_391, %reduce_sum3A_395 : f32
      %broadcast_in_dim3A_397 = vector.broadcast %add3A_396 : f32 to vector<16xf32>
      %div3A_398 = arith.divf %exp3A_385, %broadcast_in_dim3A_397 : vector<16xf32>
      %swap3A_399 = arith.index_cast %add3A_337 : i32 to index
      %swap3A_400 = arith.constant 0 : index
      %swap3A_401 = tpu.vector_load %arg9[%swap3A_399, %swap3A_400] {strides = array<i32>} : memref<128x32xf32, #tpu.memory_space<vmem>>, vector<16xf32>,
      tpu.vector_store %arg9[%swap3A_399, %swap3A_400], %div3A_398 {strides = array<i32>} : memref<128x32xf32, #tpu.memory_space<vmem>>, vector<16xf32>,
      %div3A_402 = arith.divf %exp3A_387, %broadcast_in_dim3A_397 : vector<16xf32>
      %swap3A_403 = arith.index_cast %add3A_337 : i32 to index
      %swap3A_404 = arith.constant 16 : index
      %swap3A_405 = tpu.vector_load %arg9[%swap3A_403, %swap3A_404] {strides = array<i32>} : memref<128x32xf32, #tpu.memory_space<vmem>>, vector<16xf32>,
      tpu.vector_store %arg9[%swap3A_403, %swap3A_404], %div3A_402 {strides = array<i32>} : memref<128x32xf32, #tpu.memory_space<vmem>>, vector<16xf32>,
      %lt3A_406 = arith.constant 15 : i32
      %lt3A_407 = arith.cmpi slt, %scan3A_266, %lt3A_406 : i32
      %convert_element_type3A_408 = arith.extui %lt3A_407 : i1 to i32
      %cond3A_409 = arith.constant 0 : i32
      %cond3A_410 = arith.cmpi ne, %convert_element_type3A_408, %cond3A_409 : i32
      scf.if %cond3A_410 {
        %add3A_873 = arith.constant 8 : i32
        %add3A_874 = arith.addi %add3A_337, %add3A_873 : i32
        %dma_start3A_875 = arith.constant 1 : i32
        %dma_start3A_876 = arith.constant 1 : i32
        %dma_start3A_877 = arith.constant 0 : i32
        %dma_start3A_878 = arith.constant 0 : i32
        %dma_start3A_879 = tpu.memref_slice %arg8[%dma_start3A_875, %dma_start3A_877, %dma_start3A_878] : memref<8x200x32xf32, #tpu.memory_space<vmem>> -> memref<1x104x32xf32, #tpu.memory_space<vmem>>
        %dma_start3A_880 = tpu.memref_squeeze %dma_start3A_879 : memref<1x104x32xf32, #tpu.memory_space<vmem>> -> memref<104x32xf32, #tpu.memory_space<vmem>>
        %dma_start3A_881 = arith.constant 0 : i32
        %dma_start3A_882 = tpu.memref_slice %arg6[%add3A_874, %dma_start3A_881] : memref<128x200xi32, #tpu.memory_space<vmem>> -> memref<1x104xi32, #tpu.memory_space<vmem>>
        %dma_start3A_883 = tpu.memref_squeeze %dma_start3A_882 : memref<1x104xi32, #tpu.memory_space<vmem>> -> memref<104xi32, #tpu.memory_space<vmem>>
        %dma_start3A_884 = arith.constant 0 : i32
        %dma_start3A_885 = arith.constant 0 : i32
        %dma_start3A_886 = tpu.memref_slice %arg2[%dma_start3A_884, %dma_start3A_885] : memref<100352x32xf32, #tpu.memory_space<hbm>> -> memref<100352x32xf32, #tpu.memory_space<hbm>>
        %dma_start3A_887 = tpu.memref_slice %arg10[%dma_start3A_876] : memref<8x!tpu.dma_semaphore, #tpu.memory_space<semaphore_mem>> -> memref<1x!tpu.dma_semaphore, #tpu.memory_space<semaphore_mem>>
        %dma_start3A_888 = tpu.memref_squeeze %dma_start3A_887 : memref<1x!tpu.dma_semaphore, #tpu.memory_space<semaphore_mem>> -> memref<!tpu.dma_semaphore, #tpu.memory_space<semaphore_mem>>
        tpu.enqueue_indirect_dma source(%dma_start3A_886 : memref<100352x32xf32, #tpu.memory_space<hbm>>) target(%dma_start3A_880 : memref<104x32xf32, #tpu.memory_space<vmem>>) offsets(%dma_start3A_883 : memref<104xi32, #tpu.memory_space<vmem>>) semaphore(%dma_start3A_888 : memref<!tpu.dma_semaphore, #tpu.memory_space<semaphore_mem>>)
        %dma_start3A_889 = arith.constant 1 : i32
        %dma_start3A_890 = arith.constant 1 : i32
        %dma_start3A_891 = arith.constant 104 : i32
        %dma_start3A_892 = arith.constant 0 : i32
        %dma_start3A_893 = tpu.memref_slice %arg8[%dma_start3A_889, %dma_start3A_891, %dma_start3A_892] : memref<8x200x32xf32, #tpu.memory_space<vmem>> -> memref<1x96x32xf32, #tpu.memory_space<vmem>>
        %dma_start3A_894 = tpu.memref_squeeze %dma_start3A_893 : memref<1x96x32xf32, #tpu.memory_space<vmem>> -> memref<96x32xf32, #tpu.memory_space<vmem>>
        %dma_start3A_895 = arith.constant 104 : i32
        %dma_start3A_896 = tpu.memref_slice %arg6[%add3A_874, %dma_start3A_895] : memref<128x200xi32, #tpu.memory_space<vmem>> -> memref<1x96xi32, #tpu.memory_space<vmem>>
        %dma_start3A_897 = tpu.memref_squeeze %dma_start3A_896 : memref<1x96xi32, #tpu.memory_space<vmem>> -> memref<96xi32, #tpu.memory_space<vmem>>
        %dma_start3A_898 = arith.constant 0 : i32
        %dma_start3A_899 = arith.constant 0 : i32
        %dma_start3A_900 = tpu.memref_slice %arg2[%dma_start3A_898, %dma_start3A_899] : memref<100352x32xf32, #tpu.memory_space<hbm>> -> memref<100352x32xf32, #tpu.memory_space<hbm>>
        %dma_start3A_901 = tpu.memref_slice %arg10[%dma_start3A_890] : memref<8x!tpu.dma_semaphore, #tpu.memory_space<semaphore_mem>> -> memref<1x!tpu.dma_semaphore, #tpu.memory_space<semaphore_mem>>
        %dma_start3A_902 = tpu.memref_squeeze %dma_start3A_901 : memref<1x!tpu.dma_semaphore, #tpu.memory_space<semaphore_mem>> -> memref<!tpu.dma_semaphore, #tpu.memory_space<semaphore_mem>>
        tpu.enqueue_indirect_dma source(%dma_start3A_900 : memref<100352x32xf32, #tpu.memory_space<hbm>>) target(%dma_start3A_894 : memref<96x32xf32, #tpu.memory_space<vmem>>) offsets(%dma_start3A_897 : memref<96xi32, #tpu.memory_space<vmem>>) semaphore(%dma_start3A_902 : memref<!tpu.dma_semaphore, #tpu.memory_space<semaphore_mem>>)
      } else {
      }
      %mul3A_411 = arith.constant 8 : i32
      %mul3A_412 = arith.muli %scan3A_266, %mul3A_411 : i32
      %add3A_413 = arith.constant 2 : i32
      %add3A_414 = arith.addi %mul3A_412, %add3A_413 : i32
      %dma_wait3A_415 = arith.constant 2 : i32
      %dma_wait3A_416 = arith.constant 2 : i32
      %dma_wait3A_417 = arith.constant 0 : i32
      %dma_wait3A_418 = arith.constant 0 : i32
      %dma_wait3A_419 = tpu.memref_slice %arg8[%dma_wait3A_415, %dma_wait3A_417, %dma_wait3A_418] : memref<8x200x32xf32, #tpu.memory_space<vmem>> -> memref<1x104x32xf32, #tpu.memory_space<vmem>>
      %dma_wait3A_420 = tpu.memref_squeeze %dma_wait3A_419 : memref<1x104x32xf32, #tpu.memory_space<vmem>> -> memref<104x32xf32, #tpu.memory_space<vmem>>
      %dma_wait3A_421 = arith.constant 0 : i32
      %dma_wait3A_422 = tpu.memref_slice %arg6[%add3A_414, %dma_wait3A_421] : memref<128x200xi32, #tpu.memory_space<vmem>> -> memref<1x104xi32, #tpu.memory_space<vmem>>
      %dma_wait3A_423 = tpu.memref_squeeze %dma_wait3A_422 : memref<1x104xi32, #tpu.memory_space<vmem>> -> memref<104xi32, #tpu.memory_space<vmem>>
      %dma_wait3A_424 = arith.constant 0 : i32
      %dma_wait3A_425 = arith.constant 0 : i32
      %dma_wait3A_426 = tpu.memref_slice %arg2[%dma_wait3A_424, %dma_wait3A_425] : memref<100352x32xf32, #tpu.memory_space<hbm>> -> memref<100352x32xf32, #tpu.memory_space<hbm>>
      %dma_wait3A_427 = tpu.memref_slice %arg10[%dma_wait3A_416] : memref<8x!tpu.dma_semaphore, #tpu.memory_space<semaphore_mem>> -> memref<1x!tpu.dma_semaphore, #tpu.memory_space<semaphore_mem>>
      %dma_wait3A_428 = tpu.memref_squeeze %dma_wait3A_427 : memref<1x!tpu.dma_semaphore, #tpu.memory_space<semaphore_mem>> -> memref<!tpu.dma_semaphore, #tpu.memory_space<semaphore_mem>>
      tpu.wait_indirect_dma semaphore(%dma_wait3A_428 : memref<!tpu.dma_semaphore, #tpu.memory_space<semaphore_mem>>) src(%dma_wait3A_426 : memref<100352x32xf32, #tpu.memory_space<hbm>>) dst(%dma_wait3A_420 : memref<104x32xf32, #tpu.memory_space<vmem>>)
      %dma_wait3A_429 = arith.constant 2 : i32
      %dma_wait3A_430 = arith.constant 2 : i32
      %dma_wait3A_431 = arith.constant 104 : i32
      %dma_wait3A_432 = arith.constant 0 : i32
      %dma_wait3A_433 = tpu.memref_slice %arg8[%dma_wait3A_429, %dma_wait3A_431, %dma_wait3A_432] : memref<8x200x32xf32, #tpu.memory_space<vmem>> -> memref<1x96x32xf32, #tpu.memory_space<vmem>>
      %dma_wait3A_434 = tpu.memref_squeeze %dma_wait3A_433 : memref<1x96x32xf32, #tpu.memory_space<vmem>> -> memref<96x32xf32, #tpu.memory_space<vmem>>
      %dma_wait3A_435 = arith.constant 104 : i32
      %dma_wait3A_436 = tpu.memref_slice %arg6[%add3A_414, %dma_wait3A_435] : memref<128x200xi32, #tpu.memory_space<vmem>> -> memref<1x96xi32, #tpu.memory_space<vmem>>
      %dma_wait3A_437 = tpu.memref_squeeze %dma_wait3A_436 : memref<1x96xi32, #tpu.memory_space<vmem>> -> memref<96xi32, #tpu.memory_space<vmem>>
      %dma_wait3A_438 = arith.constant 0 : i32
      %dma_wait3A_439 = arith.constant 0 : i32
      %dma_wait3A_440 = tpu.memref_slice %arg2[%dma_wait3A_438, %dma_wait3A_439] : memref<100352x32xf32, #tpu.memory_space<hbm>> -> memref<100352x32xf32, #tpu.memory_space<hbm>>
      %dma_wait3A_441 = tpu.memref_slice %arg10[%dma_wait3A_430] : memref<8x!tpu.dma_semaphore, #tpu.memory_space<semaphore_mem>> -> memref<1x!tpu.dma_semaphore, #tpu.memory_space<semaphore_mem>>
      %dma_wait3A_442 = tpu.memref_squeeze %dma_wait3A_441 : memref<1x!tpu.dma_semaphore, #tpu.memory_space<semaphore_mem>> -> memref<!tpu.dma_semaphore, #tpu.memory_space<semaphore_mem>>
      tpu.wait_indirect_dma semaphore(%dma_wait3A_442 : memref<!tpu.dma_semaphore, #tpu.memory_space<semaphore_mem>>) src(%dma_wait3A_440 : memref<100352x32xf32, #tpu.memory_space<hbm>>) dst(%dma_wait3A_434 : memref<96x32xf32, #tpu.memory_space<vmem>>)
      %scan3A_443 = arith.constant 0 : i32
      %scan3A_444 = arith.constant 25 : i32
      %scan3A_445 = arith.addi %scan3A_443, %scan3A_444 : i32
      %scan3A_446 = arith.constant 1 : i32
      %scan3A_447:4 = scf.for %scan3A_873 = %scan3A_443 to %scan3A_445 step %scan3A_446 iter_args(%scan3A_874 = %get3A_15, %scan3A_875 = %get3A_17, %scan3A_876 = %broadcast_in_dim3A_258, %scan3A_877 = %broadcast_in_dim3A_258) -> (vector<16xf32>, vector<16xf32>, vector<16xf32>, vector<16xf32>)  : i32 {
        %mul3A_878 = arith.constant 8 : i32
        %mul3A_879 = arith.muli %scan3A_873, %mul3A_878 : i32
        %add3A_880 = arith.constant 0 : i32
        %add3A_881 = arith.addi %mul3A_879, %add3A_880 : i32
        %get3A_882 = arith.constant 2 : i32
        %get3A_883 = arith.index_cast %get3A_882 : i32 to index
        %get3A_884 = arith.index_cast %add3A_881 : i32 to index
        %get3A_885 = arith.constant 0 : index
        %get3A_886 = tpu.vector_load %arg8[%get3A_883, %get3A_884, %get3A_885] {strides = array<i32>} : memref<8x200x32xf32, #tpu.memory_space<vmem>>, vector<16xf32>,
        %get3A_887 = arith.constant 2 : i32
        %get3A_888 = arith.index_cast %get3A_887 : i32 to index
        %get3A_889 = arith.index_cast %add3A_881 : i32 to index
        %get3A_890 = arith.constant 16 : index
        %get3A_891 = tpu.vector_load %arg8[%get3A_888, %get3A_889, %get3A_890] {strides = array<i32>} : memref<8x200x32xf32, #tpu.memory_space<vmem>>, vector<16xf32>,
        %add3A_892 = arith.addf %scan3A_874, %get3A_886 : vector<16xf32>
        %add3A_893 = arith.addf %scan3A_875, %get3A_891 : vector<16xf32>
        %mul3A_894 = arith.constant 8 : i32
        %mul3A_895 = arith.muli %scan3A_873, %mul3A_894 : i32
        %add3A_896 = arith.constant 1 : i32
        %add3A_897 = arith.addi %mul3A_895, %add3A_896 : i32
        %get3A_898 = arith.constant 2 : i32
        %get3A_899 = arith.index_cast %get3A_898 : i32 to index
        %get3A_900 = arith.index_cast %add3A_897 : i32 to index
        %get3A_901 = arith.constant 0 : index
        %get3A_902 = tpu.vector_load %arg8[%get3A_899, %get3A_900, %get3A_901] {strides = array<i32>} : memref<8x200x32xf32, #tpu.memory_space<vmem>>, vector<16xf32>,
        %get3A_903 = arith.constant 2 : i32
        %get3A_904 = arith.index_cast %get3A_903 : i32 to index
        %get3A_905 = arith.index_cast %add3A_897 : i32 to index
        %get3A_906 = arith.constant 16 : index
        %get3A_907 = tpu.vector_load %arg8[%get3A_904, %get3A_905, %get3A_906] {strides = array<i32>} : memref<8x200x32xf32, #tpu.memory_space<vmem>>, vector<16xf32>,
        %add3A_908 = arith.addf %scan3A_876, %get3A_902 : vector<16xf32>
        %add3A_909 = arith.addf %scan3A_877, %get3A_907 : vector<16xf32>
        %mul3A_910 = arith.constant 8 : i32
        %mul3A_911 = arith.muli %scan3A_873, %mul3A_910 : i32
        %add3A_912 = arith.constant 2 : i32
        %add3A_913 = arith.addi %mul3A_911, %add3A_912 : i32
        %get3A_914 = arith.constant 2 : i32
        %get3A_915 = arith.index_cast %get3A_914 : i32 to index
        %get3A_916 = arith.index_cast %add3A_913 : i32 to index
        %get3A_917 = arith.constant 0 : index
        %get3A_918 = tpu.vector_load %arg8[%get3A_915, %get3A_916, %get3A_917] {strides = array<i32>} : memref<8x200x32xf32, #tpu.memory_space<vmem>>, vector<16xf32>,
        %get3A_919 = arith.constant 2 : i32
        %get3A_920 = arith.index_cast %get3A_919 : i32 to index
        %get3A_921 = arith.index_cast %add3A_913 : i32 to index
        %get3A_922 = arith.constant 16 : index
        %get3A_923 = tpu.vector_load %arg8[%get3A_920, %get3A_921, %get3A_922] {strides = array<i32>} : memref<8x200x32xf32, #tpu.memory_space<vmem>>, vector<16xf32>,
        %add3A_924 = arith.addf %add3A_892, %get3A_918 : vector<16xf32>
        %add3A_925 = arith.addf %add3A_893, %get3A_923 : vector<16xf32>
        %mul3A_926 = arith.constant 8 : i32
        %mul3A_927 = arith.muli %scan3A_873, %mul3A_926 : i32
        %add3A_928 = arith.constant 3 : i32
        %add3A_929 = arith.addi %mul3A_927, %add3A_928 : i32
        %get3A_930 = arith.constant 2 : i32
        %get3A_931 = arith.index_cast %get3A_930 : i32 to index
        %get3A_932 = arith.index_cast %add3A_929 : i32 to index
        %get3A_933 = arith.constant 0 : index
        %get3A_934 = tpu.vector_load %arg8[%get3A_931, %get3A_932, %get3A_933] {strides = array<i32>} : memref<8x200x32xf32, #tpu.memory_space<vmem>>, vector<16xf32>,
        %get3A_935 = arith.constant 2 : i32
        %get3A_936 = arith.index_cast %get3A_935 : i32 to index
        %get3A_937 = arith.index_cast %add3A_929 : i32 to index
        %get3A_938 = arith.constant 16 : index
        %get3A_939 = tpu.vector_load %arg8[%get3A_936, %get3A_937, %get3A_938] {strides = array<i32>} : memref<8x200x32xf32, #tpu.memory_space<vmem>>, vector<16xf32>,
        %add3A_940 = arith.addf %add3A_908, %get3A_934 : vector<16xf32>
        %add3A_941 = arith.addf %add3A_909, %get3A_939 : vector<16xf32>
        %mul3A_942 = arith.constant 8 : i32
        %mul3A_943 = arith.muli %scan3A_873, %mul3A_942 : i32
        %add3A_944 = arith.constant 4 : i32
        %add3A_945 = arith.addi %mul3A_943, %add3A_944 : i32
        %get3A_946 = arith.constant 2 : i32
        %get3A_947 = arith.index_cast %get3A_946 : i32 to index
        %get3A_948 = arith.index_cast %add3A_945 : i32 to index
        %get3A_949 = arith.constant 0 : index
        %get3A_950 = tpu.vector_load %arg8[%get3A_947, %get3A_948, %get3A_949] {strides = array<i32>} : memref<8x200x32xf32, #tpu.memory_space<vmem>>, vector<16xf32>,
        %get3A_951 = arith.constant 2 : i32
        %get3A_952 = arith.index_cast %get3A_951 : i32 to index
        %get3A_953 = arith.index_cast %add3A_945 : i32 to index
        %get3A_954 = arith.constant 16 : index
        %get3A_955 = tpu.vector_load %arg8[%get3A_952, %get3A_953, %get3A_954] {strides = array<i32>} : memref<8x200x32xf32, #tpu.memory_space<vmem>>, vector<16xf32>,
        %add3A_956 = arith.addf %add3A_924, %get3A_950 : vector<16xf32>
        %add3A_957 = arith.addf %add3A_925, %get3A_955 : vector<16xf32>
        %mul3A_958 = arith.constant 8 : i32
        %mul3A_959 = arith.muli %scan3A_873, %mul3A_958 : i32
        %add3A_960 = arith.constant 5 : i32
        %add3A_961 = arith.addi %mul3A_959, %add3A_960 : i32
        %get3A_962 = arith.constant 2 : i32
        %get3A_963 = arith.index_cast %get3A_962 : i32 to index
        %get3A_964 = arith.index_cast %add3A_961 : i32 to index
        %get3A_965 = arith.constant 0 : index
        %get3A_966 = tpu.vector_load %arg8[%get3A_963, %get3A_964, %get3A_965] {strides = array<i32>} : memref<8x200x32xf32, #tpu.memory_space<vmem>>, vector<16xf32>,
        %get3A_967 = arith.constant 2 : i32
        %get3A_968 = arith.index_cast %get3A_967 : i32 to index
        %get3A_969 = arith.index_cast %add3A_961 : i32 to index
        %get3A_970 = arith.constant 16 : index
        %get3A_971 = tpu.vector_load %arg8[%get3A_968, %get3A_969, %get3A_970] {strides = array<i32>} : memref<8x200x32xf32, #tpu.memory_space<vmem>>, vector<16xf32>,
        %add3A_972 = arith.addf %add3A_940, %get3A_966 : vector<16xf32>
        %add3A_973 = arith.addf %add3A_941, %get3A_971 : vector<16xf32>
        %mul3A_974 = arith.constant 8 : i32
        %mul3A_975 = arith.muli %scan3A_873, %mul3A_974 : i32
        %add3A_976 = arith.constant 6 : i32
        %add3A_977 = arith.addi %mul3A_975, %add3A_976 : i32
        %get3A_978 = arith.constant 2 : i32
        %get3A_979 = arith.index_cast %get3A_978 : i32 to index
        %get3A_980 = arith.index_cast %add3A_977 : i32 to index
        %get3A_981 = arith.constant 0 : index
        %get3A_982 = tpu.vector_load %arg8[%get3A_979, %get3A_980, %get3A_981] {strides = array<i32>} : memref<8x200x32xf32, #tpu.memory_space<vmem>>, vector<16xf32>,
        %get3A_983 = arith.constant 2 : i32
        %get3A_984 = arith.index_cast %get3A_983 : i32 to index
        %get3A_985 = arith.index_cast %add3A_977 : i32 to index
        %get3A_986 = arith.constant 16 : index
        %get3A_987 = tpu.vector_load %arg8[%get3A_984, %get3A_985, %get3A_986] {strides = array<i32>} : memref<8x200x32xf32, #tpu.memory_space<vmem>>, vector<16xf32>,
        %add3A_988 = arith.addf %add3A_956, %get3A_982 : vector<16xf32>
        %add3A_989 = arith.addf %add3A_957, %get3A_987 : vector<16xf32>
        %mul3A_990 = arith.constant 8 : i32
        %mul3A_991 = arith.muli %scan3A_873, %mul3A_990 : i32
        %add3A_992 = arith.constant 7 : i32
        %add3A_993 = arith.addi %mul3A_991, %add3A_992 : i32
        %get3A_994 = arith.constant 2 : i32
        %get3A_995 = arith.index_cast %get3A_994 : i32 to index
        %get3A_996 = arith.index_cast %add3A_993 : i32 to index
        %get3A_997 = arith.constant 0 : index
        %get3A_998 = tpu.vector_load %arg8[%get3A_995, %get3A_996, %get3A_997] {strides = array<i32>} : memref<8x200x32xf32, #tpu.memory_space<vmem>>, vector<16xf32>,
        %get3A_999 = arith.constant 2 : i32
        %get3A_1000 = arith.index_cast %get3A_999 : i32 to index
        %get3A_1001 = arith.index_cast %add3A_993 : i32 to index
        %get3A_1002 = arith.constant 16 : index
        %get3A_1003 = tpu.vector_load %arg8[%get3A_1000, %get3A_1001, %get3A_1002] {strides = array<i32>} : memref<8x200x32xf32, #tpu.memory_space<vmem>>, vector<16xf32>,
        %add3A_1004 = arith.addf %add3A_972, %get3A_998 : vector<16xf32>
        %add3A_1005 = arith.addf %add3A_973, %get3A_1003 : vector<16xf32>
        scf.yield %add3A_988, %add3A_989, %add3A_1004, %add3A_1005 : vector<16xf32>, vector<16xf32>, vector<16xf32>, vector<16xf32>
      }
      %scan3A_448 = arith.constant 25 : i32
      %add3A_449 = arith.addf %scan3A_447#0, %scan3A_447#2 : vector<16xf32>
      %add3A_450 = arith.addf %scan3A_447#1, %scan3A_447#3 : vector<16xf32>
      %reduce_max3A_451 = arith.constant true
      %reduce_max3A_452 = vector.broadcast %reduce_max3A_451 : i1 to vector<16xi1>
      %reduce_max3A_453 = tpu.scan <max>, %add3A_449 masked %reduce_max3A_452 : vector<16xf32>, vector<16xi1> -> vector<16xf32>
      %reduce_max3A_454 = vector.extract %reduce_max3A_453[15] : f32 from vector<16xf32>
      %reduce_max3A_455 = arith.constant true
      %reduce_max3A_456 = vector.broadcast %reduce_max3A_455 : i1 to vector<16xi1>
      %reduce_max3A_457 = tpu.scan <max>, %add3A_450 masked %reduce_max3A_456 : vector<16xf32>, vector<16xi1> -> vector<16xf32>
      %reduce_max3A_458 = vector.extract %reduce_max3A_457[15] : f32 from vector<16xf32>
      %max3A_459 = arith.maximumf %reduce_max3A_454, %reduce_max3A_458 : f32
      %broadcast_in_dim3A_460 = vector.broadcast %max3A_459 : f32 to vector<16xf32>
      %sub3A_461 = arith.subf %add3A_449, %broadcast_in_dim3A_460 : vector<16xf32>
      %exp3A_462 = math.exp %sub3A_461 : vector<16xf32>
      %sub3A_463 = arith.subf %add3A_450, %broadcast_in_dim3A_460 : vector<16xf32>
      %exp3A_464 = math.exp %sub3A_463 : vector<16xf32>
      %reduce_sum3A_465 = arith.constant true
      %reduce_sum3A_466 = vector.broadcast %reduce_sum3A_465 : i1 to vector<16xi1>
      %reduce_sum3A_467 = tpu.scan <sum>, %exp3A_462 masked %reduce_sum3A_466 : vector<16xf32>, vector<16xi1> -> vector<16xf32>
      %reduce_sum3A_468 = vector.extract %reduce_sum3A_467[15] : f32 from vector<16xf32>
      %reduce_sum3A_469 = arith.constant true
      %reduce_sum3A_470 = vector.broadcast %reduce_sum3A_469 : i1 to vector<16xi1>
      %reduce_sum3A_471 = tpu.scan <sum>, %exp3A_464 masked %reduce_sum3A_470 : vector<16xf32>, vector<16xi1> -> vector<16xf32>
      %reduce_sum3A_472 = vector.extract %reduce_sum3A_471[15] : f32 from vector<16xf32>
      %add3A_473 = arith.addf %reduce_sum3A_468, %reduce_sum3A_472 : f32
      %broadcast_in_dim3A_474 = vector.broadcast %add3A_473 : f32 to vector<16xf32>
      %div3A_475 = arith.divf %exp3A_462, %broadcast_in_dim3A_474 : vector<16xf32>
      %swap3A_476 = arith.index_cast %add3A_414 : i32 to index
      %swap3A_477 = arith.constant 0 : index
      %swap3A_478 = tpu.vector_load %arg9[%swap3A_476, %swap3A_477] {strides = array<i32>} : memref<128x32xf32, #tpu.memory_space<vmem>>, vector<16xf32>,
      tpu.vector_store %arg9[%swap3A_476, %swap3A_477], %div3A_475 {strides = array<i32>} : memref<128x32xf32, #tpu.memory_space<vmem>>, vector<16xf32>,
      %div3A_479 = arith.divf %exp3A_464, %broadcast_in_dim3A_474 : vector<16xf32>
      %swap3A_480 = arith.index_cast %add3A_414 : i32 to index
      %swap3A_481 = arith.constant 16 : index
      %swap3A_482 = tpu.vector_load %arg9[%swap3A_480, %swap3A_481] {strides = array<i32>} : memref<128x32xf32, #tpu.memory_space<vmem>>, vector<16xf32>,
      tpu.vector_store %arg9[%swap3A_480, %swap3A_481], %div3A_479 {strides = array<i32>} : memref<128x32xf32, #tpu.memory_space<vmem>>, vector<16xf32>,
      %lt3A_483 = arith.constant 15 : i32
      %lt3A_484 = arith.cmpi slt, %scan3A_266, %lt3A_483 : i32
      %convert_element_type3A_485 = arith.extui %lt3A_484 : i1 to i32
      %cond3A_486 = arith.constant 0 : i32
      %cond3A_487 = arith.cmpi ne, %convert_element_type3A_485, %cond3A_486 : i32
      scf.if %cond3A_487 {
        %add3A_873 = arith.constant 8 : i32
        %add3A_874 = arith.addi %add3A_414, %add3A_873 : i32
        %dma_start3A_875 = arith.constant 2 : i32
        %dma_start3A_876 = arith.constant 2 : i32
        %dma_start3A_877 = arith.constant 0 : i32
        %dma_start3A_878 = arith.constant 0 : i32
        %dma_start3A_879 = tpu.memref_slice %arg8[%dma_start3A_875, %dma_start3A_877, %dma_start3A_878] : memref<8x200x32xf32, #tpu.memory_space<vmem>> -> memref<1x104x32xf32, #tpu.memory_space<vmem>>
        %dma_start3A_880 = tpu.memref_squeeze %dma_start3A_879 : memref<1x104x32xf32, #tpu.memory_space<vmem>> -> memref<104x32xf32, #tpu.memory_space<vmem>>
        %dma_start3A_881 = arith.constant 0 : i32
        %dma_start3A_882 = tpu.memref_slice %arg6[%add3A_874, %dma_start3A_881] : memref<128x200xi32, #tpu.memory_space<vmem>> -> memref<1x104xi32, #tpu.memory_space<vmem>>
        %dma_start3A_883 = tpu.memref_squeeze %dma_start3A_882 : memref<1x104xi32, #tpu.memory_space<vmem>> -> memref<104xi32, #tpu.memory_space<vmem>>
        %dma_start3A_884 = arith.constant 0 : i32
        %dma_start3A_885 = arith.constant 0 : i32
        %dma_start3A_886 = tpu.memref_slice %arg2[%dma_start3A_884, %dma_start3A_885] : memref<100352x32xf32, #tpu.memory_space<hbm>> -> memref<100352x32xf32, #tpu.memory_space<hbm>>
        %dma_start3A_887 = tpu.memref_slice %arg10[%dma_start3A_876] : memref<8x!tpu.dma_semaphore, #tpu.memory_space<semaphore_mem>> -> memref<1x!tpu.dma_semaphore, #tpu.memory_space<semaphore_mem>>
        %dma_start3A_888 = tpu.memref_squeeze %dma_start3A_887 : memref<1x!tpu.dma_semaphore, #tpu.memory_space<semaphore_mem>> -> memref<!tpu.dma_semaphore, #tpu.memory_space<semaphore_mem>>
        tpu.enqueue_indirect_dma source(%dma_start3A_886 : memref<100352x32xf32, #tpu.memory_space<hbm>>) target(%dma_start3A_880 : memref<104x32xf32, #tpu.memory_space<vmem>>) offsets(%dma_start3A_883 : memref<104xi32, #tpu.memory_space<vmem>>) semaphore(%dma_start3A_888 : memref<!tpu.dma_semaphore, #tpu.memory_space<semaphore_mem>>)
        %dma_start3A_889 = arith.constant 2 : i32
        %dma_start3A_890 = arith.constant 2 : i32
        %dma_start3A_891 = arith.constant 104 : i32
        %dma_start3A_892 = arith.constant 0 : i32
        %dma_start3A_893 = tpu.memref_slice %arg8[%dma_start3A_889, %dma_start3A_891, %dma_start3A_892] : memref<8x200x32xf32, #tpu.memory_space<vmem>> -> memref<1x96x32xf32, #tpu.memory_space<vmem>>
        %dma_start3A_894 = tpu.memref_squeeze %dma_start3A_893 : memref<1x96x32xf32, #tpu.memory_space<vmem>> -> memref<96x32xf32, #tpu.memory_space<vmem>>
        %dma_start3A_895 = arith.constant 104 : i32
        %dma_start3A_896 = tpu.memref_slice %arg6[%add3A_874, %dma_start3A_895] : memref<128x200xi32, #tpu.memory_space<vmem>> -> memref<1x96xi32, #tpu.memory_space<vmem>>
        %dma_start3A_897 = tpu.memref_squeeze %dma_start3A_896 : memref<1x96xi32, #tpu.memory_space<vmem>> -> memref<96xi32, #tpu.memory_space<vmem>>
        %dma_start3A_898 = arith.constant 0 : i32
        %dma_start3A_899 = arith.constant 0 : i32
        %dma_start3A_900 = tpu.memref_slice %arg2[%dma_start3A_898, %dma_start3A_899] : memref<100352x32xf32, #tpu.memory_space<hbm>> -> memref<100352x32xf32, #tpu.memory_space<hbm>>
        %dma_start3A_901 = tpu.memref_slice %arg10[%dma_start3A_890] : memref<8x!tpu.dma_semaphore, #tpu.memory_space<semaphore_mem>> -> memref<1x!tpu.dma_semaphore, #tpu.memory_space<semaphore_mem>>
        %dma_start3A_902 = tpu.memref_squeeze %dma_start3A_901 : memref<1x!tpu.dma_semaphore, #tpu.memory_space<semaphore_mem>> -> memref<!tpu.dma_semaphore, #tpu.memory_space<semaphore_mem>>
        tpu.enqueue_indirect_dma source(%dma_start3A_900 : memref<100352x32xf32, #tpu.memory_space<hbm>>) target(%dma_start3A_894 : memref<96x32xf32, #tpu.memory_space<vmem>>) offsets(%dma_start3A_897 : memref<96xi32, #tpu.memory_space<vmem>>) semaphore(%dma_start3A_902 : memref<!tpu.dma_semaphore, #tpu.memory_space<semaphore_mem>>)
      } else {
      }
      %mul3A_488 = arith.constant 8 : i32
      %mul3A_489 = arith.muli %scan3A_266, %mul3A_488 : i32
      %add3A_490 = arith.constant 3 : i32
      %add3A_491 = arith.addi %mul3A_489, %add3A_490 : i32
      %dma_wait3A_492 = arith.constant 3 : i32
      %dma_wait3A_493 = arith.constant 3 : i32
      %dma_wait3A_494 = arith.constant 0 : i32
      %dma_wait3A_495 = arith.constant 0 : i32
      %dma_wait3A_496 = tpu.memref_slice %arg8[%dma_wait3A_492, %dma_wait3A_494, %dma_wait3A_495] : memref<8x200x32xf32, #tpu.memory_space<vmem>> -> memref<1x104x32xf32, #tpu.memory_space<vmem>>
      %dma_wait3A_497 = tpu.memref_squeeze %dma_wait3A_496 : memref<1x104x32xf32, #tpu.memory_space<vmem>> -> memref<104x32xf32, #tpu.memory_space<vmem>>
      %dma_wait3A_498 = arith.constant 0 : i32
      %dma_wait3A_499 = tpu.memref_slice %arg6[%add3A_491, %dma_wait3A_498] : memref<128x200xi32, #tpu.memory_space<vmem>> -> memref<1x104xi32, #tpu.memory_space<vmem>>
      %dma_wait3A_500 = tpu.memref_squeeze %dma_wait3A_499 : memref<1x104xi32, #tpu.memory_space<vmem>> -> memref<104xi32, #tpu.memory_space<vmem>>
      %dma_wait3A_501 = arith.constant 0 : i32
      %dma_wait3A_502 = arith.constant 0 : i32
      %dma_wait3A_503 = tpu.memref_slice %arg2[%dma_wait3A_501, %dma_wait3A_502] : memref<100352x32xf32, #tpu.memory_space<hbm>> -> memref<100352x32xf32, #tpu.memory_space<hbm>>
      %dma_wait3A_504 = tpu.memref_slice %arg10[%dma_wait3A_493] : memref<8x!tpu.dma_semaphore, #tpu.memory_space<semaphore_mem>> -> memref<1x!tpu.dma_semaphore, #tpu.memory_space<semaphore_mem>>
      %dma_wait3A_505 = tpu.memref_squeeze %dma_wait3A_504 : memref<1x!tpu.dma_semaphore, #tpu.memory_space<semaphore_mem>> -> memref<!tpu.dma_semaphore, #tpu.memory_space<semaphore_mem>>
      tpu.wait_indirect_dma semaphore(%dma_wait3A_505 : memref<!tpu.dma_semaphore, #tpu.memory_space<semaphore_mem>>) src(%dma_wait3A_503 : memref<100352x32xf32, #tpu.memory_space<hbm>>) dst(%dma_wait3A_497 : memref<104x32xf32, #tpu.memory_space<vmem>>)
      %dma_wait3A_506 = arith.constant 3 : i32
      %dma_wait3A_507 = arith.constant 3 : i32
      %dma_wait3A_508 = arith.constant 104 : i32
      %dma_wait3A_509 = arith.constant 0 : i32
      %dma_wait3A_510 = tpu.memref_slice %arg8[%dma_wait3A_506, %dma_wait3A_508, %dma_wait3A_509] : memref<8x200x32xf32, #tpu.memory_space<vmem>> -> memref<1x96x32xf32, #tpu.memory_space<vmem>>
      %dma_wait3A_511 = tpu.memref_squeeze %dma_wait3A_510 : memref<1x96x32xf32, #tpu.memory_space<vmem>> -> memref<96x32xf32, #tpu.memory_space<vmem>>
      %dma_wait3A_512 = arith.constant 104 : i32
      %dma_wait3A_513 = tpu.memref_slice %arg6[%add3A_491, %dma_wait3A_512] : memref<128x200xi32, #tpu.memory_space<vmem>> -> memref<1x96xi32, #tpu.memory_space<vmem>>
      %dma_wait3A_514 = tpu.memref_squeeze %dma_wait3A_513 : memref<1x96xi32, #tpu.memory_space<vmem>> -> memref<96xi32, #tpu.memory_space<vmem>>
      %dma_wait3A_515 = arith.constant 0 : i32
      %dma_wait3A_516 = arith.constant 0 : i32
      %dma_wait3A_517 = tpu.memref_slice %arg2[%dma_wait3A_515, %dma_wait3A_516] : memref<100352x32xf32, #tpu.memory_space<hbm>> -> memref<100352x32xf32, #tpu.memory_space<hbm>>
      %dma_wait3A_518 = tpu.memref_slice %arg10[%dma_wait3A_507] : memref<8x!tpu.dma_semaphore, #tpu.memory_space<semaphore_mem>> -> memref<1x!tpu.dma_semaphore, #tpu.memory_space<semaphore_mem>>
      %dma_wait3A_519 = tpu.memref_squeeze %dma_wait3A_518 : memref<1x!tpu.dma_semaphore, #tpu.memory_space<semaphore_mem>> -> memref<!tpu.dma_semaphore, #tpu.memory_space<semaphore_mem>>
      tpu.wait_indirect_dma semaphore(%dma_wait3A_519 : memref<!tpu.dma_semaphore, #tpu.memory_space<semaphore_mem>>) src(%dma_wait3A_517 : memref<100352x32xf32, #tpu.memory_space<hbm>>) dst(%dma_wait3A_511 : memref<96x32xf32, #tpu.memory_space<vmem>>)
      %scan3A_520 = arith.constant 0 : i32
      %scan3A_521 = arith.constant 25 : i32
      %scan3A_522 = arith.addi %scan3A_520, %scan3A_521 : i32
      %scan3A_523 = arith.constant 1 : i32
      %scan3A_524:4 = scf.for %scan3A_873 = %scan3A_520 to %scan3A_522 step %scan3A_523 iter_args(%scan3A_874 = %get3A_15, %scan3A_875 = %get3A_17, %scan3A_876 = %broadcast_in_dim3A_258, %scan3A_877 = %broadcast_in_dim3A_258) -> (vector<16xf32>, vector<16xf32>, vector<16xf32>, vector<16xf32>)  : i32 {
        %mul3A_878 = arith.constant 8 : i32
        %mul3A_879 = arith.muli %scan3A_873, %mul3A_878 : i32
        %add3A_880 = arith.constant 0 : i32
        %add3A_881 = arith.addi %mul3A_879, %add3A_880 : i32
        %get3A_882 = arith.constant 3 : i32
        %get3A_883 = arith.index_cast %get3A_882 : i32 to index
        %get3A_884 = arith.index_cast %add3A_881 : i32 to index
        %get3A_885 = arith.constant 0 : index
        %get3A_886 = tpu.vector_load %arg8[%get3A_883, %get3A_884, %get3A_885] {strides = array<i32>} : memref<8x200x32xf32, #tpu.memory_space<vmem>>, vector<16xf32>,
        %get3A_887 = arith.constant 3 : i32
        %get3A_888 = arith.index_cast %get3A_887 : i32 to index
        %get3A_889 = arith.index_cast %add3A_881 : i32 to index
        %get3A_890 = arith.constant 16 : index
        %get3A_891 = tpu.vector_load %arg8[%get3A_888, %get3A_889, %get3A_890] {strides = array<i32>} : memref<8x200x32xf32, #tpu.memory_space<vmem>>, vector<16xf32>,
        %add3A_892 = arith.addf %scan3A_874, %get3A_886 : vector<16xf32>
        %add3A_893 = arith.addf %scan3A_875, %get3A_891 : vector<16xf32>
        %mul3A_894 = arith.constant 8 : i32
        %mul3A_895 = arith.muli %scan3A_873, %mul3A_894 : i32
        %add3A_896 = arith.constant 1 : i32
        %add3A_897 = arith.addi %mul3A_895, %add3A_896 : i32
        %get3A_898 = arith.constant 3 : i32
        %get3A_899 = arith.index_cast %get3A_898 : i32 to index
        %get3A_900 = arith.index_cast %add3A_897 : i32 to index
        %get3A_901 = arith.constant 0 : index
        %get3A_902 = tpu.vector_load %arg8[%get3A_899, %get3A_900, %get3A_901] {strides = array<i32>} : memref<8x200x32xf32, #tpu.memory_space<vmem>>, vector<16xf32>,
        %get3A_903 = arith.constant 3 : i32
        %get3A_904 = arith.index_cast %get3A_903 : i32 to index
        %get3A_905 = arith.index_cast %add3A_897 : i32 to index
        %get3A_906 = arith.constant 16 : index
        %get3A_907 = tpu.vector_load %arg8[%get3A_904, %get3A_905, %get3A_906] {strides = array<i32>} : memref<8x200x32xf32, #tpu.memory_space<vmem>>, vector<16xf32>,
        %add3A_908 = arith.addf %scan3A_876, %get3A_902 : vector<16xf32>
        %add3A_909 = arith.addf %scan3A_877, %get3A_907 : vector<16xf32>
        %mul3A_910 = arith.constant 8 : i32
        %mul3A_911 = arith.muli %scan3A_873, %mul3A_910 : i32
        %add3A_912 = arith.constant 2 : i32
        %add3A_913 = arith.addi %mul3A_911, %add3A_912 : i32
        %get3A_914 = arith.constant 3 : i32
        %get3A_915 = arith.index_cast %get3A_914 : i32 to index
        %get3A_916 = arith.index_cast %add3A_913 : i32 to index
        %get3A_917 = arith.constant 0 : index
        %get3A_918 = tpu.vector_load %arg8[%get3A_915, %get3A_916, %get3A_917] {strides = array<i32>} : memref<8x200x32xf32, #tpu.memory_space<vmem>>, vector<16xf32>,
        %get3A_919 = arith.constant 3 : i32
        %get3A_920 = arith.index_cast %get3A_919 : i32 to index
        %get3A_921 = arith.index_cast %add3A_913 : i32 to index
        %get3A_922 = arith.constant 16 : index
        %get3A_923 = tpu.vector_load %arg8[%get3A_920, %get3A_921, %get3A_922] {strides = array<i32>} : memref<8x200x32xf32, #tpu.memory_space<vmem>>, vector<16xf32>,
        %add3A_924 = arith.addf %add3A_892, %get3A_918 : vector<16xf32>
        %add3A_925 = arith.addf %add3A_893, %get3A_923 : vector<16xf32>
        %mul3A_926 = arith.constant 8 : i32
        %mul3A_927 = arith.muli %scan3A_873, %mul3A_926 : i32
        %add3A_928 = arith.constant 3 : i32
        %add3A_929 = arith.addi %mul3A_927, %add3A_928 : i32
        %get3A_930 = arith.constant 3 : i32
        %get3A_931 = arith.index_cast %get3A_930 : i32 to index
        %get3A_932 = arith.index_cast %add3A_929 : i32 to index
        %get3A_933 = arith.constant 0 : index
        %get3A_934 = tpu.vector_load %arg8[%get3A_931, %get3A_932, %get3A_933] {strides = array<i32>} : memref<8x200x32xf32, #tpu.memory_space<vmem>>, vector<16xf32>,
        %get3A_935 = arith.constant 3 : i32
        %get3A_936 = arith.index_cast %get3A_935 : i32 to index
        %get3A_937 = arith.index_cast %add3A_929 : i32 to index
        %get3A_938 = arith.constant 16 : index
        %get3A_939 = tpu.vector_load %arg8[%get3A_936, %get3A_937, %get3A_938] {strides = array<i32>} : memref<8x200x32xf32, #tpu.memory_space<vmem>>, vector<16xf32>,
        %add3A_940 = arith.addf %add3A_908, %get3A_934 : vector<16xf32>
        %add3A_941 = arith.addf %add3A_909, %get3A_939 : vector<16xf32>
        %mul3A_942 = arith.constant 8 : i32
        %mul3A_943 = arith.muli %scan3A_873, %mul3A_942 : i32
        %add3A_944 = arith.constant 4 : i32
        %add3A_945 = arith.addi %mul3A_943, %add3A_944 : i32
        %get3A_946 = arith.constant 3 : i32
        %get3A_947 = arith.index_cast %get3A_946 : i32 to index
        %get3A_948 = arith.index_cast %add3A_945 : i32 to index
        %get3A_949 = arith.constant 0 : index
        %get3A_950 = tpu.vector_load %arg8[%get3A_947, %get3A_948, %get3A_949] {strides = array<i32>} : memref<8x200x32xf32, #tpu.memory_space<vmem>>, vector<16xf32>,
        %get3A_951 = arith.constant 3 : i32
        %get3A_952 = arith.index_cast %get3A_951 : i32 to index
        %get3A_953 = arith.index_cast %add3A_945 : i32 to index
        %get3A_954 = arith.constant 16 : index
        %get3A_955 = tpu.vector_load %arg8[%get3A_952, %get3A_953, %get3A_954] {strides = array<i32>} : memref<8x200x32xf32, #tpu.memory_space<vmem>>, vector<16xf32>,
        %add3A_956 = arith.addf %add3A_924, %get3A_950 : vector<16xf32>
        %add3A_957 = arith.addf %add3A_925, %get3A_955 : vector<16xf32>
        %mul3A_958 = arith.constant 8 : i32
        %mul3A_959 = arith.muli %scan3A_873, %mul3A_958 : i32
        %add3A_960 = arith.constant 5 : i32
        %add3A_961 = arith.addi %mul3A_959, %add3A_960 : i32
        %get3A_962 = arith.constant 3 : i32
        %get3A_963 = arith.index_cast %get3A_962 : i32 to index
        %get3A_964 = arith.index_cast %add3A_961 : i32 to index
        %get3A_965 = arith.constant 0 : index
        %get3A_966 = tpu.vector_load %arg8[%get3A_963, %get3A_964, %get3A_965] {strides = array<i32>} : memref<8x200x32xf32, #tpu.memory_space<vmem>>, vector<16xf32>,
        %get3A_967 = arith.constant 3 : i32
        %get3A_968 = arith.index_cast %get3A_967 : i32 to index
        %get3A_969 = arith.index_cast %add3A_961 : i32 to index
        %get3A_970 = arith.constant 16 : index
        %get3A_971 = tpu.vector_load %arg8[%get3A_968, %get3A_969, %get3A_970] {strides = array<i32>} : memref<8x200x32xf32, #tpu.memory_space<vmem>>, vector<16xf32>,
        %add3A_972 = arith.addf %add3A_940, %get3A_966 : vector<16xf32>
        %add3A_973 = arith.addf %add3A_941, %get3A_971 : vector<16xf32>
        %mul3A_974 = arith.constant 8 : i32
        %mul3A_975 = arith.muli %scan3A_873, %mul3A_974 : i32
        %add3A_976 = arith.constant 6 : i32
        %add3A_977 = arith.addi %mul3A_975, %add3A_976 : i32
        %get3A_978 = arith.constant 3 : i32
        %get3A_979 = arith.index_cast %get3A_978 : i32 to index
        %get3A_980 = arith.index_cast %add3A_977 : i32 to index
        %get3A_981 = arith.constant 0 : index
        %get3A_982 = tpu.vector_load %arg8[%get3A_979, %get3A_980, %get3A_981] {strides = array<i32>} : memref<8x200x32xf32, #tpu.memory_space<vmem>>, vector<16xf32>,
        %get3A_983 = arith.constant 3 : i32
        %get3A_984 = arith.index_cast %get3A_983 : i32 to index
        %get3A_985 = arith.index_cast %add3A_977 : i32 to index
        %get3A_986 = arith.constant 16 : index
        %get3A_987 = tpu.vector_load %arg8[%get3A_984, %get3A_985, %get3A_986] {strides = array<i32>} : memref<8x200x32xf32, #tpu.memory_space<vmem>>, vector<16xf32>,
        %add3A_988 = arith.addf %add3A_956, %get3A_982 : vector<16xf32>
        %add3A_989 = arith.addf %add3A_957, %get3A_987 : vector<16xf32>
        %mul3A_990 = arith.constant 8 : i32
        %mul3A_991 = arith.muli %scan3A_873, %mul3A_990 : i32
        %add3A_992 = arith.constant 7 : i32
        %add3A_993 = arith.addi %mul3A_991, %add3A_992 : i32
        %get3A_994 = arith.constant 3 : i32
        %get3A_995 = arith.index_cast %get3A_994 : i32 to index
        %get3A_996 = arith.index_cast %add3A_993 : i32 to index
        %get3A_997 = arith.constant 0 : index
        %get3A_998 = tpu.vector_load %arg8[%get3A_995, %get3A_996, %get3A_997] {strides = array<i32>} : memref<8x200x32xf32, #tpu.memory_space<vmem>>, vector<16xf32>,
        %get3A_999 = arith.constant 3 : i32
        %get3A_1000 = arith.index_cast %get3A_999 : i32 to index
        %get3A_1001 = arith.index_cast %add3A_993 : i32 to index
        %get3A_1002 = arith.constant 16 : index
        %get3A_1003 = tpu.vector_load %arg8[%get3A_1000, %get3A_1001, %get3A_1002] {strides = array<i32>} : memref<8x200x32xf32, #tpu.memory_space<vmem>>, vector<16xf32>,
        %add3A_1004 = arith.addf %add3A_972, %get3A_998 : vector<16xf32>
        %add3A_1005 = arith.addf %add3A_973, %get3A_1003 : vector<16xf32>
        scf.yield %add3A_988, %add3A_989, %add3A_1004, %add3A_1005 : vector<16xf32>, vector<16xf32>, vector<16xf32>, vector<16xf32>
      }
      %scan3A_525 = arith.constant 25 : i32
      %add3A_526 = arith.addf %scan3A_524#0, %scan3A_524#2 : vector<16xf32>
      %add3A_527 = arith.addf %scan3A_524#1, %scan3A_524#3 : vector<16xf32>
      %reduce_max3A_528 = arith.constant true
      %reduce_max3A_529 = vector.broadcast %reduce_max3A_528 : i1 to vector<16xi1>
      %reduce_max3A_530 = tpu.scan <max>, %add3A_526 masked %reduce_max3A_529 : vector<16xf32>, vector<16xi1> -> vector<16xf32>
      %reduce_max3A_531 = vector.extract %reduce_max3A_530[15] : f32 from vector<16xf32>
      %reduce_max3A_532 = arith.constant true
      %reduce_max3A_533 = vector.broadcast %reduce_max3A_532 : i1 to vector<16xi1>
      %reduce_max3A_534 = tpu.scan <max>, %add3A_527 masked %reduce_max3A_533 : vector<16xf32>, vector<16xi1> -> vector<16xf32>
      %reduce_max3A_535 = vector.extract %reduce_max3A_534[15] : f32 from vector<16xf32>
      %max3A_536 = arith.maximumf %reduce_max3A_531, %reduce_max3A_535 : f32
      %broadcast_in_dim3A_537 = vector.broadcast %max3A_536 : f32 to vector<16xf32>
      %sub3A_538 = arith.subf %add3A_526, %broadcast_in_dim3A_537 : vector<16xf32>
      %exp3A_539 = math.exp %sub3A_538 : vector<16xf32>
      %sub3A_540 = arith.subf %add3A_527, %broadcast_in_dim3A_537 : vector<16xf32>
      %exp3A_541 = math.exp %sub3A_540 : vector<16xf32>
      %reduce_sum3A_542 = arith.constant true
      %reduce_sum3A_543 = vector.broadcast %reduce_sum3A_542 : i1 to vector<16xi1>
      %reduce_sum3A_544 = tpu.scan <sum>, %exp3A_539 masked %reduce_sum3A_543 : vector<16xf32>, vector<16xi1> -> vector<16xf32>
      %reduce_sum3A_545 = vector.extract %reduce_sum3A_544[15] : f32 from vector<16xf32>
      %reduce_sum3A_546 = arith.constant true
      %reduce_sum3A_547 = vector.broadcast %reduce_sum3A_546 : i1 to vector<16xi1>
      %reduce_sum3A_548 = tpu.scan <sum>, %exp3A_541 masked %reduce_sum3A_547 : vector<16xf32>, vector<16xi1> -> vector<16xf32>
      %reduce_sum3A_549 = vector.extract %reduce_sum3A_548[15] : f32 from vector<16xf32>
      %add3A_550 = arith.addf %reduce_sum3A_545, %reduce_sum3A_549 : f32
      %broadcast_in_dim3A_551 = vector.broadcast %add3A_550 : f32 to vector<16xf32>
      %div3A_552 = arith.divf %exp3A_539, %broadcast_in_dim3A_551 : vector<16xf32>
      %swap3A_553 = arith.index_cast %add3A_491 : i32 to index
      %swap3A_554 = arith.constant 0 : index
      %swap3A_555 = tpu.vector_load %arg9[%swap3A_553, %swap3A_554] {strides = array<i32>} : memref<128x32xf32, #tpu.memory_space<vmem>>, vector<16xf32>,
      tpu.vector_store %arg9[%swap3A_553, %swap3A_554], %div3A_552 {strides = array<i32>} : memref<128x32xf32, #tpu.memory_space<vmem>>, vector<16xf32>,
      %div3A_556 = arith.divf %exp3A_541, %broadcast_in_dim3A_551 : vector<16xf32>
      %swap3A_557 = arith.index_cast %add3A_491 : i32 to index
      %swap3A_558 = arith.constant 16 : index
      %swap3A_559 = tpu.vector_load %arg9[%swap3A_557, %swap3A_558] {strides = array<i32>} : memref<128x32xf32, #tpu.memory_space<vmem>>, vector<16xf32>,
      tpu.vector_store %arg9[%swap3A_557, %swap3A_558], %div3A_556 {strides = array<i32>} : memref<128x32xf32, #tpu.memory_space<vmem>>, vector<16xf32>,
      %lt3A_560 = arith.constant 15 : i32
      %lt3A_561 = arith.cmpi slt, %scan3A_266, %lt3A_560 : i32
      %convert_element_type3A_562 = arith.extui %lt3A_561 : i1 to i32
      %cond3A_563 = arith.constant 0 : i32
      %cond3A_564 = arith.cmpi ne, %convert_element_type3A_562, %cond3A_563 : i32
      scf.if %cond3A_564 {
        %add3A_873 = arith.constant 8 : i32
        %add3A_874 = arith.addi %add3A_491, %add3A_873 : i32
        %dma_start3A_875 = arith.constant 3 : i32
        %dma_start3A_876 = arith.constant 3 : i32
        %dma_start3A_877 = arith.constant 0 : i32
        %dma_start3A_878 = arith.constant 0 : i32
        %dma_start3A_879 = tpu.memref_slice %arg8[%dma_start3A_875, %dma_start3A_877, %dma_start3A_878] : memref<8x200x32xf32, #tpu.memory_space<vmem>> -> memref<1x104x32xf32, #tpu.memory_space<vmem>>
        %dma_start3A_880 = tpu.memref_squeeze %dma_start3A_879 : memref<1x104x32xf32, #tpu.memory_space<vmem>> -> memref<104x32xf32, #tpu.memory_space<vmem>>
        %dma_start3A_881 = arith.constant 0 : i32
        %dma_start3A_882 = tpu.memref_slice %arg6[%add3A_874, %dma_start3A_881] : memref<128x200xi32, #tpu.memory_space<vmem>> -> memref<1x104xi32, #tpu.memory_space<vmem>>
        %dma_start3A_883 = tpu.memref_squeeze %dma_start3A_882 : memref<1x104xi32, #tpu.memory_space<vmem>> -> memref<104xi32, #tpu.memory_space<vmem>>
        %dma_start3A_884 = arith.constant 0 : i32
        %dma_start3A_885 = arith.constant 0 : i32
        %dma_start3A_886 = tpu.memref_slice %arg2[%dma_start3A_884, %dma_start3A_885] : memref<100352x32xf32, #tpu.memory_space<hbm>> -> memref<100352x32xf32, #tpu.memory_space<hbm>>
        %dma_start3A_887 = tpu.memref_slice %arg10[%dma_start3A_876] : memref<8x!tpu.dma_semaphore, #tpu.memory_space<semaphore_mem>> -> memref<1x!tpu.dma_semaphore, #tpu.memory_space<semaphore_mem>>
        %dma_start3A_888 = tpu.memref_squeeze %dma_start3A_887 : memref<1x!tpu.dma_semaphore, #tpu.memory_space<semaphore_mem>> -> memref<!tpu.dma_semaphore, #tpu.memory_space<semaphore_mem>>
        tpu.enqueue_indirect_dma source(%dma_start3A_886 : memref<100352x32xf32, #tpu.memory_space<hbm>>) target(%dma_start3A_880 : memref<104x32xf32, #tpu.memory_space<vmem>>) offsets(%dma_start3A_883 : memref<104xi32, #tpu.memory_space<vmem>>) semaphore(%dma_start3A_888 : memref<!tpu.dma_semaphore, #tpu.memory_space<semaphore_mem>>)
        %dma_start3A_889 = arith.constant 3 : i32
        %dma_start3A_890 = arith.constant 3 : i32
        %dma_start3A_891 = arith.constant 104 : i32
        %dma_start3A_892 = arith.constant 0 : i32
        %dma_start3A_893 = tpu.memref_slice %arg8[%dma_start3A_889, %dma_start3A_891, %dma_start3A_892] : memref<8x200x32xf32, #tpu.memory_space<vmem>> -> memref<1x96x32xf32, #tpu.memory_space<vmem>>
        %dma_start3A_894 = tpu.memref_squeeze %dma_start3A_893 : memref<1x96x32xf32, #tpu.memory_space<vmem>> -> memref<96x32xf32, #tpu.memory_space<vmem>>
        %dma_start3A_895 = arith.constant 104 : i32
        %dma_start3A_896 = tpu.memref_slice %arg6[%add3A_874, %dma_start3A_895] : memref<128x200xi32, #tpu.memory_space<vmem>> -> memref<1x96xi32, #tpu.memory_space<vmem>>
        %dma_start3A_897 = tpu.memref_squeeze %dma_start3A_896 : memref<1x96xi32, #tpu.memory_space<vmem>> -> memref<96xi32, #tpu.memory_space<vmem>>
        %dma_start3A_898 = arith.constant 0 : i32
        %dma_start3A_899 = arith.constant 0 : i32
        %dma_start3A_900 = tpu.memref_slice %arg2[%dma_start3A_898, %dma_start3A_899] : memref<100352x32xf32, #tpu.memory_space<hbm>> -> memref<100352x32xf32, #tpu.memory_space<hbm>>
        %dma_start3A_901 = tpu.memref_slice %arg10[%dma_start3A_890] : memref<8x!tpu.dma_semaphore, #tpu.memory_space<semaphore_mem>> -> memref<1x!tpu.dma_semaphore, #tpu.memory_space<semaphore_mem>>
        %dma_start3A_902 = tpu.memref_squeeze %dma_start3A_901 : memref<1x!tpu.dma_semaphore, #tpu.memory_space<semaphore_mem>> -> memref<!tpu.dma_semaphore, #tpu.memory_space<semaphore_mem>>
        tpu.enqueue_indirect_dma source(%dma_start3A_900 : memref<100352x32xf32, #tpu.memory_space<hbm>>) target(%dma_start3A_894 : memref<96x32xf32, #tpu.memory_space<vmem>>) offsets(%dma_start3A_897 : memref<96xi32, #tpu.memory_space<vmem>>) semaphore(%dma_start3A_902 : memref<!tpu.dma_semaphore, #tpu.memory_space<semaphore_mem>>)
      } else {
      }
      %mul3A_565 = arith.constant 8 : i32
      %mul3A_566 = arith.muli %scan3A_266, %mul3A_565 : i32
      %add3A_567 = arith.constant 4 : i32
      %add3A_568 = arith.addi %mul3A_566, %add3A_567 : i32
      %dma_wait3A_569 = arith.constant 4 : i32
      %dma_wait3A_570 = arith.constant 4 : i32
      %dma_wait3A_571 = arith.constant 0 : i32
      %dma_wait3A_572 = arith.constant 0 : i32
      %dma_wait3A_573 = tpu.memref_slice %arg8[%dma_wait3A_569, %dma_wait3A_571, %dma_wait3A_572] : memref<8x200x32xf32, #tpu.memory_space<vmem>> -> memref<1x104x32xf32, #tpu.memory_space<vmem>>
      %dma_wait3A_574 = tpu.memref_squeeze %dma_wait3A_573 : memref<1x104x32xf32, #tpu.memory_space<vmem>> -> memref<104x32xf32, #tpu.memory_space<vmem>>
      %dma_wait3A_575 = arith.constant 0 : i32
      %dma_wait3A_576 = tpu.memref_slice %arg6[%add3A_568, %dma_wait3A_575] : memref<128x200xi32, #tpu.memory_space<vmem>> -> memref<1x104xi32, #tpu.memory_space<vmem>>
      %dma_wait3A_577 = tpu.memref_squeeze %dma_wait3A_576 : memref<1x104xi32, #tpu.memory_space<vmem>> -> memref<104xi32, #tpu.memory_space<vmem>>
      %dma_wait3A_578 = arith.constant 0 : i32
      %dma_wait3A_579 = arith.constant 0 : i32
      %dma_wait3A_580 = tpu.memref_slice %arg2[%dma_wait3A_578, %dma_wait3A_579] : memref<100352x32xf32, #tpu.memory_space<hbm>> -> memref<100352x32xf32, #tpu.memory_space<hbm>>
      %dma_wait3A_581 = tpu.memref_slice %arg10[%dma_wait3A_570] : memref<8x!tpu.dma_semaphore, #tpu.memory_space<semaphore_mem>> -> memref<1x!tpu.dma_semaphore, #tpu.memory_space<semaphore_mem>>
      %dma_wait3A_582 = tpu.memref_squeeze %dma_wait3A_581 : memref<1x!tpu.dma_semaphore, #tpu.memory_space<semaphore_mem>> -> memref<!tpu.dma_semaphore, #tpu.memory_space<semaphore_mem>>
      tpu.wait_indirect_dma semaphore(%dma_wait3A_582 : memref<!tpu.dma_semaphore, #tpu.memory_space<semaphore_mem>>) src(%dma_wait3A_580 : memref<100352x32xf32, #tpu.memory_space<hbm>>) dst(%dma_wait3A_574 : memref<104x32xf32, #tpu.memory_space<vmem>>)
      %dma_wait3A_583 = arith.constant 4 : i32
      %dma_wait3A_584 = arith.constant 4 : i32
      %dma_wait3A_585 = arith.constant 104 : i32
      %dma_wait3A_586 = arith.constant 0 : i32
      %dma_wait3A_587 = tpu.memref_slice %arg8[%dma_wait3A_583, %dma_wait3A_585, %dma_wait3A_586] : memref<8x200x32xf32, #tpu.memory_space<vmem>> -> memref<1x96x32xf32, #tpu.memory_space<vmem>>
      %dma_wait3A_588 = tpu.memref_squeeze %dma_wait3A_587 : memref<1x96x32xf32, #tpu.memory_space<vmem>> -> memref<96x32xf32, #tpu.memory_space<vmem>>
      %dma_wait3A_589 = arith.constant 104 : i32
      %dma_wait3A_590 = tpu.memref_slice %arg6[%add3A_568, %dma_wait3A_589] : memref<128x200xi32, #tpu.memory_space<vmem>> -> memref<1x96xi32, #tpu.memory_space<vmem>>
      %dma_wait3A_591 = tpu.memref_squeeze %dma_wait3A_590 : memref<1x96xi32, #tpu.memory_space<vmem>> -> memref<96xi32, #tpu.memory_space<vmem>>
      %dma_wait3A_592 = arith.constant 0 : i32
      %dma_wait3A_593 = arith.constant 0 : i32
      %dma_wait3A_594 = tpu.memref_slice %arg2[%dma_wait3A_592, %dma_wait3A_593] : memref<100352x32xf32, #tpu.memory_space<hbm>> -> memref<100352x32xf32, #tpu.memory_space<hbm>>
      %dma_wait3A_595 = tpu.memref_slice %arg10[%dma_wait3A_584] : memref<8x!tpu.dma_semaphore, #tpu.memory_space<semaphore_mem>> -> memref<1x!tpu.dma_semaphore, #tpu.memory_space<semaphore_mem>>
      %dma_wait3A_596 = tpu.memref_squeeze %dma_wait3A_595 : memref<1x!tpu.dma_semaphore, #tpu.memory_space<semaphore_mem>> -> memref<!tpu.dma_semaphore, #tpu.memory_space<semaphore_mem>>
      tpu.wait_indirect_dma semaphore(%dma_wait3A_596 : memref<!tpu.dma_semaphore, #tpu.memory_space<semaphore_mem>>) src(%dma_wait3A_594 : memref<100352x32xf32, #tpu.memory_space<hbm>>) dst(%dma_wait3A_588 : memref<96x32xf32, #tpu.memory_space<vmem>>)
      %scan3A_597 = arith.constant 0 : i32
      %scan3A_598 = arith.constant 25 : i32
      %scan3A_599 = arith.addi %scan3A_597, %scan3A_598 : i32
      %scan3A_600 = arith.constant 1 : i32
      %scan3A_601:4 = scf.for %scan3A_873 = %scan3A_597 to %scan3A_599 step %scan3A_600 iter_args(%scan3A_874 = %get3A_15, %scan3A_875 = %get3A_17, %scan3A_876 = %broadcast_in_dim3A_258, %scan3A_877 = %broadcast_in_dim3A_258) -> (vector<16xf32>, vector<16xf32>, vector<16xf32>, vector<16xf32>)  : i32 {
        %mul3A_878 = arith.constant 8 : i32
        %mul3A_879 = arith.muli %scan3A_873, %mul3A_878 : i32
        %add3A_880 = arith.constant 0 : i32
        %add3A_881 = arith.addi %mul3A_879, %add3A_880 : i32
        %get3A_882 = arith.constant 4 : i32
        %get3A_883 = arith.index_cast %get3A_882 : i32 to index
        %get3A_884 = arith.index_cast %add3A_881 : i32 to index
        %get3A_885 = arith.constant 0 : index
        %get3A_886 = tpu.vector_load %arg8[%get3A_883, %get3A_884, %get3A_885] {strides = array<i32>} : memref<8x200x32xf32, #tpu.memory_space<vmem>>, vector<16xf32>,
        %get3A_887 = arith.constant 4 : i32
        %get3A_888 = arith.index_cast %get3A_887 : i32 to index
        %get3A_889 = arith.index_cast %add3A_881 : i32 to index
        %get3A_890 = arith.constant 16 : index
        %get3A_891 = tpu.vector_load %arg8[%get3A_888, %get3A_889, %get3A_890] {strides = array<i32>} : memref<8x200x32xf32, #tpu.memory_space<vmem>>, vector<16xf32>,
        %add3A_892 = arith.addf %scan3A_874, %get3A_886 : vector<16xf32>
        %add3A_893 = arith.addf %scan3A_875, %get3A_891 : vector<16xf32>
        %mul3A_894 = arith.constant 8 : i32
        %mul3A_895 = arith.muli %scan3A_873, %mul3A_894 : i32
        %add3A_896 = arith.constant 1 : i32
        %add3A_897 = arith.addi %mul3A_895, %add3A_896 : i32
        %get3A_898 = arith.constant 4 : i32
        %get3A_899 = arith.index_cast %get3A_898 : i32 to index
        %get3A_900 = arith.index_cast %add3A_897 : i32 to index
        %get3A_901 = arith.constant 0 : index
        %get3A_902 = tpu.vector_load %arg8[%get3A_899, %get3A_900, %get3A_901] {strides = array<i32>} : memref<8x200x32xf32, #tpu.memory_space<vmem>>, vector<16xf32>,
        %get3A_903 = arith.constant 4 : i32
        %get3A_904 = arith.index_cast %get3A_903 : i32 to index
        %get3A_905 = arith.index_cast %add3A_897 : i32 to index
        %get3A_906 = arith.constant 16 : index
        %get3A_907 = tpu.vector_load %arg8[%get3A_904, %get3A_905, %get3A_906] {strides = array<i32>} : memref<8x200x32xf32, #tpu.memory_space<vmem>>, vector<16xf32>,
        %add3A_908 = arith.addf %scan3A_876, %get3A_902 : vector<16xf32>
        %add3A_909 = arith.addf %scan3A_877, %get3A_907 : vector<16xf32>
        %mul3A_910 = arith.constant 8 : i32
        %mul3A_911 = arith.muli %scan3A_873, %mul3A_910 : i32
        %add3A_912 = arith.constant 2 : i32
        %add3A_913 = arith.addi %mul3A_911, %add3A_912 : i32
        %get3A_914 = arith.constant 4 : i32
        %get3A_915 = arith.index_cast %get3A_914 : i32 to index
        %get3A_916 = arith.index_cast %add3A_913 : i32 to index
        %get3A_917 = arith.constant 0 : index
        %get3A_918 = tpu.vector_load %arg8[%get3A_915, %get3A_916, %get3A_917] {strides = array<i32>} : memref<8x200x32xf32, #tpu.memory_space<vmem>>, vector<16xf32>,
        %get3A_919 = arith.constant 4 : i32
        %get3A_920 = arith.index_cast %get3A_919 : i32 to index
        %get3A_921 = arith.index_cast %add3A_913 : i32 to index
        %get3A_922 = arith.constant 16 : index
        %get3A_923 = tpu.vector_load %arg8[%get3A_920, %get3A_921, %get3A_922] {strides = array<i32>} : memref<8x200x32xf32, #tpu.memory_space<vmem>>, vector<16xf32>,
        %add3A_924 = arith.addf %add3A_892, %get3A_918 : vector<16xf32>
        %add3A_925 = arith.addf %add3A_893, %get3A_923 : vector<16xf32>
        %mul3A_926 = arith.constant 8 : i32
        %mul3A_927 = arith.muli %scan3A_873, %mul3A_926 : i32
        %add3A_928 = arith.constant 3 : i32
        %add3A_929 = arith.addi %mul3A_927, %add3A_928 : i32
        %get3A_930 = arith.constant 4 : i32
        %get3A_931 = arith.index_cast %get3A_930 : i32 to index
        %get3A_932 = arith.index_cast %add3A_929 : i32 to index
        %get3A_933 = arith.constant 0 : index
        %get3A_934 = tpu.vector_load %arg8[%get3A_931, %get3A_932, %get3A_933] {strides = array<i32>} : memref<8x200x32xf32, #tpu.memory_space<vmem>>, vector<16xf32>,
        %get3A_935 = arith.constant 4 : i32
        %get3A_936 = arith.index_cast %get3A_935 : i32 to index
        %get3A_937 = arith.index_cast %add3A_929 : i32 to index
        %get3A_938 = arith.constant 16 : index
        %get3A_939 = tpu.vector_load %arg8[%get3A_936, %get3A_937, %get3A_938] {strides = array<i32>} : memref<8x200x32xf32, #tpu.memory_space<vmem>>, vector<16xf32>,
        %add3A_940 = arith.addf %add3A_908, %get3A_934 : vector<16xf32>
        %add3A_941 = arith.addf %add3A_909, %get3A_939 : vector<16xf32>
        %mul3A_942 = arith.constant 8 : i32
        %mul3A_943 = arith.muli %scan3A_873, %mul3A_942 : i32
        %add3A_944 = arith.constant 4 : i32
        %add3A_945 = arith.addi %mul3A_943, %add3A_944 : i32
        %get3A_946 = arith.constant 4 : i32
        %get3A_947 = arith.index_cast %get3A_946 : i32 to index
        %get3A_948 = arith.index_cast %add3A_945 : i32 to index
        %get3A_949 = arith.constant 0 : index
        %get3A_950 = tpu.vector_load %arg8[%get3A_947, %get3A_948, %get3A_949] {strides = array<i32>} : memref<8x200x32xf32, #tpu.memory_space<vmem>>, vector<16xf32>,
        %get3A_951 = arith.constant 4 : i32
        %get3A_952 = arith.index_cast %get3A_951 : i32 to index
        %get3A_953 = arith.index_cast %add3A_945 : i32 to index
        %get3A_954 = arith.constant 16 : index
        %get3A_955 = tpu.vector_load %arg8[%get3A_952, %get3A_953, %get3A_954] {strides = array<i32>} : memref<8x200x32xf32, #tpu.memory_space<vmem>>, vector<16xf32>,
        %add3A_956 = arith.addf %add3A_924, %get3A_950 : vector<16xf32>
        %add3A_957 = arith.addf %add3A_925, %get3A_955 : vector<16xf32>
        %mul3A_958 = arith.constant 8 : i32
        %mul3A_959 = arith.muli %scan3A_873, %mul3A_958 : i32
        %add3A_960 = arith.constant 5 : i32
        %add3A_961 = arith.addi %mul3A_959, %add3A_960 : i32
        %get3A_962 = arith.constant 4 : i32
        %get3A_963 = arith.index_cast %get3A_962 : i32 to index
        %get3A_964 = arith.index_cast %add3A_961 : i32 to index
        %get3A_965 = arith.constant 0 : index
        %get3A_966 = tpu.vector_load %arg8[%get3A_963, %get3A_964, %get3A_965] {strides = array<i32>} : memref<8x200x32xf32, #tpu.memory_space<vmem>>, vector<16xf32>,
        %get3A_967 = arith.constant 4 : i32
        %get3A_968 = arith.index_cast %get3A_967 : i32 to index
        %get3A_969 = arith.index_cast %add3A_961 : i32 to index
        %get3A_970 = arith.constant 16 : index
        %get3A_971 = tpu.vector_load %arg8[%get3A_968, %get3A_969, %get3A_970] {strides = array<i32>} : memref<8x200x32xf32, #tpu.memory_space<vmem>>, vector<16xf32>,
        %add3A_972 = arith.addf %add3A_940, %get3A_966 : vector<16xf32>
        %add3A_973 = arith.addf %add3A_941, %get3A_971 : vector<16xf32>
        %mul3A_974 = arith.constant 8 : i32
        %mul3A_975 = arith.muli %scan3A_873, %mul3A_974 : i32
        %add3A_976 = arith.constant 6 : i32
        %add3A_977 = arith.addi %mul3A_975, %add3A_976 : i32
        %get3A_978 = arith.constant 4 : i32
        %get3A_979 = arith.index_cast %get3A_978 : i32 to index
        %get3A_980 = arith.index_cast %add3A_977 : i32 to index
        %get3A_981 = arith.constant 0 : index
        %get3A_982 = tpu.vector_load %arg8[%get3A_979, %get3A_980, %get3A_981] {strides = array<i32>} : memref<8x200x32xf32, #tpu.memory_space<vmem>>, vector<16xf32>,
        %get3A_983 = arith.constant 4 : i32
        %get3A_984 = arith.index_cast %get3A_983 : i32 to index
        %get3A_985 = arith.index_cast %add3A_977 : i32 to index
        %get3A_986 = arith.constant 16 : index
        %get3A_987 = tpu.vector_load %arg8[%get3A_984, %get3A_985, %get3A_986] {strides = array<i32>} : memref<8x200x32xf32, #tpu.memory_space<vmem>>, vector<16xf32>,
        %add3A_988 = arith.addf %add3A_956, %get3A_982 : vector<16xf32>
        %add3A_989 = arith.addf %add3A_957, %get3A_987 : vector<16xf32>
        %mul3A_990 = arith.constant 8 : i32
        %mul3A_991 = arith.muli %scan3A_873, %mul3A_990 : i32
        %add3A_992 = arith.constant 7 : i32
        %add3A_993 = arith.addi %mul3A_991, %add3A_992 : i32
        %get3A_994 = arith.constant 4 : i32
        %get3A_995 = arith.index_cast %get3A_994 : i32 to index
        %get3A_996 = arith.index_cast %add3A_993 : i32 to index
        %get3A_997 = arith.constant 0 : index
        %get3A_998 = tpu.vector_load %arg8[%get3A_995, %get3A_996, %get3A_997] {strides = array<i32>} : memref<8x200x32xf32, #tpu.memory_space<vmem>>, vector<16xf32>,
        %get3A_999 = arith.constant 4 : i32
        %get3A_1000 = arith.index_cast %get3A_999 : i32 to index
        %get3A_1001 = arith.index_cast %add3A_993 : i32 to index
        %get3A_1002 = arith.constant 16 : index
        %get3A_1003 = tpu.vector_load %arg8[%get3A_1000, %get3A_1001, %get3A_1002] {strides = array<i32>} : memref<8x200x32xf32, #tpu.memory_space<vmem>>, vector<16xf32>,
        %add3A_1004 = arith.addf %add3A_972, %get3A_998 : vector<16xf32>
        %add3A_1005 = arith.addf %add3A_973, %get3A_1003 : vector<16xf32>
        scf.yield %add3A_988, %add3A_989, %add3A_1004, %add3A_1005 : vector<16xf32>, vector<16xf32>, vector<16xf32>, vector<16xf32>
      }
      %scan3A_602 = arith.constant 25 : i32
      %add3A_603 = arith.addf %scan3A_601#0, %scan3A_601#2 : vector<16xf32>
      %add3A_604 = arith.addf %scan3A_601#1, %scan3A_601#3 : vector<16xf32>
      %reduce_max3A_605 = arith.constant true
      %reduce_max3A_606 = vector.broadcast %reduce_max3A_605 : i1 to vector<16xi1>
      %reduce_max3A_607 = tpu.scan <max>, %add3A_603 masked %reduce_max3A_606 : vector<16xf32>, vector<16xi1> -> vector<16xf32>
      %reduce_max3A_608 = vector.extract %reduce_max3A_607[15] : f32 from vector<16xf32>
      %reduce_max3A_609 = arith.constant true
      %reduce_max3A_610 = vector.broadcast %reduce_max3A_609 : i1 to vector<16xi1>
      %reduce_max3A_611 = tpu.scan <max>, %add3A_604 masked %reduce_max3A_610 : vector<16xf32>, vector<16xi1> -> vector<16xf32>
      %reduce_max3A_612 = vector.extract %reduce_max3A_611[15] : f32 from vector<16xf32>
      %max3A_613 = arith.maximumf %reduce_max3A_608, %reduce_max3A_612 : f32
      %broadcast_in_dim3A_614 = vector.broadcast %max3A_613 : f32 to vector<16xf32>
      %sub3A_615 = arith.subf %add3A_603, %broadcast_in_dim3A_614 : vector<16xf32>
      %exp3A_616 = math.exp %sub3A_615 : vector<16xf32>
      %sub3A_617 = arith.subf %add3A_604, %broadcast_in_dim3A_614 : vector<16xf32>
      %exp3A_618 = math.exp %sub3A_617 : vector<16xf32>
      %reduce_sum3A_619 = arith.constant true
      %reduce_sum3A_620 = vector.broadcast %reduce_sum3A_619 : i1 to vector<16xi1>
      %reduce_sum3A_621 = tpu.scan <sum>, %exp3A_616 masked %reduce_sum3A_620 : vector<16xf32>, vector<16xi1> -> vector<16xf32>
      %reduce_sum3A_622 = vector.extract %reduce_sum3A_621[15] : f32 from vector<16xf32>
      %reduce_sum3A_623 = arith.constant true
      %reduce_sum3A_624 = vector.broadcast %reduce_sum3A_623 : i1 to vector<16xi1>
      %reduce_sum3A_625 = tpu.scan <sum>, %exp3A_618 masked %reduce_sum3A_624 : vector<16xf32>, vector<16xi1> -> vector<16xf32>
      %reduce_sum3A_626 = vector.extract %reduce_sum3A_625[15] : f32 from vector<16xf32>
      %add3A_627 = arith.addf %reduce_sum3A_622, %reduce_sum3A_626 : f32
      %broadcast_in_dim3A_628 = vector.broadcast %add3A_627 : f32 to vector<16xf32>
      %div3A_629 = arith.divf %exp3A_616, %broadcast_in_dim3A_628 : vector<16xf32>
      %swap3A_630 = arith.index_cast %add3A_568 : i32 to index
      %swap3A_631 = arith.constant 0 : index
      %swap3A_632 = tpu.vector_load %arg9[%swap3A_630, %swap3A_631] {strides = array<i32>} : memref<128x32xf32, #tpu.memory_space<vmem>>, vector<16xf32>,
      tpu.vector_store %arg9[%swap3A_630, %swap3A_631], %div3A_629 {strides = array<i32>} : memref<128x32xf32, #tpu.memory_space<vmem>>, vector<16xf32>,
      %div3A_633 = arith.divf %exp3A_618, %broadcast_in_dim3A_628 : vector<16xf32>
      %swap3A_634 = arith.index_cast %add3A_568 : i32 to index
      %swap3A_635 = arith.constant 16 : index
      %swap3A_636 = tpu.vector_load %arg9[%swap3A_634, %swap3A_635] {strides = array<i32>} : memref<128x32xf32, #tpu.memory_space<vmem>>, vector<16xf32>,
      tpu.vector_store %arg9[%swap3A_634, %swap3A_635], %div3A_633 {strides = array<i32>} : memref<128x32xf32, #tpu.memory_space<vmem>>, vector<16xf32>,
      %lt3A_637 = arith.constant 15 : i32
      %lt3A_638 = arith.cmpi slt, %scan3A_266, %lt3A_637 : i32
      %convert_element_type3A_639 = arith.extui %lt3A_638 : i1 to i32
      %cond3A_640 = arith.constant 0 : i32
      %cond3A_641 = arith.cmpi ne, %convert_element_type3A_639, %cond3A_640 : i32
      scf.if %cond3A_641 {
        %add3A_873 = arith.constant 8 : i32
        %add3A_874 = arith.addi %add3A_568, %add3A_873 : i32
        %dma_start3A_875 = arith.constant 4 : i32
        %dma_start3A_876 = arith.constant 4 : i32
        %dma_start3A_877 = arith.constant 0 : i32
        %dma_start3A_878 = arith.constant 0 : i32
        %dma_start3A_879 = tpu.memref_slice %arg8[%dma_start3A_875, %dma_start3A_877, %dma_start3A_878] : memref<8x200x32xf32, #tpu.memory_space<vmem>> -> memref<1x104x32xf32, #tpu.memory_space<vmem>>
        %dma_start3A_880 = tpu.memref_squeeze %dma_start3A_879 : memref<1x104x32xf32, #tpu.memory_space<vmem>> -> memref<104x32xf32, #tpu.memory_space<vmem>>
        %dma_start3A_881 = arith.constant 0 : i32
        %dma_start3A_882 = tpu.memref_slice %arg6[%add3A_874, %dma_start3A_881] : memref<128x200xi32, #tpu.memory_space<vmem>> -> memref<1x104xi32, #tpu.memory_space<vmem>>
        %dma_start3A_883 = tpu.memref_squeeze %dma_start3A_882 : memref<1x104xi32, #tpu.memory_space<vmem>> -> memref<104xi32, #tpu.memory_space<vmem>>
        %dma_start3A_884 = arith.constant 0 : i32
        %dma_start3A_885 = arith.constant 0 : i32
        %dma_start3A_886 = tpu.memref_slice %arg2[%dma_start3A_884, %dma_start3A_885] : memref<100352x32xf32, #tpu.memory_space<hbm>> -> memref<100352x32xf32, #tpu.memory_space<hbm>>
        %dma_start3A_887 = tpu.memref_slice %arg10[%dma_start3A_876] : memref<8x!tpu.dma_semaphore, #tpu.memory_space<semaphore_mem>> -> memref<1x!tpu.dma_semaphore, #tpu.memory_space<semaphore_mem>>
        %dma_start3A_888 = tpu.memref_squeeze %dma_start3A_887 : memref<1x!tpu.dma_semaphore, #tpu.memory_space<semaphore_mem>> -> memref<!tpu.dma_semaphore, #tpu.memory_space<semaphore_mem>>
        tpu.enqueue_indirect_dma source(%dma_start3A_886 : memref<100352x32xf32, #tpu.memory_space<hbm>>) target(%dma_start3A_880 : memref<104x32xf32, #tpu.memory_space<vmem>>) offsets(%dma_start3A_883 : memref<104xi32, #tpu.memory_space<vmem>>) semaphore(%dma_start3A_888 : memref<!tpu.dma_semaphore, #tpu.memory_space<semaphore_mem>>)
        %dma_start3A_889 = arith.constant 4 : i32
        %dma_start3A_890 = arith.constant 4 : i32
        %dma_start3A_891 = arith.constant 104 : i32
        %dma_start3A_892 = arith.constant 0 : i32
        %dma_start3A_893 = tpu.memref_slice %arg8[%dma_start3A_889, %dma_start3A_891, %dma_start3A_892] : memref<8x200x32xf32, #tpu.memory_space<vmem>> -> memref<1x96x32xf32, #tpu.memory_space<vmem>>
        %dma_start3A_894 = tpu.memref_squeeze %dma_start3A_893 : memref<1x96x32xf32, #tpu.memory_space<vmem>> -> memref<96x32xf32, #tpu.memory_space<vmem>>
        %dma_start3A_895 = arith.constant 104 : i32
        %dma_start3A_896 = tpu.memref_slice %arg6[%add3A_874, %dma_start3A_895] : memref<128x200xi32, #tpu.memory_space<vmem>> -> memref<1x96xi32, #tpu.memory_space<vmem>>
        %dma_start3A_897 = tpu.memref_squeeze %dma_start3A_896 : memref<1x96xi32, #tpu.memory_space<vmem>> -> memref<96xi32, #tpu.memory_space<vmem>>
        %dma_start3A_898 = arith.constant 0 : i32
        %dma_start3A_899 = arith.constant 0 : i32
        %dma_start3A_900 = tpu.memref_slice %arg2[%dma_start3A_898, %dma_start3A_899] : memref<100352x32xf32, #tpu.memory_space<hbm>> -> memref<100352x32xf32, #tpu.memory_space<hbm>>
        %dma_start3A_901 = tpu.memref_slice %arg10[%dma_start3A_890] : memref<8x!tpu.dma_semaphore, #tpu.memory_space<semaphore_mem>> -> memref<1x!tpu.dma_semaphore, #tpu.memory_space<semaphore_mem>>
        %dma_start3A_902 = tpu.memref_squeeze %dma_start3A_901 : memref<1x!tpu.dma_semaphore, #tpu.memory_space<semaphore_mem>> -> memref<!tpu.dma_semaphore, #tpu.memory_space<semaphore_mem>>
        tpu.enqueue_indirect_dma source(%dma_start3A_900 : memref<100352x32xf32, #tpu.memory_space<hbm>>) target(%dma_start3A_894 : memref<96x32xf32, #tpu.memory_space<vmem>>) offsets(%dma_start3A_897 : memref<96xi32, #tpu.memory_space<vmem>>) semaphore(%dma_start3A_902 : memref<!tpu.dma_semaphore, #tpu.memory_space<semaphore_mem>>)
      } else {
      }
      %mul3A_642 = arith.constant 8 : i32
      %mul3A_643 = arith.muli %scan3A_266, %mul3A_642 : i32
      %add3A_644 = arith.constant 5 : i32
      %add3A_645 = arith.addi %mul3A_643, %add3A_644 : i32
      %dma_wait3A_646 = arith.constant 5 : i32
      %dma_wait3A_647 = arith.constant 5 : i32
      %dma_wait3A_648 = arith.constant 0 : i32
      %dma_wait3A_649 = arith.constant 0 : i32
      %dma_wait3A_650 = tpu.memref_slice %arg8[%dma_wait3A_646, %dma_wait3A_648, %dma_wait3A_649] : memref<8x200x32xf32, #tpu.memory_space<vmem>> -> memref<1x104x32xf32, #tpu.memory_space<vmem>>
      %dma_wait3A_651 = tpu.memref_squeeze %dma_wait3A_650 : memref<1x104x32xf32, #tpu.memory_space<vmem>> -> memref<104x32xf32, #tpu.memory_space<vmem>>
      %dma_wait3A_652 = arith.constant 0 : i32
      %dma_wait3A_653 = tpu.memref_slice %arg6[%add3A_645, %dma_wait3A_652] : memref<128x200xi32, #tpu.memory_space<vmem>> -> memref<1x104xi32, #tpu.memory_space<vmem>>
      %dma_wait3A_654 = tpu.memref_squeeze %dma_wait3A_653 : memref<1x104xi32, #tpu.memory_space<vmem>> -> memref<104xi32, #tpu.memory_space<vmem>>
      %dma_wait3A_655 = arith.constant 0 : i32
      %dma_wait3A_656 = arith.constant 0 : i32
      %dma_wait3A_657 = tpu.memref_slice %arg2[%dma_wait3A_655, %dma_wait3A_656] : memref<100352x32xf32, #tpu.memory_space<hbm>> -> memref<100352x32xf32, #tpu.memory_space<hbm>>
      %dma_wait3A_658 = tpu.memref_slice %arg10[%dma_wait3A_647] : memref<8x!tpu.dma_semaphore, #tpu.memory_space<semaphore_mem>> -> memref<1x!tpu.dma_semaphore, #tpu.memory_space<semaphore_mem>>
      %dma_wait3A_659 = tpu.memref_squeeze %dma_wait3A_658 : memref<1x!tpu.dma_semaphore, #tpu.memory_space<semaphore_mem>> -> memref<!tpu.dma_semaphore, #tpu.memory_space<semaphore_mem>>
      tpu.wait_indirect_dma semaphore(%dma_wait3A_659 : memref<!tpu.dma_semaphore, #tpu.memory_space<semaphore_mem>>) src(%dma_wait3A_657 : memref<100352x32xf32, #tpu.memory_space<hbm>>) dst(%dma_wait3A_651 : memref<104x32xf32, #tpu.memory_space<vmem>>)
      %dma_wait3A_660 = arith.constant 5 : i32
      %dma_wait3A_661 = arith.constant 5 : i32
      %dma_wait3A_662 = arith.constant 104 : i32
      %dma_wait3A_663 = arith.constant 0 : i32
      %dma_wait3A_664 = tpu.memref_slice %arg8[%dma_wait3A_660, %dma_wait3A_662, %dma_wait3A_663] : memref<8x200x32xf32, #tpu.memory_space<vmem>> -> memref<1x96x32xf32, #tpu.memory_space<vmem>>
      %dma_wait3A_665 = tpu.memref_squeeze %dma_wait3A_664 : memref<1x96x32xf32, #tpu.memory_space<vmem>> -> memref<96x32xf32, #tpu.memory_space<vmem>>
      %dma_wait3A_666 = arith.constant 104 : i32
      %dma_wait3A_667 = tpu.memref_slice %arg6[%add3A_645, %dma_wait3A_666] : memref<128x200xi32, #tpu.memory_space<vmem>> -> memref<1x96xi32, #tpu.memory_space<vmem>>
      %dma_wait3A_668 = tpu.memref_squeeze %dma_wait3A_667 : memref<1x96xi32, #tpu.memory_space<vmem>> -> memref<96xi32, #tpu.memory_space<vmem>>
      %dma_wait3A_669 = arith.constant 0 : i32
      %dma_wait3A_670 = arith.constant 0 : i32
      %dma_wait3A_671 = tpu.memref_slice %arg2[%dma_wait3A_669, %dma_wait3A_670] : memref<100352x32xf32, #tpu.memory_space<hbm>> -> memref<100352x32xf32, #tpu.memory_space<hbm>>
      %dma_wait3A_672 = tpu.memref_slice %arg10[%dma_wait3A_661] : memref<8x!tpu.dma_semaphore, #tpu.memory_space<semaphore_mem>> -> memref<1x!tpu.dma_semaphore, #tpu.memory_space<semaphore_mem>>
      %dma_wait3A_673 = tpu.memref_squeeze %dma_wait3A_672 : memref<1x!tpu.dma_semaphore, #tpu.memory_space<semaphore_mem>> -> memref<!tpu.dma_semaphore, #tpu.memory_space<semaphore_mem>>
      tpu.wait_indirect_dma semaphore(%dma_wait3A_673 : memref<!tpu.dma_semaphore, #tpu.memory_space<semaphore_mem>>) src(%dma_wait3A_671 : memref<100352x32xf32, #tpu.memory_space<hbm>>) dst(%dma_wait3A_665 : memref<96x32xf32, #tpu.memory_space<vmem>>)
      %scan3A_674 = arith.constant 0 : i32
      %scan3A_675 = arith.constant 25 : i32
      %scan3A_676 = arith.addi %scan3A_674, %scan3A_675 : i32
      %scan3A_677 = arith.constant 1 : i32
      %scan3A_678:4 = scf.for %scan3A_873 = %scan3A_674 to %scan3A_676 step %scan3A_677 iter_args(%scan3A_874 = %get3A_15, %scan3A_875 = %get3A_17, %scan3A_876 = %broadcast_in_dim3A_258, %scan3A_877 = %broadcast_in_dim3A_258) -> (vector<16xf32>, vector<16xf32>, vector<16xf32>, vector<16xf32>)  : i32 {
        %mul3A_878 = arith.constant 8 : i32
        %mul3A_879 = arith.muli %scan3A_873, %mul3A_878 : i32
        %add3A_880 = arith.constant 0 : i32
        %add3A_881 = arith.addi %mul3A_879, %add3A_880 : i32
        %get3A_882 = arith.constant 5 : i32
        %get3A_883 = arith.index_cast %get3A_882 : i32 to index
        %get3A_884 = arith.index_cast %add3A_881 : i32 to index
        %get3A_885 = arith.constant 0 : index
        %get3A_886 = tpu.vector_load %arg8[%get3A_883, %get3A_884, %get3A_885] {strides = array<i32>} : memref<8x200x32xf32, #tpu.memory_space<vmem>>, vector<16xf32>,
        %get3A_887 = arith.constant 5 : i32
        %get3A_888 = arith.index_cast %get3A_887 : i32 to index
        %get3A_889 = arith.index_cast %add3A_881 : i32 to index
        %get3A_890 = arith.constant 16 : index
        %get3A_891 = tpu.vector_load %arg8[%get3A_888, %get3A_889, %get3A_890] {strides = array<i32>} : memref<8x200x32xf32, #tpu.memory_space<vmem>>, vector<16xf32>,
        %add3A_892 = arith.addf %scan3A_874, %get3A_886 : vector<16xf32>
        %add3A_893 = arith.addf %scan3A_875, %get3A_891 : vector<16xf32>
        %mul3A_894 = arith.constant 8 : i32
        %mul3A_895 = arith.muli %scan3A_873, %mul3A_894 : i32
        %add3A_896 = arith.constant 1 : i32
        %add3A_897 = arith.addi %mul3A_895, %add3A_896 : i32
        %get3A_898 = arith.constant 5 : i32
        %get3A_899 = arith.index_cast %get3A_898 : i32 to index
        %get3A_900 = arith.index_cast %add3A_897 : i32 to index
        %get3A_901 = arith.constant 0 : index
        %get3A_902 = tpu.vector_load %arg8[%get3A_899, %get3A_900, %get3A_901] {strides = array<i32>} : memref<8x200x32xf32, #tpu.memory_space<vmem>>, vector<16xf32>,
        %get3A_903 = arith.constant 5 : i32
        %get3A_904 = arith.index_cast %get3A_903 : i32 to index
        %get3A_905 = arith.index_cast %add3A_897 : i32 to index
        %get3A_906 = arith.constant 16 : index
        %get3A_907 = tpu.vector_load %arg8[%get3A_904, %get3A_905, %get3A_906] {strides = array<i32>} : memref<8x200x32xf32, #tpu.memory_space<vmem>>, vector<16xf32>,
        %add3A_908 = arith.addf %scan3A_876, %get3A_902 : vector<16xf32>
        %add3A_909 = arith.addf %scan3A_877, %get3A_907 : vector<16xf32>
        %mul3A_910 = arith.constant 8 : i32
        %mul3A_911 = arith.muli %scan3A_873, %mul3A_910 : i32
        %add3A_912 = arith.constant 2 : i32
        %add3A_913 = arith.addi %mul3A_911, %add3A_912 : i32
        %get3A_914 = arith.constant 5 : i32
        %get3A_915 = arith.index_cast %get3A_914 : i32 to index
        %get3A_916 = arith.index_cast %add3A_913 : i32 to index
        %get3A_917 = arith.constant 0 : index
        %get3A_918 = tpu.vector_load %arg8[%get3A_915, %get3A_916, %get3A_917] {strides = array<i32>} : memref<8x200x32xf32, #tpu.memory_space<vmem>>, vector<16xf32>,
        %get3A_919 = arith.constant 5 : i32
        %get3A_920 = arith.index_cast %get3A_919 : i32 to index
        %get3A_921 = arith.index_cast %add3A_913 : i32 to index
        %get3A_922 = arith.constant 16 : index
        %get3A_923 = tpu.vector_load %arg8[%get3A_920, %get3A_921, %get3A_922] {strides = array<i32>} : memref<8x200x32xf32, #tpu.memory_space<vmem>>, vector<16xf32>,
        %add3A_924 = arith.addf %add3A_892, %get3A_918 : vector<16xf32>
        %add3A_925 = arith.addf %add3A_893, %get3A_923 : vector<16xf32>
        %mul3A_926 = arith.constant 8 : i32
        %mul3A_927 = arith.muli %scan3A_873, %mul3A_926 : i32
        %add3A_928 = arith.constant 3 : i32
        %add3A_929 = arith.addi %mul3A_927, %add3A_928 : i32
        %get3A_930 = arith.constant 5 : i32
        %get3A_931 = arith.index_cast %get3A_930 : i32 to index
        %get3A_932 = arith.index_cast %add3A_929 : i32 to index
        %get3A_933 = arith.constant 0 : index
        %get3A_934 = tpu.vector_load %arg8[%get3A_931, %get3A_932, %get3A_933] {strides = array<i32>} : memref<8x200x32xf32, #tpu.memory_space<vmem>>, vector<16xf32>,
        %get3A_935 = arith.constant 5 : i32
        %get3A_936 = arith.index_cast %get3A_935 : i32 to index
        %get3A_937 = arith.index_cast %add3A_929 : i32 to index
        %get3A_938 = arith.constant 16 : index
        %get3A_939 = tpu.vector_load %arg8[%get3A_936, %get3A_937, %get3A_938] {strides = array<i32>} : memref<8x200x32xf32, #tpu.memory_space<vmem>>, vector<16xf32>,
        %add3A_940 = arith.addf %add3A_908, %get3A_934 : vector<16xf32>
        %add3A_941 = arith.addf %add3A_909, %get3A_939 : vector<16xf32>
        %mul3A_942 = arith.constant 8 : i32
        %mul3A_943 = arith.muli %scan3A_873, %mul3A_942 : i32
        %add3A_944 = arith.constant 4 : i32
        %add3A_945 = arith.addi %mul3A_943, %add3A_944 : i32
        %get3A_946 = arith.constant 5 : i32
        %get3A_947 = arith.index_cast %get3A_946 : i32 to index
        %get3A_948 = arith.index_cast %add3A_945 : i32 to index
        %get3A_949 = arith.constant 0 : index
        %get3A_950 = tpu.vector_load %arg8[%get3A_947, %get3A_948, %get3A_949] {strides = array<i32>} : memref<8x200x32xf32, #tpu.memory_space<vmem>>, vector<16xf32>,
        %get3A_951 = arith.constant 5 : i32
        %get3A_952 = arith.index_cast %get3A_951 : i32 to index
        %get3A_953 = arith.index_cast %add3A_945 : i32 to index
        %get3A_954 = arith.constant 16 : index
        %get3A_955 = tpu.vector_load %arg8[%get3A_952, %get3A_953, %get3A_954] {strides = array<i32>} : memref<8x200x32xf32, #tpu.memory_space<vmem>>, vector<16xf32>,
        %add3A_956 = arith.addf %add3A_924, %get3A_950 : vector<16xf32>
        %add3A_957 = arith.addf %add3A_925, %get3A_955 : vector<16xf32>
        %mul3A_958 = arith.constant 8 : i32
        %mul3A_959 = arith.muli %scan3A_873, %mul3A_958 : i32
        %add3A_960 = arith.constant 5 : i32
        %add3A_961 = arith.addi %mul3A_959, %add3A_960 : i32
        %get3A_962 = arith.constant 5 : i32
        %get3A_963 = arith.index_cast %get3A_962 : i32 to index
        %get3A_964 = arith.index_cast %add3A_961 : i32 to index
        %get3A_965 = arith.constant 0 : index
        %get3A_966 = tpu.vector_load %arg8[%get3A_963, %get3A_964, %get3A_965] {strides = array<i32>} : memref<8x200x32xf32, #tpu.memory_space<vmem>>, vector<16xf32>,
        %get3A_967 = arith.constant 5 : i32
        %get3A_968 = arith.index_cast %get3A_967 : i32 to index
        %get3A_969 = arith.index_cast %add3A_961 : i32 to index
        %get3A_970 = arith.constant 16 : index
        %get3A_971 = tpu.vector_load %arg8[%get3A_968, %get3A_969, %get3A_970] {strides = array<i32>} : memref<8x200x32xf32, #tpu.memory_space<vmem>>, vector<16xf32>,
        %add3A_972 = arith.addf %add3A_940, %get3A_966 : vector<16xf32>
        %add3A_973 = arith.addf %add3A_941, %get3A_971 : vector<16xf32>
        %mul3A_974 = arith.constant 8 : i32
        %mul3A_975 = arith.muli %scan3A_873, %mul3A_974 : i32
        %add3A_976 = arith.constant 6 : i32
        %add3A_977 = arith.addi %mul3A_975, %add3A_976 : i32
        %get3A_978 = arith.constant 5 : i32
        %get3A_979 = arith.index_cast %get3A_978 : i32 to index
        %get3A_980 = arith.index_cast %add3A_977 : i32 to index
        %get3A_981 = arith.constant 0 : index
        %get3A_982 = tpu.vector_load %arg8[%get3A_979, %get3A_980, %get3A_981] {strides = array<i32>} : memref<8x200x32xf32, #tpu.memory_space<vmem>>, vector<16xf32>,
        %get3A_983 = arith.constant 5 : i32
        %get3A_984 = arith.index_cast %get3A_983 : i32 to index
        %get3A_985 = arith.index_cast %add3A_977 : i32 to index
        %get3A_986 = arith.constant 16 : index
        %get3A_987 = tpu.vector_load %arg8[%get3A_984, %get3A_985, %get3A_986] {strides = array<i32>} : memref<8x200x32xf32, #tpu.memory_space<vmem>>, vector<16xf32>,
        %add3A_988 = arith.addf %add3A_956, %get3A_982 : vector<16xf32>
        %add3A_989 = arith.addf %add3A_957, %get3A_987 : vector<16xf32>
        %mul3A_990 = arith.constant 8 : i32
        %mul3A_991 = arith.muli %scan3A_873, %mul3A_990 : i32
        %add3A_992 = arith.constant 7 : i32
        %add3A_993 = arith.addi %mul3A_991, %add3A_992 : i32
        %get3A_994 = arith.constant 5 : i32
        %get3A_995 = arith.index_cast %get3A_994 : i32 to index
        %get3A_996 = arith.index_cast %add3A_993 : i32 to index
        %get3A_997 = arith.constant 0 : index
        %get3A_998 = tpu.vector_load %arg8[%get3A_995, %get3A_996, %get3A_997] {strides = array<i32>} : memref<8x200x32xf32, #tpu.memory_space<vmem>>, vector<16xf32>,
        %get3A_999 = arith.constant 5 : i32
        %get3A_1000 = arith.index_cast %get3A_999 : i32 to index
        %get3A_1001 = arith.index_cast %add3A_993 : i32 to index
        %get3A_1002 = arith.constant 16 : index
        %get3A_1003 = tpu.vector_load %arg8[%get3A_1000, %get3A_1001, %get3A_1002] {strides = array<i32>} : memref<8x200x32xf32, #tpu.memory_space<vmem>>, vector<16xf32>,
        %add3A_1004 = arith.addf %add3A_972, %get3A_998 : vector<16xf32>
        %add3A_1005 = arith.addf %add3A_973, %get3A_1003 : vector<16xf32>
        scf.yield %add3A_988, %add3A_989, %add3A_1004, %add3A_1005 : vector<16xf32>, vector<16xf32>, vector<16xf32>, vector<16xf32>
      }
      %scan3A_679 = arith.constant 25 : i32
      %add3A_680 = arith.addf %scan3A_678#0, %scan3A_678#2 : vector<16xf32>
      %add3A_681 = arith.addf %scan3A_678#1, %scan3A_678#3 : vector<16xf32>
      %reduce_max3A_682 = arith.constant true
      %reduce_max3A_683 = vector.broadcast %reduce_max3A_682 : i1 to vector<16xi1>
      %reduce_max3A_684 = tpu.scan <max>, %add3A_680 masked %reduce_max3A_683 : vector<16xf32>, vector<16xi1> -> vector<16xf32>
      %reduce_max3A_685 = vector.extract %reduce_max3A_684[15] : f32 from vector<16xf32>
      %reduce_max3A_686 = arith.constant true
      %reduce_max3A_687 = vector.broadcast %reduce_max3A_686 : i1 to vector<16xi1>
      %reduce_max3A_688 = tpu.scan <max>, %add3A_681 masked %reduce_max3A_687 : vector<16xf32>, vector<16xi1> -> vector<16xf32>
      %reduce_max3A_689 = vector.extract %reduce_max3A_688[15] : f32 from vector<16xf32>
      %max3A_690 = arith.maximumf %reduce_max3A_685, %reduce_max3A_689 : f32
      %broadcast_in_dim3A_691 = vector.broadcast %max3A_690 : f32 to vector<16xf32>
      %sub3A_692 = arith.subf %add3A_680, %broadcast_in_dim3A_691 : vector<16xf32>
      %exp3A_693 = math.exp %sub3A_692 : vector<16xf32>
      %sub3A_694 = arith.subf %add3A_681, %broadcast_in_dim3A_691 : vector<16xf32>
      %exp3A_695 = math.exp %sub3A_694 : vector<16xf32>
      %reduce_sum3A_696 = arith.constant true
      %reduce_sum3A_697 = vector.broadcast %reduce_sum3A_696 : i1 to vector<16xi1>
      %reduce_sum3A_698 = tpu.scan <sum>, %exp3A_693 masked %reduce_sum3A_697 : vector<16xf32>, vector<16xi1> -> vector<16xf32>
      %reduce_sum3A_699 = vector.extract %reduce_sum3A_698[15] : f32 from vector<16xf32>
      %reduce_sum3A_700 = arith.constant true
      %reduce_sum3A_701 = vector.broadcast %reduce_sum3A_700 : i1 to vector<16xi1>
      %reduce_sum3A_702 = tpu.scan <sum>, %exp3A_695 masked %reduce_sum3A_701 : vector<16xf32>, vector<16xi1> -> vector<16xf32>
      %reduce_sum3A_703 = vector.extract %reduce_sum3A_702[15] : f32 from vector<16xf32>
      %add3A_704 = arith.addf %reduce_sum3A_699, %reduce_sum3A_703 : f32
      %broadcast_in_dim3A_705 = vector.broadcast %add3A_704 : f32 to vector<16xf32>
      %div3A_706 = arith.divf %exp3A_693, %broadcast_in_dim3A_705 : vector<16xf32>
      %swap3A_707 = arith.index_cast %add3A_645 : i32 to index
      %swap3A_708 = arith.constant 0 : index
      %swap3A_709 = tpu.vector_load %arg9[%swap3A_707, %swap3A_708] {strides = array<i32>} : memref<128x32xf32, #tpu.memory_space<vmem>>, vector<16xf32>,
      tpu.vector_store %arg9[%swap3A_707, %swap3A_708], %div3A_706 {strides = array<i32>} : memref<128x32xf32, #tpu.memory_space<vmem>>, vector<16xf32>,
      %div3A_710 = arith.divf %exp3A_695, %broadcast_in_dim3A_705 : vector<16xf32>
      %swap3A_711 = arith.index_cast %add3A_645 : i32 to index
      %swap3A_712 = arith.constant 16 : index
      %swap3A_713 = tpu.vector_load %arg9[%swap3A_711, %swap3A_712] {strides = array<i32>} : memref<128x32xf32, #tpu.memory_space<vmem>>, vector<16xf32>,
      tpu.vector_store %arg9[%swap3A_711, %swap3A_712], %div3A_710 {strides = array<i32>} : memref<128x32xf32, #tpu.memory_space<vmem>>, vector<16xf32>,
      %lt3A_714 = arith.constant 15 : i32
      %lt3A_715 = arith.cmpi slt, %scan3A_266, %lt3A_714 : i32
      %convert_element_type3A_716 = arith.extui %lt3A_715 : i1 to i32
      %cond3A_717 = arith.constant 0 : i32
      %cond3A_718 = arith.cmpi ne, %convert_element_type3A_716, %cond3A_717 : i32
      scf.if %cond3A_718 {
        %add3A_873 = arith.constant 8 : i32
        %add3A_874 = arith.addi %add3A_645, %add3A_873 : i32
        %dma_start3A_875 = arith.constant 5 : i32
        %dma_start3A_876 = arith.constant 5 : i32
        %dma_start3A_877 = arith.constant 0 : i32
        %dma_start3A_878 = arith.constant 0 : i32
        %dma_start3A_879 = tpu.memref_slice %arg8[%dma_start3A_875, %dma_start3A_877, %dma_start3A_878] : memref<8x200x32xf32, #tpu.memory_space<vmem>> -> memref<1x104x32xf32, #tpu.memory_space<vmem>>
        %dma_start3A_880 = tpu.memref_squeeze %dma_start3A_879 : memref<1x104x32xf32, #tpu.memory_space<vmem>> -> memref<104x32xf32, #tpu.memory_space<vmem>>
        %dma_start3A_881 = arith.constant 0 : i32
        %dma_start3A_882 = tpu.memref_slice %arg6[%add3A_874, %dma_start3A_881] : memref<128x200xi32, #tpu.memory_space<vmem>> -> memref<1x104xi32, #tpu.memory_space<vmem>>
        %dma_start3A_883 = tpu.memref_squeeze %dma_start3A_882 : memref<1x104xi32, #tpu.memory_space<vmem>> -> memref<104xi32, #tpu.memory_space<vmem>>
        %dma_start3A_884 = arith.constant 0 : i32
        %dma_start3A_885 = arith.constant 0 : i32
        %dma_start3A_886 = tpu.memref_slice %arg2[%dma_start3A_884, %dma_start3A_885] : memref<100352x32xf32, #tpu.memory_space<hbm>> -> memref<100352x32xf32, #tpu.memory_space<hbm>>
        %dma_start3A_887 = tpu.memref_slice %arg10[%dma_start3A_876] : memref<8x!tpu.dma_semaphore, #tpu.memory_space<semaphore_mem>> -> memref<1x!tpu.dma_semaphore, #tpu.memory_space<semaphore_mem>>
        %dma_start3A_888 = tpu.memref_squeeze %dma_start3A_887 : memref<1x!tpu.dma_semaphore, #tpu.memory_space<semaphore_mem>> -> memref<!tpu.dma_semaphore, #tpu.memory_space<semaphore_mem>>
        tpu.enqueue_indirect_dma source(%dma_start3A_886 : memref<100352x32xf32, #tpu.memory_space<hbm>>) target(%dma_start3A_880 : memref<104x32xf32, #tpu.memory_space<vmem>>) offsets(%dma_start3A_883 : memref<104xi32, #tpu.memory_space<vmem>>) semaphore(%dma_start3A_888 : memref<!tpu.dma_semaphore, #tpu.memory_space<semaphore_mem>>)
        %dma_start3A_889 = arith.constant 5 : i32
        %dma_start3A_890 = arith.constant 5 : i32
        %dma_start3A_891 = arith.constant 104 : i32
        %dma_start3A_892 = arith.constant 0 : i32
        %dma_start3A_893 = tpu.memref_slice %arg8[%dma_start3A_889, %dma_start3A_891, %dma_start3A_892] : memref<8x200x32xf32, #tpu.memory_space<vmem>> -> memref<1x96x32xf32, #tpu.memory_space<vmem>>
        %dma_start3A_894 = tpu.memref_squeeze %dma_start3A_893 : memref<1x96x32xf32, #tpu.memory_space<vmem>> -> memref<96x32xf32, #tpu.memory_space<vmem>>
        %dma_start3A_895 = arith.constant 104 : i32
        %dma_start3A_896 = tpu.memref_slice %arg6[%add3A_874, %dma_start3A_895] : memref<128x200xi32, #tpu.memory_space<vmem>> -> memref<1x96xi32, #tpu.memory_space<vmem>>
        %dma_start3A_897 = tpu.memref_squeeze %dma_start3A_896 : memref<1x96xi32, #tpu.memory_space<vmem>> -> memref<96xi32, #tpu.memory_space<vmem>>
        %dma_start3A_898 = arith.constant 0 : i32
        %dma_start3A_899 = arith.constant 0 : i32
        %dma_start3A_900 = tpu.memref_slice %arg2[%dma_start3A_898, %dma_start3A_899] : memref<100352x32xf32, #tpu.memory_space<hbm>> -> memref<100352x32xf32, #tpu.memory_space<hbm>>
        %dma_start3A_901 = tpu.memref_slice %arg10[%dma_start3A_890] : memref<8x!tpu.dma_semaphore, #tpu.memory_space<semaphore_mem>> -> memref<1x!tpu.dma_semaphore, #tpu.memory_space<semaphore_mem>>
        %dma_start3A_902 = tpu.memref_squeeze %dma_start3A_901 : memref<1x!tpu.dma_semaphore, #tpu.memory_space<semaphore_mem>> -> memref<!tpu.dma_semaphore, #tpu.memory_space<semaphore_mem>>
        tpu.enqueue_indirect_dma source(%dma_start3A_900 : memref<100352x32xf32, #tpu.memory_space<hbm>>) target(%dma_start3A_894 : memref<96x32xf32, #tpu.memory_space<vmem>>) offsets(%dma_start3A_897 : memref<96xi32, #tpu.memory_space<vmem>>) semaphore(%dma_start3A_902 : memref<!tpu.dma_semaphore, #tpu.memory_space<semaphore_mem>>)
      } else {
      }
      %mul3A_719 = arith.constant 8 : i32
      %mul3A_720 = arith.muli %scan3A_266, %mul3A_719 : i32
      %add3A_721 = arith.constant 6 : i32
      %add3A_722 = arith.addi %mul3A_720, %add3A_721 : i32
      %dma_wait3A_723 = arith.constant 6 : i32
      %dma_wait3A_724 = arith.constant 6 : i32
      %dma_wait3A_725 = arith.constant 0 : i32
      %dma_wait3A_726 = arith.constant 0 : i32
      %dma_wait3A_727 = tpu.memref_slice %arg8[%dma_wait3A_723, %dma_wait3A_725, %dma_wait3A_726] : memref<8x200x32xf32, #tpu.memory_space<vmem>> -> memref<1x104x32xf32, #tpu.memory_space<vmem>>
      %dma_wait3A_728 = tpu.memref_squeeze %dma_wait3A_727 : memref<1x104x32xf32, #tpu.memory_space<vmem>> -> memref<104x32xf32, #tpu.memory_space<vmem>>
      %dma_wait3A_729 = arith.constant 0 : i32
      %dma_wait3A_730 = tpu.memref_slice %arg6[%add3A_722, %dma_wait3A_729] : memref<128x200xi32, #tpu.memory_space<vmem>> -> memref<1x104xi32, #tpu.memory_space<vmem>>
      %dma_wait3A_731 = tpu.memref_squeeze %dma_wait3A_730 : memref<1x104xi32, #tpu.memory_space<vmem>> -> memref<104xi32, #tpu.memory_space<vmem>>
      %dma_wait3A_732 = arith.constant 0 : i32
      %dma_wait3A_733 = arith.constant 0 : i32
      %dma_wait3A_734 = tpu.memref_slice %arg2[%dma_wait3A_732, %dma_wait3A_733] : memref<100352x32xf32, #tpu.memory_space<hbm>> -> memref<100352x32xf32, #tpu.memory_space<hbm>>
      %dma_wait3A_735 = tpu.memref_slice %arg10[%dma_wait3A_724] : memref<8x!tpu.dma_semaphore, #tpu.memory_space<semaphore_mem>> -> memref<1x!tpu.dma_semaphore, #tpu.memory_space<semaphore_mem>>
      %dma_wait3A_736 = tpu.memref_squeeze %dma_wait3A_735 : memref<1x!tpu.dma_semaphore, #tpu.memory_space<semaphore_mem>> -> memref<!tpu.dma_semaphore, #tpu.memory_space<semaphore_mem>>
      tpu.wait_indirect_dma semaphore(%dma_wait3A_736 : memref<!tpu.dma_semaphore, #tpu.memory_space<semaphore_mem>>) src(%dma_wait3A_734 : memref<100352x32xf32, #tpu.memory_space<hbm>>) dst(%dma_wait3A_728 : memref<104x32xf32, #tpu.memory_space<vmem>>)
      %dma_wait3A_737 = arith.constant 6 : i32
      %dma_wait3A_738 = arith.constant 6 : i32
      %dma_wait3A_739 = arith.constant 104 : i32
      %dma_wait3A_740 = arith.constant 0 : i32
      %dma_wait3A_741 = tpu.memref_slice %arg8[%dma_wait3A_737, %dma_wait3A_739, %dma_wait3A_740] : memref<8x200x32xf32, #tpu.memory_space<vmem>> -> memref<1x96x32xf32, #tpu.memory_space<vmem>>
      %dma_wait3A_742 = tpu.memref_squeeze %dma_wait3A_741 : memref<1x96x32xf32, #tpu.memory_space<vmem>> -> memref<96x32xf32, #tpu.memory_space<vmem>>
      %dma_wait3A_743 = arith.constant 104 : i32
      %dma_wait3A_744 = tpu.memref_slice %arg6[%add3A_722, %dma_wait3A_743] : memref<128x200xi32, #tpu.memory_space<vmem>> -> memref<1x96xi32, #tpu.memory_space<vmem>>
      %dma_wait3A_745 = tpu.memref_squeeze %dma_wait3A_744 : memref<1x96xi32, #tpu.memory_space<vmem>> -> memref<96xi32, #tpu.memory_space<vmem>>
      %dma_wait3A_746 = arith.constant 0 : i32
      %dma_wait3A_747 = arith.constant 0 : i32
      %dma_wait3A_748 = tpu.memref_slice %arg2[%dma_wait3A_746, %dma_wait3A_747] : memref<100352x32xf32, #tpu.memory_space<hbm>> -> memref<100352x32xf32, #tpu.memory_space<hbm>>
      %dma_wait3A_749 = tpu.memref_slice %arg10[%dma_wait3A_738] : memref<8x!tpu.dma_semaphore, #tpu.memory_space<semaphore_mem>> -> memref<1x!tpu.dma_semaphore, #tpu.memory_space<semaphore_mem>>
      %dma_wait3A_750 = tpu.memref_squeeze %dma_wait3A_749 : memref<1x!tpu.dma_semaphore, #tpu.memory_space<semaphore_mem>> -> memref<!tpu.dma_semaphore, #tpu.memory_space<semaphore_mem>>
      tpu.wait_indirect_dma semaphore(%dma_wait3A_750 : memref<!tpu.dma_semaphore, #tpu.memory_space<semaphore_mem>>) src(%dma_wait3A_748 : memref<100352x32xf32, #tpu.memory_space<hbm>>) dst(%dma_wait3A_742 : memref<96x32xf32, #tpu.memory_space<vmem>>)
      %scan3A_751 = arith.constant 0 : i32
      %scan3A_752 = arith.constant 25 : i32
      %scan3A_753 = arith.addi %scan3A_751, %scan3A_752 : i32
      %scan3A_754 = arith.constant 1 : i32
      %scan3A_755:4 = scf.for %scan3A_873 = %scan3A_751 to %scan3A_753 step %scan3A_754 iter_args(%scan3A_874 = %get3A_15, %scan3A_875 = %get3A_17, %scan3A_876 = %broadcast_in_dim3A_258, %scan3A_877 = %broadcast_in_dim3A_258) -> (vector<16xf32>, vector<16xf32>, vector<16xf32>, vector<16xf32>)  : i32 {
        %mul3A_878 = arith.constant 8 : i32
        %mul3A_879 = arith.muli %scan3A_873, %mul3A_878 : i32
        %add3A_880 = arith.constant 0 : i32
        %add3A_881 = arith.addi %mul3A_879, %add3A_880 : i32
        %get3A_882 = arith.constant 6 : i32
        %get3A_883 = arith.index_cast %get3A_882 : i32 to index
        %get3A_884 = arith.index_cast %add3A_881 : i32 to index
        %get3A_885 = arith.constant 0 : index
        %get3A_886 = tpu.vector_load %arg8[%get3A_883, %get3A_884, %get3A_885] {strides = array<i32>} : memref<8x200x32xf32, #tpu.memory_space<vmem>>, vector<16xf32>,
        %get3A_887 = arith.constant 6 : i32
        %get3A_888 = arith.index_cast %get3A_887 : i32 to index
        %get3A_889 = arith.index_cast %add3A_881 : i32 to index
        %get3A_890 = arith.constant 16 : index
        %get3A_891 = tpu.vector_load %arg8[%get3A_888, %get3A_889, %get3A_890] {strides = array<i32>} : memref<8x200x32xf32, #tpu.memory_space<vmem>>, vector<16xf32>,
        %add3A_892 = arith.addf %scan3A_874, %get3A_886 : vector<16xf32>
        %add3A_893 = arith.addf %scan3A_875, %get3A_891 : vector<16xf32>
        %mul3A_894 = arith.constant 8 : i32
        %mul3A_895 = arith.muli %scan3A_873, %mul3A_894 : i32
        %add3A_896 = arith.constant 1 : i32
        %add3A_897 = arith.addi %mul3A_895, %add3A_896 : i32
        %get3A_898 = arith.constant 6 : i32
        %get3A_899 = arith.index_cast %get3A_898 : i32 to index
        %get3A_900 = arith.index_cast %add3A_897 : i32 to index
        %get3A_901 = arith.constant 0 : index
        %get3A_902 = tpu.vector_load %arg8[%get3A_899, %get3A_900, %get3A_901] {strides = array<i32>} : memref<8x200x32xf32, #tpu.memory_space<vmem>>, vector<16xf32>,
        %get3A_903 = arith.constant 6 : i32
        %get3A_904 = arith.index_cast %get3A_903 : i32 to index
        %get3A_905 = arith.index_cast %add3A_897 : i32 to index
        %get3A_906 = arith.constant 16 : index
        %get3A_907 = tpu.vector_load %arg8[%get3A_904, %get3A_905, %get3A_906] {strides = array<i32>} : memref<8x200x32xf32, #tpu.memory_space<vmem>>, vector<16xf32>,
        %add3A_908 = arith.addf %scan3A_876, %get3A_902 : vector<16xf32>
        %add3A_909 = arith.addf %scan3A_877, %get3A_907 : vector<16xf32>
        %mul3A_910 = arith.constant 8 : i32
        %mul3A_911 = arith.muli %scan3A_873, %mul3A_910 : i32
        %add3A_912 = arith.constant 2 : i32
        %add3A_913 = arith.addi %mul3A_911, %add3A_912 : i32
        %get3A_914 = arith.constant 6 : i32
        %get3A_915 = arith.index_cast %get3A_914 : i32 to index
        %get3A_916 = arith.index_cast %add3A_913 : i32 to index
        %get3A_917 = arith.constant 0 : index
        %get3A_918 = tpu.vector_load %arg8[%get3A_915, %get3A_916, %get3A_917] {strides = array<i32>} : memref<8x200x32xf32, #tpu.memory_space<vmem>>, vector<16xf32>,
        %get3A_919 = arith.constant 6 : i32
        %get3A_920 = arith.index_cast %get3A_919 : i32 to index
        %get3A_921 = arith.index_cast %add3A_913 : i32 to index
        %get3A_922 = arith.constant 16 : index
        %get3A_923 = tpu.vector_load %arg8[%get3A_920, %get3A_921, %get3A_922] {strides = array<i32>} : memref<8x200x32xf32, #tpu.memory_space<vmem>>, vector<16xf32>,
        %add3A_924 = arith.addf %add3A_892, %get3A_918 : vector<16xf32>
        %add3A_925 = arith.addf %add3A_893, %get3A_923 : vector<16xf32>
        %mul3A_926 = arith.constant 8 : i32
        %mul3A_927 = arith.muli %scan3A_873, %mul3A_926 : i32
        %add3A_928 = arith.constant 3 : i32
        %add3A_929 = arith.addi %mul3A_927, %add3A_928 : i32
        %get3A_930 = arith.constant 6 : i32
        %get3A_931 = arith.index_cast %get3A_930 : i32 to index
        %get3A_932 = arith.index_cast %add3A_929 : i32 to index
        %get3A_933 = arith.constant 0 : index
        %get3A_934 = tpu.vector_load %arg8[%get3A_931, %get3A_932, %get3A_933] {strides = array<i32>} : memref<8x200x32xf32, #tpu.memory_space<vmem>>, vector<16xf32>,
        %get3A_935 = arith.constant 6 : i32
        %get3A_936 = arith.index_cast %get3A_935 : i32 to index
        %get3A_937 = arith.index_cast %add3A_929 : i32 to index
        %get3A_938 = arith.constant 16 : index
        %get3A_939 = tpu.vector_load %arg8[%get3A_936, %get3A_937, %get3A_938] {strides = array<i32>} : memref<8x200x32xf32, #tpu.memory_space<vmem>>, vector<16xf32>,
        %add3A_940 = arith.addf %add3A_908, %get3A_934 : vector<16xf32>
        %add3A_941 = arith.addf %add3A_909, %get3A_939 : vector<16xf32>
        %mul3A_942 = arith.constant 8 : i32
        %mul3A_943 = arith.muli %scan3A_873, %mul3A_942 : i32
        %add3A_944 = arith.constant 4 : i32
        %add3A_945 = arith.addi %mul3A_943, %add3A_944 : i32
        %get3A_946 = arith.constant 6 : i32
        %get3A_947 = arith.index_cast %get3A_946 : i32 to index
        %get3A_948 = arith.index_cast %add3A_945 : i32 to index
        %get3A_949 = arith.constant 0 : index
        %get3A_950 = tpu.vector_load %arg8[%get3A_947, %get3A_948, %get3A_949] {strides = array<i32>} : memref<8x200x32xf32, #tpu.memory_space<vmem>>, vector<16xf32>,
        %get3A_951 = arith.constant 6 : i32
        %get3A_952 = arith.index_cast %get3A_951 : i32 to index
        %get3A_953 = arith.index_cast %add3A_945 : i32 to index
        %get3A_954 = arith.constant 16 : index
        %get3A_955 = tpu.vector_load %arg8[%get3A_952, %get3A_953, %get3A_954] {strides = array<i32>} : memref<8x200x32xf32, #tpu.memory_space<vmem>>, vector<16xf32>,
        %add3A_956 = arith.addf %add3A_924, %get3A_950 : vector<16xf32>
        %add3A_957 = arith.addf %add3A_925, %get3A_955 : vector<16xf32>
        %mul3A_958 = arith.constant 8 : i32
        %mul3A_959 = arith.muli %scan3A_873, %mul3A_958 : i32
        %add3A_960 = arith.constant 5 : i32
        %add3A_961 = arith.addi %mul3A_959, %add3A_960 : i32
        %get3A_962 = arith.constant 6 : i32
        %get3A_963 = arith.index_cast %get3A_962 : i32 to index
        %get3A_964 = arith.index_cast %add3A_961 : i32 to index
        %get3A_965 = arith.constant 0 : index
        %get3A_966 = tpu.vector_load %arg8[%get3A_963, %get3A_964, %get3A_965] {strides = array<i32>} : memref<8x200x32xf32, #tpu.memory_space<vmem>>, vector<16xf32>,
        %get3A_967 = arith.constant 6 : i32
        %get3A_968 = arith.index_cast %get3A_967 : i32 to index
        %get3A_969 = arith.index_cast %add3A_961 : i32 to index
        %get3A_970 = arith.constant 16 : index
        %get3A_971 = tpu.vector_load %arg8[%get3A_968, %get3A_969, %get3A_970] {strides = array<i32>} : memref<8x200x32xf32, #tpu.memory_space<vmem>>, vector<16xf32>,
        %add3A_972 = arith.addf %add3A_940, %get3A_966 : vector<16xf32>
        %add3A_973 = arith.addf %add3A_941, %get3A_971 : vector<16xf32>
        %mul3A_974 = arith.constant 8 : i32
        %mul3A_975 = arith.muli %scan3A_873, %mul3A_974 : i32
        %add3A_976 = arith.constant 6 : i32
        %add3A_977 = arith.addi %mul3A_975, %add3A_976 : i32
        %get3A_978 = arith.constant 6 : i32
        %get3A_979 = arith.index_cast %get3A_978 : i32 to index
        %get3A_980 = arith.index_cast %add3A_977 : i32 to index
        %get3A_981 = arith.constant 0 : index
        %get3A_982 = tpu.vector_load %arg8[%get3A_979, %get3A_980, %get3A_981] {strides = array<i32>} : memref<8x200x32xf32, #tpu.memory_space<vmem>>, vector<16xf32>,
        %get3A_983 = arith.constant 6 : i32
        %get3A_984 = arith.index_cast %get3A_983 : i32 to index
        %get3A_985 = arith.index_cast %add3A_977 : i32 to index
        %get3A_986 = arith.constant 16 : index
        %get3A_987 = tpu.vector_load %arg8[%get3A_984, %get3A_985, %get3A_986] {strides = array<i32>} : memref<8x200x32xf32, #tpu.memory_space<vmem>>, vector<16xf32>,
        %add3A_988 = arith.addf %add3A_956, %get3A_982 : vector<16xf32>
        %add3A_989 = arith.addf %add3A_957, %get3A_987 : vector<16xf32>
        %mul3A_990 = arith.constant 8 : i32
        %mul3A_991 = arith.muli %scan3A_873, %mul3A_990 : i32
        %add3A_992 = arith.constant 7 : i32
        %add3A_993 = arith.addi %mul3A_991, %add3A_992 : i32
        %get3A_994 = arith.constant 6 : i32
        %get3A_995 = arith.index_cast %get3A_994 : i32 to index
        %get3A_996 = arith.index_cast %add3A_993 : i32 to index
        %get3A_997 = arith.constant 0 : index
        %get3A_998 = tpu.vector_load %arg8[%get3A_995, %get3A_996, %get3A_997] {strides = array<i32>} : memref<8x200x32xf32, #tpu.memory_space<vmem>>, vector<16xf32>,
        %get3A_999 = arith.constant 6 : i32
        %get3A_1000 = arith.index_cast %get3A_999 : i32 to index
        %get3A_1001 = arith.index_cast %add3A_993 : i32 to index
        %get3A_1002 = arith.constant 16 : index
        %get3A_1003 = tpu.vector_load %arg8[%get3A_1000, %get3A_1001, %get3A_1002] {strides = array<i32>} : memref<8x200x32xf32, #tpu.memory_space<vmem>>, vector<16xf32>,
        %add3A_1004 = arith.addf %add3A_972, %get3A_998 : vector<16xf32>
        %add3A_1005 = arith.addf %add3A_973, %get3A_1003 : vector<16xf32>
        scf.yield %add3A_988, %add3A_989, %add3A_1004, %add3A_1005 : vector<16xf32>, vector<16xf32>, vector<16xf32>, vector<16xf32>
      }
      %scan3A_756 = arith.constant 25 : i32
      %add3A_757 = arith.addf %scan3A_755#0, %scan3A_755#2 : vector<16xf32>
      %add3A_758 = arith.addf %scan3A_755#1, %scan3A_755#3 : vector<16xf32>
      %reduce_max3A_759 = arith.constant true
      %reduce_max3A_760 = vector.broadcast %reduce_max3A_759 : i1 to vector<16xi1>
      %reduce_max3A_761 = tpu.scan <max>, %add3A_757 masked %reduce_max3A_760 : vector<16xf32>, vector<16xi1> -> vector<16xf32>
      %reduce_max3A_762 = vector.extract %reduce_max3A_761[15] : f32 from vector<16xf32>
      %reduce_max3A_763 = arith.constant true
      %reduce_max3A_764 = vector.broadcast %reduce_max3A_763 : i1 to vector<16xi1>
      %reduce_max3A_765 = tpu.scan <max>, %add3A_758 masked %reduce_max3A_764 : vector<16xf32>, vector<16xi1> -> vector<16xf32>
      %reduce_max3A_766 = vector.extract %reduce_max3A_765[15] : f32 from vector<16xf32>
      %max3A_767 = arith.maximumf %reduce_max3A_762, %reduce_max3A_766 : f32
      %broadcast_in_dim3A_768 = vector.broadcast %max3A_767 : f32 to vector<16xf32>
      %sub3A_769 = arith.subf %add3A_757, %broadcast_in_dim3A_768 : vector<16xf32>
      %exp3A_770 = math.exp %sub3A_769 : vector<16xf32>
      %sub3A_771 = arith.subf %add3A_758, %broadcast_in_dim3A_768 : vector<16xf32>
      %exp3A_772 = math.exp %sub3A_771 : vector<16xf32>
      %reduce_sum3A_773 = arith.constant true
      %reduce_sum3A_774 = vector.broadcast %reduce_sum3A_773 : i1 to vector<16xi1>
      %reduce_sum3A_775 = tpu.scan <sum>, %exp3A_770 masked %reduce_sum3A_774 : vector<16xf32>, vector<16xi1> -> vector<16xf32>
      %reduce_sum3A_776 = vector.extract %reduce_sum3A_775[15] : f32 from vector<16xf32>
      %reduce_sum3A_777 = arith.constant true
      %reduce_sum3A_778 = vector.broadcast %reduce_sum3A_777 : i1 to vector<16xi1>
      %reduce_sum3A_779 = tpu.scan <sum>, %exp3A_772 masked %reduce_sum3A_778 : vector<16xf32>, vector<16xi1> -> vector<16xf32>
      %reduce_sum3A_780 = vector.extract %reduce_sum3A_779[15] : f32 from vector<16xf32>
      %add3A_781 = arith.addf %reduce_sum3A_776, %reduce_sum3A_780 : f32
      %broadcast_in_dim3A_782 = vector.broadcast %add3A_781 : f32 to vector<16xf32>
      %div3A_783 = arith.divf %exp3A_770, %broadcast_in_dim3A_782 : vector<16xf32>
      %swap3A_784 = arith.index_cast %add3A_722 : i32 to index
      %swap3A_785 = arith.constant 0 : index
      %swap3A_786 = tpu.vector_load %arg9[%swap3A_784, %swap3A_785] {strides = array<i32>} : memref<128x32xf32, #tpu.memory_space<vmem>>, vector<16xf32>,
      tpu.vector_store %arg9[%swap3A_784, %swap3A_785], %div3A_783 {strides = array<i32>} : memref<128x32xf32, #tpu.memory_space<vmem>>, vector<16xf32>,
      %div3A_787 = arith.divf %exp3A_772, %broadcast_in_dim3A_782 : vector<16xf32>
      %swap3A_788 = arith.index_cast %add3A_722 : i32 to index
      %swap3A_789 = arith.constant 16 : index
      %swap3A_790 = tpu.vector_load %arg9[%swap3A_788, %swap3A_789] {strides = array<i32>} : memref<128x32xf32, #tpu.memory_space<vmem>>, vector<16xf32>,
      tpu.vector_store %arg9[%swap3A_788, %swap3A_789], %div3A_787 {strides = array<i32>} : memref<128x32xf32, #tpu.memory_space<vmem>>, vector<16xf32>,
      %lt3A_791 = arith.constant 15 : i32
      %lt3A_792 = arith.cmpi slt, %scan3A_266, %lt3A_791 : i32
      %convert_element_type3A_793 = arith.extui %lt3A_792 : i1 to i32
      %cond3A_794 = arith.constant 0 : i32
      %cond3A_795 = arith.cmpi ne, %convert_element_type3A_793, %cond3A_794 : i32
      scf.if %cond3A_795 {
        %add3A_873 = arith.constant 8 : i32
        %add3A_874 = arith.addi %add3A_722, %add3A_873 : i32
        %dma_start3A_875 = arith.constant 6 : i32
        %dma_start3A_876 = arith.constant 6 : i32
        %dma_start3A_877 = arith.constant 0 : i32
        %dma_start3A_878 = arith.constant 0 : i32
        %dma_start3A_879 = tpu.memref_slice %arg8[%dma_start3A_875, %dma_start3A_877, %dma_start3A_878] : memref<8x200x32xf32, #tpu.memory_space<vmem>> -> memref<1x104x32xf32, #tpu.memory_space<vmem>>
        %dma_start3A_880 = tpu.memref_squeeze %dma_start3A_879 : memref<1x104x32xf32, #tpu.memory_space<vmem>> -> memref<104x32xf32, #tpu.memory_space<vmem>>
        %dma_start3A_881 = arith.constant 0 : i32
        %dma_start3A_882 = tpu.memref_slice %arg6[%add3A_874, %dma_start3A_881] : memref<128x200xi32, #tpu.memory_space<vmem>> -> memref<1x104xi32, #tpu.memory_space<vmem>>
        %dma_start3A_883 = tpu.memref_squeeze %dma_start3A_882 : memref<1x104xi32, #tpu.memory_space<vmem>> -> memref<104xi32, #tpu.memory_space<vmem>>
        %dma_start3A_884 = arith.constant 0 : i32
        %dma_start3A_885 = arith.constant 0 : i32
        %dma_start3A_886 = tpu.memref_slice %arg2[%dma_start3A_884, %dma_start3A_885] : memref<100352x32xf32, #tpu.memory_space<hbm>> -> memref<100352x32xf32, #tpu.memory_space<hbm>>
        %dma_start3A_887 = tpu.memref_slice %arg10[%dma_start3A_876] : memref<8x!tpu.dma_semaphore, #tpu.memory_space<semaphore_mem>> -> memref<1x!tpu.dma_semaphore, #tpu.memory_space<semaphore_mem>>
        %dma_start3A_888 = tpu.memref_squeeze %dma_start3A_887 : memref<1x!tpu.dma_semaphore, #tpu.memory_space<semaphore_mem>> -> memref<!tpu.dma_semaphore, #tpu.memory_space<semaphore_mem>>
        tpu.enqueue_indirect_dma source(%dma_start3A_886 : memref<100352x32xf32, #tpu.memory_space<hbm>>) target(%dma_start3A_880 : memref<104x32xf32, #tpu.memory_space<vmem>>) offsets(%dma_start3A_883 : memref<104xi32, #tpu.memory_space<vmem>>) semaphore(%dma_start3A_888 : memref<!tpu.dma_semaphore, #tpu.memory_space<semaphore_mem>>)
        %dma_start3A_889 = arith.constant 6 : i32
        %dma_start3A_890 = arith.constant 6 : i32
        %dma_start3A_891 = arith.constant 104 : i32
        %dma_start3A_892 = arith.constant 0 : i32
        %dma_start3A_893 = tpu.memref_slice %arg8[%dma_start3A_889, %dma_start3A_891, %dma_start3A_892] : memref<8x200x32xf32, #tpu.memory_space<vmem>> -> memref<1x96x32xf32, #tpu.memory_space<vmem>>
        %dma_start3A_894 = tpu.memref_squeeze %dma_start3A_893 : memref<1x96x32xf32, #tpu.memory_space<vmem>> -> memref<96x32xf32, #tpu.memory_space<vmem>>
        %dma_start3A_895 = arith.constant 104 : i32
        %dma_start3A_896 = tpu.memref_slice %arg6[%add3A_874, %dma_start3A_895] : memref<128x200xi32, #tpu.memory_space<vmem>> -> memref<1x96xi32, #tpu.memory_space<vmem>>
        %dma_start3A_897 = tpu.memref_squeeze %dma_start3A_896 : memref<1x96xi32, #tpu.memory_space<vmem>> -> memref<96xi32, #tpu.memory_space<vmem>>
        %dma_start3A_898 = arith.constant 0 : i32
        %dma_start3A_899 = arith.constant 0 : i32
        %dma_start3A_900 = tpu.memref_slice %arg2[%dma_start3A_898, %dma_start3A_899] : memref<100352x32xf32, #tpu.memory_space<hbm>> -> memref<100352x32xf32, #tpu.memory_space<hbm>>
        %dma_start3A_901 = tpu.memref_slice %arg10[%dma_start3A_890] : memref<8x!tpu.dma_semaphore, #tpu.memory_space<semaphore_mem>> -> memref<1x!tpu.dma_semaphore, #tpu.memory_space<semaphore_mem>>
        %dma_start3A_902 = tpu.memref_squeeze %dma_start3A_901 : memref<1x!tpu.dma_semaphore, #tpu.memory_space<semaphore_mem>> -> memref<!tpu.dma_semaphore, #tpu.memory_space<semaphore_mem>>
        tpu.enqueue_indirect_dma source(%dma_start3A_900 : memref<100352x32xf32, #tpu.memory_space<hbm>>) target(%dma_start3A_894 : memref<96x32xf32, #tpu.memory_space<vmem>>) offsets(%dma_start3A_897 : memref<96xi32, #tpu.memory_space<vmem>>) semaphore(%dma_start3A_902 : memref<!tpu.dma_semaphore, #tpu.memory_space<semaphore_mem>>)
      } else {
      }
      %mul3A_796 = arith.constant 8 : i32
      %mul3A_797 = arith.muli %scan3A_266, %mul3A_796 : i32
      %add3A_798 = arith.constant 7 : i32
      %add3A_799 = arith.addi %mul3A_797, %add3A_798 : i32
      %dma_wait3A_800 = arith.constant 7 : i32
      %dma_wait3A_801 = arith.constant 7 : i32
      %dma_wait3A_802 = arith.constant 0 : i32
      %dma_wait3A_803 = arith.constant 0 : i32
      %dma_wait3A_804 = tpu.memref_slice %arg8[%dma_wait3A_800, %dma_wait3A_802, %dma_wait3A_803] : memref<8x200x32xf32, #tpu.memory_space<vmem>> -> memref<1x104x32xf32, #tpu.memory_space<vmem>>
      %dma_wait3A_805 = tpu.memref_squeeze %dma_wait3A_804 : memref<1x104x32xf32, #tpu.memory_space<vmem>> -> memref<104x32xf32, #tpu.memory_space<vmem>>
      %dma_wait3A_806 = arith.constant 0 : i32
      %dma_wait3A_807 = tpu.memref_slice %arg6[%add3A_799, %dma_wait3A_806] : memref<128x200xi32, #tpu.memory_space<vmem>> -> memref<1x104xi32, #tpu.memory_space<vmem>>
      %dma_wait3A_808 = tpu.memref_squeeze %dma_wait3A_807 : memref<1x104xi32, #tpu.memory_space<vmem>> -> memref<104xi32, #tpu.memory_space<vmem>>
      %dma_wait3A_809 = arith.constant 0 : i32
      %dma_wait3A_810 = arith.constant 0 : i32
      %dma_wait3A_811 = tpu.memref_slice %arg2[%dma_wait3A_809, %dma_wait3A_810] : memref<100352x32xf32, #tpu.memory_space<hbm>> -> memref<100352x32xf32, #tpu.memory_space<hbm>>
      %dma_wait3A_812 = tpu.memref_slice %arg10[%dma_wait3A_801] : memref<8x!tpu.dma_semaphore, #tpu.memory_space<semaphore_mem>> -> memref<1x!tpu.dma_semaphore, #tpu.memory_space<semaphore_mem>>
      %dma_wait3A_813 = tpu.memref_squeeze %dma_wait3A_812 : memref<1x!tpu.dma_semaphore, #tpu.memory_space<semaphore_mem>> -> memref<!tpu.dma_semaphore, #tpu.memory_space<semaphore_mem>>
      tpu.wait_indirect_dma semaphore(%dma_wait3A_813 : memref<!tpu.dma_semaphore, #tpu.memory_space<semaphore_mem>>) src(%dma_wait3A_811 : memref<100352x32xf32, #tpu.memory_space<hbm>>) dst(%dma_wait3A_805 : memref<104x32xf32, #tpu.memory_space<vmem>>)
      %dma_wait3A_814 = arith.constant 7 : i32
      %dma_wait3A_815 = arith.constant 7 : i32
      %dma_wait3A_816 = arith.constant 104 : i32
      %dma_wait3A_817 = arith.constant 0 : i32
      %dma_wait3A_818 = tpu.memref_slice %arg8[%dma_wait3A_814, %dma_wait3A_816, %dma_wait3A_817] : memref<8x200x32xf32, #tpu.memory_space<vmem>> -> memref<1x96x32xf32, #tpu.memory_space<vmem>>
      %dma_wait3A_819 = tpu.memref_squeeze %dma_wait3A_818 : memref<1x96x32xf32, #tpu.memory_space<vmem>> -> memref<96x32xf32, #tpu.memory_space<vmem>>
      %dma_wait3A_820 = arith.constant 104 : i32
      %dma_wait3A_821 = tpu.memref_slice %arg6[%add3A_799, %dma_wait3A_820] : memref<128x200xi32, #tpu.memory_space<vmem>> -> memref<1x96xi32, #tpu.memory_space<vmem>>
      %dma_wait3A_822 = tpu.memref_squeeze %dma_wait3A_821 : memref<1x96xi32, #tpu.memory_space<vmem>> -> memref<96xi32, #tpu.memory_space<vmem>>
      %dma_wait3A_823 = arith.constant 0 : i32
      %dma_wait3A_824 = arith.constant 0 : i32
      %dma_wait3A_825 = tpu.memref_slice %arg2[%dma_wait3A_823, %dma_wait3A_824] : memref<100352x32xf32, #tpu.memory_space<hbm>> -> memref<100352x32xf32, #tpu.memory_space<hbm>>
      %dma_wait3A_826 = tpu.memref_slice %arg10[%dma_wait3A_815] : memref<8x!tpu.dma_semaphore, #tpu.memory_space<semaphore_mem>> -> memref<1x!tpu.dma_semaphore, #tpu.memory_space<semaphore_mem>>
      %dma_wait3A_827 = tpu.memref_squeeze %dma_wait3A_826 : memref<1x!tpu.dma_semaphore, #tpu.memory_space<semaphore_mem>> -> memref<!tpu.dma_semaphore, #tpu.memory_space<semaphore_mem>>
      tpu.wait_indirect_dma semaphore(%dma_wait3A_827 : memref<!tpu.dma_semaphore, #tpu.memory_space<semaphore_mem>>) src(%dma_wait3A_825 : memref<100352x32xf32, #tpu.memory_space<hbm>>) dst(%dma_wait3A_819 : memref<96x32xf32, #tpu.memory_space<vmem>>)
      %scan3A_828 = arith.constant 0 : i32
      %scan3A_829 = arith.constant 25 : i32
      %scan3A_830 = arith.addi %scan3A_828, %scan3A_829 : i32
      %scan3A_831 = arith.constant 1 : i32
      %scan3A_832:4 = scf.for %scan3A_873 = %scan3A_828 to %scan3A_830 step %scan3A_831 iter_args(%scan3A_874 = %get3A_15, %scan3A_875 = %get3A_17, %scan3A_876 = %broadcast_in_dim3A_258, %scan3A_877 = %broadcast_in_dim3A_258) -> (vector<16xf32>, vector<16xf32>, vector<16xf32>, vector<16xf32>)  : i32 {
        %mul3A_878 = arith.constant 8 : i32
        %mul3A_879 = arith.muli %scan3A_873, %mul3A_878 : i32
        %add3A_880 = arith.constant 0 : i32
        %add3A_881 = arith.addi %mul3A_879, %add3A_880 : i32
        %get3A_882 = arith.constant 7 : i32
        %get3A_883 = arith.index_cast %get3A_882 : i32 to index
        %get3A_884 = arith.index_cast %add3A_881 : i32 to index
        %get3A_885 = arith.constant 0 : index
        %get3A_886 = tpu.vector_load %arg8[%get3A_883, %get3A_884, %get3A_885] {strides = array<i32>} : memref<8x200x32xf32, #tpu.memory_space<vmem>>, vector<16xf32>,
        %get3A_887 = arith.constant 7 : i32
        %get3A_888 = arith.index_cast %get3A_887 : i32 to index
        %get3A_889 = arith.index_cast %add3A_881 : i32 to index
        %get3A_890 = arith.constant 16 : index
        %get3A_891 = tpu.vector_load %arg8[%get3A_888, %get3A_889, %get3A_890] {strides = array<i32>} : memref<8x200x32xf32, #tpu.memory_space<vmem>>, vector<16xf32>,
        %add3A_892 = arith.addf %scan3A_874, %get3A_886 : vector<16xf32>
        %add3A_893 = arith.addf %scan3A_875, %get3A_891 : vector<16xf32>
        %mul3A_894 = arith.constant 8 : i32
        %mul3A_895 = arith.muli %scan3A_873, %mul3A_894 : i32
        %add3A_896 = arith.constant 1 : i32
        %add3A_897 = arith.addi %mul3A_895, %add3A_896 : i32
        %get3A_898 = arith.constant 7 : i32
        %get3A_899 = arith.index_cast %get3A_898 : i32 to index
        %get3A_900 = arith.index_cast %add3A_897 : i32 to index
        %get3A_901 = arith.constant 0 : index
        %get3A_902 = tpu.vector_load %arg8[%get3A_899, %get3A_900, %get3A_901] {strides = array<i32>} : memref<8x200x32xf32, #tpu.memory_space<vmem>>, vector<16xf32>,
        %get3A_903 = arith.constant 7 : i32
        %get3A_904 = arith.index_cast %get3A_903 : i32 to index
        %get3A_905 = arith.index_cast %add3A_897 : i32 to index
        %get3A_906 = arith.constant 16 : index
        %get3A_907 = tpu.vector_load %arg8[%get3A_904, %get3A_905, %get3A_906] {strides = array<i32>} : memref<8x200x32xf32, #tpu.memory_space<vmem>>, vector<16xf32>,
        %add3A_908 = arith.addf %scan3A_876, %get3A_902 : vector<16xf32>
        %add3A_909 = arith.addf %scan3A_877, %get3A_907 : vector<16xf32>
        %mul3A_910 = arith.constant 8 : i32
        %mul3A_911 = arith.muli %scan3A_873, %mul3A_910 : i32
        %add3A_912 = arith.constant 2 : i32
        %add3A_913 = arith.addi %mul3A_911, %add3A_912 : i32
        %get3A_914 = arith.constant 7 : i32
        %get3A_915 = arith.index_cast %get3A_914 : i32 to index
        %get3A_916 = arith.index_cast %add3A_913 : i32 to index
        %get3A_917 = arith.constant 0 : index
        %get3A_918 = tpu.vector_load %arg8[%get3A_915, %get3A_916, %get3A_917] {strides = array<i32>} : memref<8x200x32xf32, #tpu.memory_space<vmem>>, vector<16xf32>,
        %get3A_919 = arith.constant 7 : i32
        %get3A_920 = arith.index_cast %get3A_919 : i32 to index
        %get3A_921 = arith.index_cast %add3A_913 : i32 to index
        %get3A_922 = arith.constant 16 : index
        %get3A_923 = tpu.vector_load %arg8[%get3A_920, %get3A_921, %get3A_922] {strides = array<i32>} : memref<8x200x32xf32, #tpu.memory_space<vmem>>, vector<16xf32>,
        %add3A_924 = arith.addf %add3A_892, %get3A_918 : vector<16xf32>
        %add3A_925 = arith.addf %add3A_893, %get3A_923 : vector<16xf32>
        %mul3A_926 = arith.constant 8 : i32
        %mul3A_927 = arith.muli %scan3A_873, %mul3A_926 : i32
        %add3A_928 = arith.constant 3 : i32
        %add3A_929 = arith.addi %mul3A_927, %add3A_928 : i32
        %get3A_930 = arith.constant 7 : i32
        %get3A_931 = arith.index_cast %get3A_930 : i32 to index
        %get3A_932 = arith.index_cast %add3A_929 : i32 to index
        %get3A_933 = arith.constant 0 : index
        %get3A_934 = tpu.vector_load %arg8[%get3A_931, %get3A_932, %get3A_933] {strides = array<i32>} : memref<8x200x32xf32, #tpu.memory_space<vmem>>, vector<16xf32>,
        %get3A_935 = arith.constant 7 : i32
        %get3A_936 = arith.index_cast %get3A_935 : i32 to index
        %get3A_937 = arith.index_cast %add3A_929 : i32 to index
        %get3A_938 = arith.constant 16 : index
        %get3A_939 = tpu.vector_load %arg8[%get3A_936, %get3A_937, %get3A_938] {strides = array<i32>} : memref<8x200x32xf32, #tpu.memory_space<vmem>>, vector<16xf32>,
        %add3A_940 = arith.addf %add3A_908, %get3A_934 : vector<16xf32>
        %add3A_941 = arith.addf %add3A_909, %get3A_939 : vector<16xf32>
        %mul3A_942 = arith.constant 8 : i32
        %mul3A_943 = arith.muli %scan3A_873, %mul3A_942 : i32
        %add3A_944 = arith.constant 4 : i32
        %add3A_945 = arith.addi %mul3A_943, %add3A_944 : i32
        %get3A_946 = arith.constant 7 : i32
        %get3A_947 = arith.index_cast %get3A_946 : i32 to index
        %get3A_948 = arith.index_cast %add3A_945 : i32 to index
        %get3A_949 = arith.constant 0 : index
        %get3A_950 = tpu.vector_load %arg8[%get3A_947, %get3A_948, %get3A_949] {strides = array<i32>} : memref<8x200x32xf32, #tpu.memory_space<vmem>>, vector<16xf32>,
        %get3A_951 = arith.constant 7 : i32
        %get3A_952 = arith.index_cast %get3A_951 : i32 to index
        %get3A_953 = arith.index_cast %add3A_945 : i32 to index
        %get3A_954 = arith.constant 16 : index
        %get3A_955 = tpu.vector_load %arg8[%get3A_952, %get3A_953, %get3A_954] {strides = array<i32>} : memref<8x200x32xf32, #tpu.memory_space<vmem>>, vector<16xf32>,
        %add3A_956 = arith.addf %add3A_924, %get3A_950 : vector<16xf32>
        %add3A_957 = arith.addf %add3A_925, %get3A_955 : vector<16xf32>
        %mul3A_958 = arith.constant 8 : i32
        %mul3A_959 = arith.muli %scan3A_873, %mul3A_958 : i32
        %add3A_960 = arith.constant 5 : i32
        %add3A_961 = arith.addi %mul3A_959, %add3A_960 : i32
        %get3A_962 = arith.constant 7 : i32
        %get3A_963 = arith.index_cast %get3A_962 : i32 to index
        %get3A_964 = arith.index_cast %add3A_961 : i32 to index
        %get3A_965 = arith.constant 0 : index
        %get3A_966 = tpu.vector_load %arg8[%get3A_963, %get3A_964, %get3A_965] {strides = array<i32>} : memref<8x200x32xf32, #tpu.memory_space<vmem>>, vector<16xf32>,
        %get3A_967 = arith.constant 7 : i32
        %get3A_968 = arith.index_cast %get3A_967 : i32 to index
        %get3A_969 = arith.index_cast %add3A_961 : i32 to index
        %get3A_970 = arith.constant 16 : index
        %get3A_971 = tpu.vector_load %arg8[%get3A_968, %get3A_969, %get3A_970] {strides = array<i32>} : memref<8x200x32xf32, #tpu.memory_space<vmem>>, vector<16xf32>,
        %add3A_972 = arith.addf %add3A_940, %get3A_966 : vector<16xf32>
        %add3A_973 = arith.addf %add3A_941, %get3A_971 : vector<16xf32>
        %mul3A_974 = arith.constant 8 : i32
        %mul3A_975 = arith.muli %scan3A_873, %mul3A_974 : i32
        %add3A_976 = arith.constant 6 : i32
        %add3A_977 = arith.addi %mul3A_975, %add3A_976 : i32
        %get3A_978 = arith.constant 7 : i32
        %get3A_979 = arith.index_cast %get3A_978 : i32 to index
        %get3A_980 = arith.index_cast %add3A_977 : i32 to index
        %get3A_981 = arith.constant 0 : index
        %get3A_982 = tpu.vector_load %arg8[%get3A_979, %get3A_980, %get3A_981] {strides = array<i32>} : memref<8x200x32xf32, #tpu.memory_space<vmem>>, vector<16xf32>,
        %get3A_983 = arith.constant 7 : i32
        %get3A_984 = arith.index_cast %get3A_983 : i32 to index
        %get3A_985 = arith.index_cast %add3A_977 : i32 to index
        %get3A_986 = arith.constant 16 : index
        %get3A_987 = tpu.vector_load %arg8[%get3A_984, %get3A_985, %get3A_986] {strides = array<i32>} : memref<8x200x32xf32, #tpu.memory_space<vmem>>, vector<16xf32>,
        %add3A_988 = arith.addf %add3A_956, %get3A_982 : vector<16xf32>
        %add3A_989 = arith.addf %add3A_957, %get3A_987 : vector<16xf32>
        %mul3A_990 = arith.constant 8 : i32
        %mul3A_991 = arith.muli %scan3A_873, %mul3A_990 : i32
        %add3A_992 = arith.constant 7 : i32
        %add3A_993 = arith.addi %mul3A_991, %add3A_992 : i32
        %get3A_994 = arith.constant 7 : i32
        %get3A_995 = arith.index_cast %get3A_994 : i32 to index
        %get3A_996 = arith.index_cast %add3A_993 : i32 to index
        %get3A_997 = arith.constant 0 : index
        %get3A_998 = tpu.vector_load %arg8[%get3A_995, %get3A_996, %get3A_997] {strides = array<i32>} : memref<8x200x32xf32, #tpu.memory_space<vmem>>, vector<16xf32>,
        %get3A_999 = arith.constant 7 : i32
        %get3A_1000 = arith.index_cast %get3A_999 : i32 to index
        %get3A_1001 = arith.index_cast %add3A_993 : i32 to index
        %get3A_1002 = arith.constant 16 : index
        %get3A_1003 = tpu.vector_load %arg8[%get3A_1000, %get3A_1001, %get3A_1002] {strides = array<i32>} : memref<8x200x32xf32, #tpu.memory_space<vmem>>, vector<16xf32>,
        %add3A_1004 = arith.addf %add3A_972, %get3A_998 : vector<16xf32>
        %add3A_1005 = arith.addf %add3A_973, %get3A_1003 : vector<16xf32>
        scf.yield %add3A_988, %add3A_989, %add3A_1004, %add3A_1005 : vector<16xf32>, vector<16xf32>, vector<16xf32>, vector<16xf32>
      }
      %scan3A_833 = arith.constant 25 : i32
      %add3A_834 = arith.addf %scan3A_832#0, %scan3A_832#2 : vector<16xf32>
      %add3A_835 = arith.addf %scan3A_832#1, %scan3A_832#3 : vector<16xf32>
      %reduce_max3A_836 = arith.constant true
      %reduce_max3A_837 = vector.broadcast %reduce_max3A_836 : i1 to vector<16xi1>
      %reduce_max3A_838 = tpu.scan <max>, %add3A_834 masked %reduce_max3A_837 : vector<16xf32>, vector<16xi1> -> vector<16xf32>
      %reduce_max3A_839 = vector.extract %reduce_max3A_838[15] : f32 from vector<16xf32>
      %reduce_max3A_840 = arith.constant true
      %reduce_max3A_841 = vector.broadcast %reduce_max3A_840 : i1 to vector<16xi1>
      %reduce_max3A_842 = tpu.scan <max>, %add3A_835 masked %reduce_max3A_841 : vector<16xf32>, vector<16xi1> -> vector<16xf32>
      %reduce_max3A_843 = vector.extract %reduce_max3A_842[15] : f32 from vector<16xf32>
      %max3A_844 = arith.maximumf %reduce_max3A_839, %reduce_max3A_843 : f32
      %broadcast_in_dim3A_845 = vector.broadcast %max3A_844 : f32 to vector<16xf32>
      %sub3A_846 = arith.subf %add3A_834, %broadcast_in_dim3A_845 : vector<16xf32>
      %exp3A_847 = math.exp %sub3A_846 : vector<16xf32>
      %sub3A_848 = arith.subf %add3A_835, %broadcast_in_dim3A_845 : vector<16xf32>
      %exp3A_849 = math.exp %sub3A_848 : vector<16xf32>
      %reduce_sum3A_850 = arith.constant true
      %reduce_sum3A_851 = vector.broadcast %reduce_sum3A_850 : i1 to vector<16xi1>
      %reduce_sum3A_852 = tpu.scan <sum>, %exp3A_847 masked %reduce_sum3A_851 : vector<16xf32>, vector<16xi1> -> vector<16xf32>
      %reduce_sum3A_853 = vector.extract %reduce_sum3A_852[15] : f32 from vector<16xf32>
      %reduce_sum3A_854 = arith.constant true
      %reduce_sum3A_855 = vector.broadcast %reduce_sum3A_854 : i1 to vector<16xi1>
      %reduce_sum3A_856 = tpu.scan <sum>, %exp3A_849 masked %reduce_sum3A_855 : vector<16xf32>, vector<16xi1> -> vector<16xf32>
      %reduce_sum3A_857 = vector.extract %reduce_sum3A_856[15] : f32 from vector<16xf32>
      %add3A_858 = arith.addf %reduce_sum3A_853, %reduce_sum3A_857 : f32
      %broadcast_in_dim3A_859 = vector.broadcast %add3A_858 : f32 to vector<16xf32>
      %div3A_860 = arith.divf %exp3A_847, %broadcast_in_dim3A_859 : vector<16xf32>
      %swap3A_861 = arith.index_cast %add3A_799 : i32 to index
      %swap3A_862 = arith.constant 0 : index
      %swap3A_863 = tpu.vector_load %arg9[%swap3A_861, %swap3A_862] {strides = array<i32>} : memref<128x32xf32, #tpu.memory_space<vmem>>, vector<16xf32>,
      tpu.vector_store %arg9[%swap3A_861, %swap3A_862], %div3A_860 {strides = array<i32>} : memref<128x32xf32, #tpu.memory_space<vmem>>, vector<16xf32>,
      %div3A_864 = arith.divf %exp3A_849, %broadcast_in_dim3A_859 : vector<16xf32>
      %swap3A_865 = arith.index_cast %add3A_799 : i32 to index
      %swap3A_866 = arith.constant 16 : index
      %swap3A_867 = tpu.vector_load %arg9[%swap3A_865, %swap3A_866] {strides = array<i32>} : memref<128x32xf32, #tpu.memory_space<vmem>>, vector<16xf32>,
      tpu.vector_store %arg9[%swap3A_865, %swap3A_866], %div3A_864 {strides = array<i32>} : memref<128x32xf32, #tpu.memory_space<vmem>>, vector<16xf32>,
      %lt3A_868 = arith.constant 15 : i32
      %lt3A_869 = arith.cmpi slt, %scan3A_266, %lt3A_868 : i32
      %convert_element_type3A_870 = arith.extui %lt3A_869 : i1 to i32
      %cond3A_871 = arith.constant 0 : i32
      %cond3A_872 = arith.cmpi ne, %convert_element_type3A_870, %cond3A_871 : i32
      scf.if %cond3A_872 {
        %add3A_873 = arith.constant 8 : i32
        %add3A_874 = arith.addi %add3A_799, %add3A_873 : i32
        %dma_start3A_875 = arith.constant 7 : i32
        %dma_start3A_876 = arith.constant 7 : i32
        %dma_start3A_877 = arith.constant 0 : i32
        %dma_start3A_878 = arith.constant 0 : i32
        %dma_start3A_879 = tpu.memref_slice %arg8[%dma_start3A_875, %dma_start3A_877, %dma_start3A_878] : memref<8x200x32xf32, #tpu.memory_space<vmem>> -> memref<1x104x32xf32, #tpu.memory_space<vmem>>
        %dma_start3A_880 = tpu.memref_squeeze %dma_start3A_879 : memref<1x104x32xf32, #tpu.memory_space<vmem>> -> memref<104x32xf32, #tpu.memory_space<vmem>>
        %dma_start3A_881 = arith.constant 0 : i32
        %dma_start3A_882 = tpu.memref_slice %arg6[%add3A_874, %dma_start3A_881] : memref<128x200xi32, #tpu.memory_space<vmem>> -> memref<1x104xi32, #tpu.memory_space<vmem>>
        %dma_start3A_883 = tpu.memref_squeeze %dma_start3A_882 : memref<1x104xi32, #tpu.memory_space<vmem>> -> memref<104xi32, #tpu.memory_space<vmem>>
        %dma_start3A_884 = arith.constant 0 : i32
        %dma_start3A_885 = arith.constant 0 : i32
        %dma_start3A_886 = tpu.memref_slice %arg2[%dma_start3A_884, %dma_start3A_885] : memref<100352x32xf32, #tpu.memory_space<hbm>> -> memref<100352x32xf32, #tpu.memory_space<hbm>>
        %dma_start3A_887 = tpu.memref_slice %arg10[%dma_start3A_876] : memref<8x!tpu.dma_semaphore, #tpu.memory_space<semaphore_mem>> -> memref<1x!tpu.dma_semaphore, #tpu.memory_space<semaphore_mem>>
        %dma_start3A_888 = tpu.memref_squeeze %dma_start3A_887 : memref<1x!tpu.dma_semaphore, #tpu.memory_space<semaphore_mem>> -> memref<!tpu.dma_semaphore, #tpu.memory_space<semaphore_mem>>
        tpu.enqueue_indirect_dma source(%dma_start3A_886 : memref<100352x32xf32, #tpu.memory_space<hbm>>) target(%dma_start3A_880 : memref<104x32xf32, #tpu.memory_space<vmem>>) offsets(%dma_start3A_883 : memref<104xi32, #tpu.memory_space<vmem>>) semaphore(%dma_start3A_888 : memref<!tpu.dma_semaphore, #tpu.memory_space<semaphore_mem>>)
        %dma_start3A_889 = arith.constant 7 : i32
        %dma_start3A_890 = arith.constant 7 : i32
        %dma_start3A_891 = arith.constant 104 : i32
        %dma_start3A_892 = arith.constant 0 : i32
        %dma_start3A_893 = tpu.memref_slice %arg8[%dma_start3A_889, %dma_start3A_891, %dma_start3A_892] : memref<8x200x32xf32, #tpu.memory_space<vmem>> -> memref<1x96x32xf32, #tpu.memory_space<vmem>>
        %dma_start3A_894 = tpu.memref_squeeze %dma_start3A_893 : memref<1x96x32xf32, #tpu.memory_space<vmem>> -> memref<96x32xf32, #tpu.memory_space<vmem>>
        %dma_start3A_895 = arith.constant 104 : i32
        %dma_start3A_896 = tpu.memref_slice %arg6[%add3A_874, %dma_start3A_895] : memref<128x200xi32, #tpu.memory_space<vmem>> -> memref<1x96xi32, #tpu.memory_space<vmem>>
        %dma_start3A_897 = tpu.memref_squeeze %dma_start3A_896 : memref<1x96xi32, #tpu.memory_space<vmem>> -> memref<96xi32, #tpu.memory_space<vmem>>
        %dma_start3A_898 = arith.constant 0 : i32
        %dma_start3A_899 = arith.constant 0 : i32
        %dma_start3A_900 = tpu.memref_slice %arg2[%dma_start3A_898, %dma_start3A_899] : memref<100352x32xf32, #tpu.memory_space<hbm>> -> memref<100352x32xf32, #tpu.memory_space<hbm>>
        %dma_start3A_901 = tpu.memref_slice %arg10[%dma_start3A_890] : memref<8x!tpu.dma_semaphore, #tpu.memory_space<semaphore_mem>> -> memref<1x!tpu.dma_semaphore, #tpu.memory_space<semaphore_mem>>
        %dma_start3A_902 = tpu.memref_squeeze %dma_start3A_901 : memref<1x!tpu.dma_semaphore, #tpu.memory_space<semaphore_mem>> -> memref<!tpu.dma_semaphore, #tpu.memory_space<semaphore_mem>>
        tpu.enqueue_indirect_dma source(%dma_start3A_900 : memref<100352x32xf32, #tpu.memory_space<hbm>>) target(%dma_start3A_894 : memref<96x32xf32, #tpu.memory_space<vmem>>) offsets(%dma_start3A_897 : memref<96xi32, #tpu.memory_space<vmem>>) semaphore(%dma_start3A_902 : memref<!tpu.dma_semaphore, #tpu.memory_space<semaphore_mem>>)
      } else {
      }
    }
    %scan3A_263 = arith.constant 16 : i32
    %mul3A_264 = arith.constant 128 : i32
    %mul3A_265 = arith.muli %add3A, %mul3A_264 : i32
    "tpu.region"() ({
      %run_scoped3A = tpu.sem_alloc : memref<!tpu.dma_semaphore, #tpu.memory_space<semaphore_mem>>
      %dma_start3A_266 = arith.constant 0 : i32
      %dma_start3A_267 = tpu.memref_slice %arg5[%mul3A_265, %dma_start3A_266] : memref<4096x32xf32, #tpu.memory_space<hbm>> -> memref<128x32xf32, #tpu.memory_space<hbm>>
      %dma_start3A_268 = arith.constant 0 : i32
      %dma_start3A_269 = tpu.memref_slice %arg5[%mul3A_265, %dma_start3A_268] : memref<4096x32xf32, #tpu.memory_space<hbm>> -> memref<128x32xf32, #tpu.memory_space<hbm>>
      tpu.enqueue_dma source(%arg9 : memref<128x32xf32, #tpu.memory_space<vmem>>) target(%dma_start3A_269 : memref<128x32xf32, #tpu.memory_space<hbm>>) target_semaphore(%run_scoped3A : memref<!tpu.dma_semaphore, #tpu.memory_space<semaphore_mem>>)
      %dma_wait3A_270 = arith.constant 0 : i32
      %dma_wait3A_271 = tpu.memref_slice %arg5[%mul3A_265, %dma_wait3A_270] : memref<4096x32xf32, #tpu.memory_space<hbm>> -> memref<128x32xf32, #tpu.memory_space<hbm>>
      %dma_wait3A_272 = arith.constant 0 : i32
      %dma_wait3A_273 = tpu.memref_slice %arg5[%mul3A_265, %dma_wait3A_272] : memref<4096x32xf32, #tpu.memory_space<hbm>> -> memref<128x32xf32, #tpu.memory_space<hbm>>
      tpu.wait_dma2 semaphore(%run_scoped3A : memref<!tpu.dma_semaphore, #tpu.memory_space<semaphore_mem>>) src(%arg9 : memref<128x32xf32, #tpu.memory_space<vmem>>) dst(%dma_wait3A_273 : memref<128x32xf32, #tpu.memory_space<hbm>>)
      tpu.yield
    }) : () -> ()
    return
  }
}

module attributes {stable_mosaic.version = 14 : i64} {
  func.func @_proj_body(%arg0: i32, %arg1: memref<64x3584xf32, #tpu.memory_space<vmem>>, %arg2: memref<64x3584xf32, #tpu.memory_space<vmem>>, %arg3: memref<64x3584xf32, #tpu.memory_space<vmem>>, %arg4: memref<64x3584xf32, #tpu.memory_space<vmem>>, %arg5: memref<64x32xf32, #tpu.memory_space<vmem>>, %arg6: memref<3584x128xf32, #tpu.memory_space<vmem>>) attributes {dimension_semantics = [#tpu.dimension_semantics<arbitrary>], iteration_bounds = array<i64: 7>, scalar_prefetch = 0 : i64, scratch_operands = 0 : i64, tpu.core_type = #tpu.core_type<tc>, window_params = [{transform_indices = @transform_0, window_bounds = array<i64: 64, 3584>}, {transform_indices = @transform_1, window_bounds = array<i64: 64, 3584>}, {transform_indices = @transform_2, window_bounds = array<i64: 64, 3584>}, {transform_indices = @transform_3, window_bounds = array<i64: 64, 3584>}, {pipeline_mode = #tpu.pipeline_mode<synchronous>, transform_indices = @transform_4, window_bounds = array<i64: 64, 32>}, {transform_indices = @transform_5, window_bounds = array<i64: 3584, 128>}]} {
    %get3A = arith.constant 0 : index
    %get3A_0 = arith.constant 0 : index
    %get3A_1 = vector.load %arg1[%get3A, %get3A_0] : memref<64x3584xf32, #tpu.memory_space<vmem>>, vector<64x3584xf32>
    %get3A_2 = arith.constant 0 : index
    %get3A_3 = arith.constant 0 : index
    %get3A_4 = vector.load %arg5[%get3A_2, %get3A_3] : memref<64x32xf32, #tpu.memory_space<vmem>>, vector<64x32xf32>
    %dot_general3A = arith.constant dense<0.000000e+00> : vector<3584x32xf32>
    %dot_general3A_5 = tpu.matmul %get3A_1, %get3A_4, %dot_general3A {dimension_numbers = #tpu.dot_dimension_numbers<[0], [0], [1], [1], [0, 1, 1, 1], [], []>, transpose_lhs_hint = false} : vector<64x3584xf32>, vector<64x32xf32>, vector<3584x32xf32> -> vector<3584x32xf32>
    %get3A_6 = arith.constant 0 : index
    %get3A_7 = arith.constant 0 : index
    %get3A_8 = vector.load %arg2[%get3A_6, %get3A_7] : memref<64x3584xf32, #tpu.memory_space<vmem>>, vector<64x3584xf32>
    %get3A_9 = arith.constant 0 : index
    %get3A_10 = arith.constant 0 : index
    %get3A_11 = vector.load %arg5[%get3A_9, %get3A_10] : memref<64x32xf32, #tpu.memory_space<vmem>>, vector<64x32xf32>
    %dot_general3A_12 = arith.constant dense<0.000000e+00> : vector<3584x32xf32>
    %dot_general3A_13 = tpu.matmul %get3A_8, %get3A_11, %dot_general3A_12 {dimension_numbers = #tpu.dot_dimension_numbers<[0], [0], [1], [1], [0, 1, 1, 1], [], []>, transpose_lhs_hint = false} : vector<64x3584xf32>, vector<64x32xf32>, vector<3584x32xf32> -> vector<3584x32xf32>
    %get3A_14 = arith.constant 0 : index
    %get3A_15 = arith.constant 0 : index
    %get3A_16 = vector.load %arg3[%get3A_14, %get3A_15] : memref<64x3584xf32, #tpu.memory_space<vmem>>, vector<64x3584xf32>
    %get3A_17 = arith.constant 0 : index
    %get3A_18 = arith.constant 0 : index
    %get3A_19 = vector.load %arg5[%get3A_17, %get3A_18] : memref<64x32xf32, #tpu.memory_space<vmem>>, vector<64x32xf32>
    %dot_general3A_20 = arith.constant dense<0.000000e+00> : vector<3584x32xf32>
    %dot_general3A_21 = tpu.matmul %get3A_16, %get3A_19, %dot_general3A_20 {dimension_numbers = #tpu.dot_dimension_numbers<[0], [0], [1], [1], [0, 1, 1, 1], [], []>, transpose_lhs_hint = false} : vector<64x3584xf32>, vector<64x32xf32>, vector<3584x32xf32> -> vector<3584x32xf32>
    %get3A_22 = arith.constant 0 : index
    %get3A_23 = arith.constant 0 : index
    %get3A_24 = vector.load %arg4[%get3A_22, %get3A_23] : memref<64x3584xf32, #tpu.memory_space<vmem>>, vector<64x3584xf32>
    %get3A_25 = arith.constant 0 : index
    %get3A_26 = arith.constant 0 : index
    %get3A_27 = vector.load %arg5[%get3A_25, %get3A_26] : memref<64x32xf32, #tpu.memory_space<vmem>>, vector<64x32xf32>
    %dot_general3A_28 = arith.constant dense<0.000000e+00> : vector<3584x32xf32>
    %dot_general3A_29 = tpu.matmul %get3A_24, %get3A_27, %dot_general3A_28 {dimension_numbers = #tpu.dot_dimension_numbers<[0], [0], [1], [1], [0, 1, 1, 1], [], []>, transpose_lhs_hint = false} : vector<64x3584xf32>, vector<64x32xf32>, vector<3584x32xf32> -> vector<3584x32xf32>
    %concatenate3A = tpu.concatenate %dot_general3A_5, %dot_general3A_13, %dot_general3A_21, %dot_general3A_29 in 1 : vector<3584x32xf32>, vector<3584x32xf32>, vector<3584x32xf32>, vector<3584x32xf32> -> vector<3584x128xf32>
    %swap3A = arith.constant 0 : index
    %swap3A_30 = arith.constant 0 : index
    %swap3A_31 = vector.load %arg6[%swap3A, %swap3A_30] : memref<3584x128xf32, #tpu.memory_space<vmem>>, vector<3584x128xf32>
    tpu.vector_store %arg6[%swap3A, %swap3A_30], %concatenate3A {strides = array<i32>} : memref<3584x128xf32, #tpu.memory_space<vmem>>, vector<3584x128xf32>,
    return
  }
  func.func @transform_0(%arg0: i32) -> (i32, i32) {
    %add3A = arith.constant 0 : i32
    %add3A_0 = arith.addi %arg0, %add3A : i32
    %c0_i32 = arith.constant 0 : i32
    %c0_i32_1 = arith.constant 0 : i32
    return %c0_i32, %add3A_0 : i32, i32
  }
  func.func @transform_1(%arg0: i32) -> (i32, i32) {
    %add3A = arith.constant 7 : i32
    %add3A_0 = arith.addi %arg0, %add3A : i32
    %c0_i32 = arith.constant 0 : i32
    %c0_i32_1 = arith.constant 0 : i32
    return %c0_i32, %add3A_0 : i32, i32
  }
  func.func @transform_2(%arg0: i32) -> (i32, i32) {
    %add3A = arith.constant 14 : i32
    %add3A_0 = arith.addi %arg0, %add3A : i32
    %c0_i32 = arith.constant 0 : i32
    %c0_i32_1 = arith.constant 0 : i32
    return %c0_i32, %add3A_0 : i32, i32
  }
  func.func @transform_3(%arg0: i32) -> (i32, i32) {
    %add3A = arith.constant 21 : i32
    %add3A_0 = arith.addi %arg0, %add3A : i32
    %c0_i32 = arith.constant 0 : i32
    %c0_i32_1 = arith.constant 0 : i32
    return %c0_i32, %add3A_0 : i32, i32
  }
  func.func @transform_4(%arg0: i32) -> (i32, i32) {
    %c0_i32 = arith.constant 0 : i32
    %c0_i32_0 = arith.constant 0 : i32
    %c0_i32_1 = arith.constant 0 : i32
    return %c0_i32, %c0_i32_0 : i32, i32
  }
  func.func @transform_5(%arg0: i32) -> (i32, i32) {
    %c0_i32 = arith.constant 0 : i32
    %c0_i32_0 = arith.constant 0 : i32
    return %arg0, %c0_i32 : i32, i32
  }
}

</mosaic_0001>

<sc_bundles>
// kernel: kernel.4.cloned.1.call-start
scs
__scs_entry_jumppad:
0x0: {  	(pc) =	sbr.rel $0x88, $3  }
0x1: {  	(tag) =	ssettag $0x0;
	lr =	simm.s32 $0x1  }
0x2: {  	[smem:$0x3F9D] =	sst lr;
	_ =	strace $0xD0000000  }
0x3: {  	_ = 	snop  }
0x4: {  	_ = 	snop  }
0x5: {  	_ = 	snop  }
0x6: {  	_ = 	snop  }
0x7: {  	_ = 	snop  }
__scs_overlays_trampoline_lowered:
0x8: {  	[smem:$0x3FAC] =	sst s0  }
0x9: {  	[smem:$0x3FAD] =	sst s1  }
0xa: {  	[smem:$0x3FAE] =	sst s2  }
0xb: {  	[smem:$0x3FAF] =	sst s3  }
0xc: {  	[smem:$0x3FB0] =	sst s4  }
0xd: {  	[smem:$0x3FB1] =	sst s5  }
0xe: {  	[smem:$0x3FB2] =	sst s6  }
0xf: {  	[smem:$0x3FB3] =	sst s7  }
0x10: {  	[smem:$0x3FB4] =	sst s8  }
0x11: {  	[smem:$0x3FB5] =	sst s9;
	s0 =	simm.s32 @!p0 $0x0  }
0x12: {  	s1 =	sld [smem:$0x3F9B];
	s0 =	simm.s32 @p0 $0x1  }
0x13: {  	[smem:$0x3FB6] =	sst s0;
	s0 =	simm.s32 @!p1 $0x0  }
0x14: {  	s2 =	sld [smem:$0x3F9A];
	s0 =	simm.s32 @p1 $0x1  }
0x15: {  	[smem:$0x3FB7] =	sst s0;
	s0 =	simm.s32 @!p2 $0x0  }
0x16: {  	s3 =	sld [smem:$0x3FDB];
	s0 =	simm.s32 @p2 $0x1  }
0x17: {  	s4 =	simm.s32 $0x1BF5;
	[smem:$0x3FB9] =	sst s0  }
0x18: {  	s0 =	sld [smem:$0x3F9C];
	_ =	swait.ge [sflag:s4], $0x0  }
0x19: {  	s7 =	sld [smem:$0x3F9D]  }
0x1a: {  	s8 =	sadd.s32 $0xFFFFE003, lr  }
0x1b: {  	s9 =	sadd.s32 $0xFFFFFEF7, lr;
	s5 =	simm.s32 $0xFFFFFFFF;
	p2 =	slt.u32 s8, $0xFFFFF086  }
0x1c: {  	p1 =	slt.u32 s9, $0xF7A;
	s5 =	simm.s32 @!p2 $0x0  }
0x1d: {  	s5 =	simm.s32 @p1 $0x1;
	p0 =	seq.s32 s7, s2  }
0x1e: {  	s7 =	smul.u32 @!p0 $0xF7A, s2;
	p2 =	seq.s32 @!p0 s5, $0x0  }
0x1f: {  	s9 =	smul.u32 $0xF7A, s1;
	s8 =	simm.s32 @!p0 $0x1BF5;
	p2 =	por !p2, p0  }
0x20: {  	[sflag:s8] =	ssyncset.s32 @!p0 $0xFFFFF086;
	s6 =	sadd.s32 @!p0 s3, s7;
	s7 =	simm.s32 @!p0 $0x108  }
0x21: {  	s3 =	sadd.s32 s3, s9;
	s6 =	sadd.s32 @!p0 $0x88, s6;
	s7 =	simm.s32 @p2 $0x1082  }
0x22: {  	[simem:s7], [sflag:s8] =	dma.local @!p0 [hbm:s6], $0xF7A  }
0x23: {  	s9 =	sor.u32 $0xD0000000, s2;
	s6 =	simm.s32 $0x108;
	_ =	swait.ge @!p0 [sflag:s8], $0x0  }
0x24: {  	s3 =	sadd.s32 $0x88, s3;
	s6 =	simm.s32 @!p1 $0x1082;
	[sflag:s4] =	ssyncset.s32 $0xFFFFF086  }
0x25: {  	[simem:s6], [sflag:s4] =	dma.local [hbm:s3], $0xF7A  }
0x26: {  	[smem:$0x3F9D] =	sst s1;
	(tag) =	ssettag s2;
	_ =	strace s9  }
0x27: {  	s1 =	sld [smem:$0x3FAD]  }
0x28: {  	s2 =	sld [smem:$0x3FAE]  }
0x29: {  	s4 =	sld [smem:$0x3FB0]  }
0x2a: {  	p0 =	seq.s32 s5, $0x0;
	s5 =	sld [smem:$0x3FB1]  }
0x2b: {  	s6 =	sld [smem:$0x3FB2]  }
0x2c: {  	s7 =	sld [smem:$0x3FB3]  }
0x2d: {  	s3 =	simm.s32 $0x108;
	s8 =	sld [smem:$0x3FB4]  }
0x2e: {  	s3 =	simm.s32 @!p0 $0x1082;
	s9 =	sld [smem:$0x3FB5]  }
0x2f: {  	lr =	sadd.s32 s0, s3;
	s0 =	sld [smem:$0x3FAC]  }
0x30: {  	s3 =	sld [smem:$0x3FAF]  }
0x31: {  	[smem:$0x3FB8] =	sst s10  }
0x32: {  	s10 =	sld [smem:$0x3FB6];
	_ =	sdelay $0x3  }
0x33: {  	p0 =	seq.s32 s10, $0x1;
	s10 =	sld [smem:$0x3FB8];
	_ =	sdelay $0x3  }
0x34: {  	[smem:$0x3FB8] =	sst s10  }
0x35: {  	s10 =	sld [smem:$0x3FB7];
	_ =	sdelay $0x3  }
0x36: {  	p1 =	seq.s32 s10, $0x1;
	s10 =	sld [smem:$0x3FB8];
	_ =	sdelay $0x3  }
0x37: {  	[smem:$0x3FB8] =	sst s10  }
0x38: {  	s10 =	sld [smem:$0x3FB9]  }
0x39: {  	_ = 	snop;
	(pc) =	sbr.ind lr, $3  }
0x3a: {  	_ = 	snop  }
0x3b: {  	_ = 	snop  }
0x3c: {  	p2 =	seq.s32 s10, $0x1;
	s10 =	sld [smem:$0x3FB8]  }
0x3d: {  	_ =	shalt  }
0x3e: {  	_ =	shalt  }
0x3f: {  	_ =	shalt  }
0x40: {  	_ =	shalt  }
0x41: {  	_ =	shalt  }
0x42: {  	_ =	shalt  }
0x43: {  	_ =	shalt  }
0x44: {  	_ =	shalt  }
0x45: {  	_ =	shalt  }
0x46: {  	_ =	shalt  }
0x47: {  	_ =	shalt  }
0x48: {  	_ =	shalt  }
0x49: {  	_ =	shalt  }
0x4a: {  	_ =	shalt  }
0x4b: {  	_ =	shalt  }
0x4c: {  	_ =	shalt  }
0x4d: {  	_ =	shalt  }
0x4e: {  	_ =	shalt  }
0x4f: {  	_ =	shalt  }
0x50: {  	_ =	shalt  }
0x51: {  	_ =	shalt  }
0x52: {  	_ =	shalt  }
0x53: {  	_ =	shalt  }
0x54: {  	_ =	shalt  }
0x55: {  	_ =	shalt  }
0x56: {  	_ =	shalt  }
0x57: {  	_ =	shalt  }
0x58: {  	_ =	shalt  }
0x59: {  	_ =	shalt  }
0x5a: {  	_ =	shalt  }
0x5b: {  	_ =	shalt  }
0x5c: {  	_ =	shalt  }
0x5d: {  	_ =	shalt  }
0x5e: {  	_ =	shalt  }
0x5f: {  	_ =	shalt  }
0x60: {  	_ =	shalt  }
0x61: {  	_ =	shalt  }
0x62: {  	_ =	shalt  }
0x63: {  	_ =	shalt  }
0x64: {  	_ =	shalt  }
0x65: {  	_ =	shalt  }
0x66: {  	_ =	shalt  }
0x67: {  	_ =	shalt  }
0x68: {  	_ =	shalt  }
0x69: {  	_ =	shalt  }
0x6a: {  	_ =	shalt  }
0x6b: {  	_ =	shalt  }
0x6c: {  	_ =	shalt  }
0x6d: {  	_ =	shalt  }
0x6e: {  	_ =	shalt  }
0x6f: {  	_ =	shalt  }
0x70: {  	_ =	shalt  }
0x71: {  	_ =	shalt  }
0x72: {  	_ =	shalt  }
0x73: {  	_ =	shalt  }
0x74: {  	_ =	shalt  }
0x75: {  	_ =	shalt  }
0x76: {  	_ =	shalt  }
0x77: {  	_ =	shalt  }
0x78: {  	_ =	shalt  }
0x79: {  	_ =	shalt  }
0x7a: {  	_ =	shalt  }
0x7b: {  	_ =	shalt  }
0x7c: {  	_ =	shalt  }
0x7d: {  	_ =	shalt  }
0x7e: {  	_ =	shalt  }
0x7f: {  	_ =	shalt  }
0x80: {  	_ =	shalt  }
0x81: {  	_ =	shalt  }
0x82: {  	_ =	shalt  }
0x83: {  	_ =	shalt  }
0x84: {  	_ =	shalt  }
0x85: {  	_ =	shalt  }
0x86: {  	_ =	shalt  }
0x87: {  	_ =	shalt  }
.Lfunc_end0:
.L_simem_size_0:
called_computation_lowered:
.L_overlay_start_0:
0x88: {  	s2 =	sld [smem:$0x3FD9]  }
0x89: {  	s3 =	sld [smem:$0x3FFE];
	_ =	sdelay $0x1  }
0x8a: {  	s1 =	srdreg.scid  }
0x8b: {  	s0 =	sand.u32 $0x1, s1  }
0x8c: {  	s17 =	sshll.u32 s0, $0xA;
	s2 =	sadd.s32 s3, s2  }
0x8d: {  	s2 =	sadd.s32 s2, s17  }
0x8e: {  	[smem:$0x3FC4] =	sst s2  }
0x8f: {  	_ = 	snop  }
0x90: {  	s2 =	sld [smem:$0x3FD0];
	(tm) =	ssettm $0x1  }
0x91: {  	s18 =	sld [smem:$0x3FFB];
	_ =	sdelay $0x3  }
0x92: {  	_ =	strace s18  }
0x93: {  	s3 =	sld [smem:$0x3FFC];
	_ =	sdelay $0x3  }
0x94: {  	_ =	strace s3  }
0x95: {  	s3 =	sld [smem:$0x3FFD];
	_ =	sdelay $0x3  }
0x96: {  	_ =	strace s3  }
0x97: {  	_ =	strace $0x8FFFFFFF  }
0x98: {  	s19 =	sld [smem:$0x3FDB];
	_ =	sdelay $0x1  }
0x99: {  	s4 =	simm.s32 $_scs_section_size  }
0x9a: {  	s5 =	simm.s32 $_size__tile_overlayer_lowered;
	s6 =	simm.s32 $_tile_overlayer_lowered  }
0x9b: {  	s22 =	simm.s32 $0x1BFF;
	s21 =	sshll.u32 s6, $0x1;
	s3 =	sadd.s32 s4, s19  }
0x9c: {  	s7 =	simm.s32 $0x0;
	s20 =	sshll.u32 s5, $0x1;
	s5 =	sadd.s32 s21, s3  }
0x9d: {  	[timem:s7], [sflag:s22] =	dma.local [hbm:s5], s20  }
0x9e: {  	_ =	swait.ge [sflag:s22], s20  }
0x9f: {  	s4 =	ssub.s32 $0x0, s20;
	[sflag:s22] =	ssyncset.done $0x0  }
0xa0: {  	[sflag:s22] =	ssyncadd.s32 s4;
	_ =	sdelay $0x1  }
0xa1: {  	s23 =	simm.s32 $0x1B8B  }
0xa2: {  	_ =	swait.ge [sflag:s23], $0x1  }
0xa3: {  	[sflag:s23] =	ssyncset.done $0x0  }
0xa4: {  	s25 =	simm.s32 $0x1B8E;
	s24 =	sld [smem:$0x3FFE];
	[sflag:s23] =	ssyncadd.s32 $0xFFFFFFFF  }
0xa5: {  	s26 =	simm.s32 $execute0_lowered;
	[smem:$0x3FD2] =	sst s25  }
0xa6: {  	s5 =	sshll.u32 s26, $0x1;
	_ =	strace $0x80000046;
	[dreg:$0x1] =	wrdreg $0xFFFFFFFF  }
0xa7: {  	s28 =	simm.s32 $_size_execute0_lowered;
	s3 =	sadd.s32 s3, s5;
	[dreg:$0x0] =	wrdreg $0x0  }
0xa8: {  	s5 =	sshll.u32 s28, $0x1;
	[dreg:$0x2] =	wrdreg s3  }
0xa9: {  	[dreg:$0x3] =	wrdreg s5  }
0xaa: {  	[dreg:$0x4] =	wrdreg $0xC0  }
0xab: {  	_ =	task [dreg:s7], $0x5FFFF  }
0xac: {  	[dreg:$0x1] =	wrdreg $0xFFFFFFFF  }
0xad: {  	[dreg:$0x0] =	wrdreg $0x60  }
0xae: {  	[dreg:$0x2] =	wrdreg s24  }
0xaf: {  	[dreg:$0x3] =	wrdreg s2  }
0xb0: {  	[dreg:$0x4] =	wrdreg $0x9  }
0xb1: {  	_ =	task.clear_ibuf [dreg:s7], $0x5FFFF;
	_ =	strace $0x90000046  }
0xb2: {  	s29 =	simm.s32 $0x9;
	_ =	strace $0x80000048  }
0xb3: {  	_ =	swait.ge [sflag:s29], $0x1  }
0xb4: {  	[sflag:s29] =	ssyncadd.s32 $0xFFFFFFFF  }
0xb5: {  	_ =	strace $0x90000048  }
0xb6: {  	_ =	sfence  }
0xb7: {  	s30 =	sld [smem:$0x0];
	_ =	sdelay $0x2  }
0xb8: {  	s31 =	sshll.u32 s1, $0xD;
	s1 =	sshrl.u32 s1, $0x2  }
0xb9: {  	s3 =	sand.u32 $0x4000, s31;
	s1 =	sadd.s32 s1, s30  }
0xba: {  	s0 =	sor.u32 s3, s0;
	s1 =	sshll.u32 s1, $0x11  }
0xbb: {  	s0 =	sor.u32 s1, s0  }
0xbc: {  	s0 =	sadd.s32 $0x8F2B, s0  }
0xbd: {  	[sflag:s0] =	ssyncadd.remote.s32 $0x1  }
0xbe: {  	_ =	sfence.sel $0xFFFF  }
0xbf: {  	[dreg:$0x0] =	wrdreg $0xFFFFFFFF;
	(pc) =	sbr.abs _section_cstart, $3  }
0xc0: {  	[dreg:$0x1] =	wrdreg $0xFFFFFFFF  }
0xc1: {  	_ =	task.clear_ibuf [dreg:s7], $0x2FFFF;
	_ =	strace $0x9FFFFFFF  }
0xc2: {  	(tm) =	ssettm $0x7FFFFFFF  }
0xc3: {  	_ =	shalt  }
tec
execute0_lowered:
.L_overlay_start_1:
0x0: {  	(tag) =	ssettag $0x1  }
0x1: {  	s0 =	rddreg [dreg:$0x0];
	s1 =	srdreg.scid  }
0x2: {  	s3 =	simm.s32 $0x0;
	s4 =	stileid.u32;
	s8 =	simm.s32 $0x9  }
0x3: {  	s10 =	simm.s32 $0xA;
	s11 =	simm.s32 $0x68;
	s13 =	simm.s32 $0x60  }
0x4: {  	s15 =	simm.s32 $0x518;
	s16 =	simm.s32 $0x10720;
	s17 =	simm.s32 $0x578  }
0x5: {  	s18 =	simm.s32 $0x11320;
	s19 =	simm.s32 $0x5E0;
	s20 =	simm.s32 $0x12020  }
0x6: {  	s21 =	simm.s32 $0x1;
	s22 =	simm.s32 $0x2;
	s23 =	simm.s32 $0x3  }
0x7: {  	s24 =	simm.s32 $0x4;
	s25 =	simm.s32 $0x5;
	s26 =	simm.s32 $0x6  }
0x8: {  	s28 =	simm.s32 $0x7;
	s29 =	simm.s32 $0x8;
	s1 =	sand.u32 $0x1, s1  }
0x9: {  	s30 =	simm.s32 $0x12C20;
	s31 =	simm.s32 $0x0;
	s2 =	sshll.u32 s1, $0x4  }
.Ltmp0:
0xa: {  	[smem:$0x7FF] =	sst s3;
	s2 =	sor.u32 s4, s2;
	(pc) =	sbr.rel .LBB2_1-.Ltmp0, $4  }
0xb: {  	_ =	strace $0x80000047;
	s1 =	ssub.s32 $0x2, s1;
	s5 =	smul.u32 $0xC80, s2  }
0xc: {  	s4 =	sadd.s32 $0x19800, s0;
	s6 =	sshrl.u32 s1, $0x1;
	s2 =	sshll.u32 s2, $0x9  }
0xd: {  	s1 =	ssub.s32 s1, s6;
	s5 =	sadd.s32 s5, s0;
	s0 =	sadd.s32 s2, s0  }
0xe: {  	s7 =	smax.u32 s1, $0x1;
	s5 =	sadd.s32 $0x800, s5;
	s6 =	sadd.s32 $0x7B800, s0  }
.LBB2_20:
0xf: {  	s31 =	sadd.s32 $0x1, s31  }
0x10: {  	p0 =	sne.s32 s31, s7  }
.Ltmp1:
0x11: {  	_ = 	snop;
	(pc) =	sbr.rel @!p0 .LBB2_21-.Ltmp1, $4  }
0x12: {  	[hbm4b:s6+s3] =	stream.linear.scatter [tilespmem:s30], [sflag:$0xA], $0x1000, $0x38;
	[tilespmem:$0x13C20] =	vst v63  }
0x13: {  	_ =	swait.ge [sflag:s10], $0x1000  }
0x14: {  	[sflag:s10] =	ssyncset.done $0x0  }
0x15: {  	[sflag:s10] =	ssyncadd.s32 $0xFFFFF000  }
.LBB2_1:
0x16: {  	[tilespmem:s3], [sflag:$0x9] =	stream.linear.gather [hbm4b:s5+s3], $0x6400, $0x38;
	[tilespmem:$0x13C20] =	vst v63  }
0x17: {  	_ =	swait.ge [sflag:s8], $0x6400  }
0x18: {  	[sflag:s8] =	ssyncset.done $0x0  }
0x19: {  	[sflag:s8] =	ssyncadd.s32 $0xFFFF9C00  }
0x1a: {  	s1 =	simm.s32 $0x6400;
	s0 =	rddreg [dreg:$0x1]  }
0x1b: {  	[tilespmem:s1], [sflag:$0xA] =	stream.linear.gather [hbm4b:s0+s3], $0x20, $0x38;
	[tilespmem:$0x13C20] =	vst v63  }
0x1c: {  	_ =	swait.ge [sflag:s10], $0x20  }
0x1d: {  	[sflag:s10] =	ssyncset.done $0x0  }
0x1e: {  	[sflag:s10] =	ssyncadd.s32 $0xFFFFFFE0  }
0x1f: {  	s2 =	simm.s32 $0x6420;
	v0 =	vld [tilespmem:$0x6400]  }
0x20: {  	v1 =	vld [tilespmem:$0x6410];
	[tilespmem:s2], [sflag:$0x1] =	stream.indirect.gather [hbm4b:s4+s11], $0x20, s3, s11, $0xb8  }
0x21: {  	s9 =	simm.s32 $0x7120  }
0x22: {  	[tilespmem:s9], [sflag:$0x1] =	stream.indirect.gather [hbm4b:s4+s13], $0x20, s11, s13, $0xb8;
	[tilespmem:$0x13C20] =	vst v63  }
0x23: {  	s12 =	simm.s32 $0xC8;
	s14 =	simm.s32 $0x7D20  }
0x24: {  	[tilespmem:s14], [sflag:$0x2] =	stream.indirect.gather [hbm4b:s4+s11], $0x20, s12, s11, $0xb8;
	[tilespmem:$0x13C20] =	vst v63  }
0x25: {  	s2 =	simm.s32 $0x130;
	s9 =	simm.s32 $0x8A20  }
0x26: {  	[tilespmem:s9], [sflag:$0x2] =	stream.indirect.gather [hbm4b:s4+s13], $0x20, s2, s13, $0xb8;
	[tilespmem:$0x13C20] =	vst v63  }
0x27: {  	s12 =	simm.s32 $0x190;
	s14 =	simm.s32 $0x9620  }
0x28: {  	[tilespmem:s14], [sflag:$0x3] =	stream.indirect.gather [hbm4b:s4+s11], $0x20, s12, s11, $0xb8;
	[tilespmem:$0x13C20] =	vst v63  }
0x29: {  	s2 =	simm.s32 $0x1F8;
	s9 =	simm.s32 $0xA320  }
0x2a: {  	[tilespmem:s9], [sflag:$0x3] =	stream.indirect.gather [hbm4b:s4+s13], $0x20, s2, s13, $0xb8;
	[tilespmem:$0x13C20] =	vst v63  }
0x2b: {  	s12 =	simm.s32 $0x258;
	s14 =	simm.s32 $0xAF20  }
0x2c: {  	[tilespmem:s14], [sflag:$0x4] =	stream.indirect.gather [hbm4b:s4+s11], $0x20, s12, s11, $0xb8;
	[tilespmem:$0x13C20] =	vst v63  }
0x2d: {  	s2 =	simm.s32 $0x2C0;
	s9 =	simm.s32 $0xBC20  }
0x2e: {  	[tilespmem:s9], [sflag:$0x4] =	stream.indirect.gather [hbm4b:s4+s13], $0x20, s2, s13, $0xb8;
	[tilespmem:$0x13C20] =	vst v63  }
0x2f: {  	s12 =	simm.s32 $0x320;
	s14 =	simm.s32 $0xC820  }
0x30: {  	[tilespmem:s14], [sflag:$0x5] =	stream.indirect.gather [hbm4b:s4+s11], $0x20, s12, s11, $0xb8;
	[tilespmem:$0x13C20] =	vst v63  }
0x31: {  	s2 =	simm.s32 $0x388;
	s9 =	simm.s32 $0xD520  }
0x32: {  	[tilespmem:s9], [sflag:$0x5] =	stream.indirect.gather [hbm4b:s4+s13], $0x20, s2, s13, $0xb8;
	[tilespmem:$0x13C20] =	vst v63  }
0x33: {  	s12 =	simm.s32 $0x3E8;
	s14 =	simm.s32 $0xE120  }
0x34: {  	[tilespmem:s14], [sflag:$0x6] =	stream.indirect.gather [hbm4b:s4+s11], $0x20, s12, s11, $0xb8;
	[tilespmem:$0x13C20] =	vst v63  }
0x35: {  	s2 =	simm.s32 $0x450;
	s9 =	simm.s32 $0xEE20  }
0x36: {  	[tilespmem:s9], [sflag:$0x6] =	stream.indirect.gather [hbm4b:s4+s13], $0x20, s2, s13, $0xb8;
	[tilespmem:$0x13C20] =	vst v63  }
0x37: {  	s12 =	simm.s32 $0x4B0;
	s14 =	simm.s32 $0xFA20  }
0x38: {  	[tilespmem:s14], [sflag:$0x7] =	stream.indirect.gather [hbm4b:s4+s11], $0x20, s12, s11, $0xb8;
	[tilespmem:$0x13C20] =	vst v63  }
0x39: {  	_ = 	snop  }
0x3a: {  	[tilespmem:s16], [sflag:$0x7] =	stream.indirect.gather [hbm4b:s4+s13], $0x20, s15, s13, $0xb8;
	[tilespmem:$0x13C20] =	vst v63  }
0x3b: {  	_ = 	snop  }
0x3c: {  	[tilespmem:s18], [sflag:$0x8] =	stream.indirect.gather [hbm4b:s4+s11], $0x20, s17, s11, $0xb8;
	[tilespmem:$0x13C20] =	vst v63  }
0x3d: {  	s0 =	simm.s32 $0x0  }
0x3e: {  	[tilespmem:s20], [sflag:$0x8] =	stream.indirect.gather [hbm4b:s4+s13], $0x20, s19, s13, $0xb8;
	[tilespmem:$0x13C20] =	vst v63  }
.LBB2_2:
0x3f: {  	_ =	swait.ge [sflag:s21], $0xD00  }
0x40: {  	[sflag:s21] =	ssyncset.done $0x0  }
0x41: {  	[sflag:s21] =	ssyncadd.s32 $0xFFFFF300  }
0x42: {  	_ =	swait.ge [sflag:s21], $0xC00  }
0x43: {  	[sflag:s21] =	ssyncset.done $0x0  }
0x44: {  	s1 =	simm.s32 $0x0;
	[sflag:s21] =	ssyncadd.s32 $0xFFFFF400  }
0x45: {  	v2 =	vld [tilespmem:s1+$0x64E0]  }
0x46: {  	v3 =	vld [tilespmem:s1+$0x64F0]  }
0x47: {  	v4 =	vld [tilespmem:s1+$0x64A0]  }
0x48: {  	v5 =	vld [tilespmem:s1+$0x64B0]  }
0x49: {  	v6 =	vld [tilespmem:s1+$0x6460]  }
0x4a: {  	v7 =	vld [tilespmem:s1+$0x6470]  }
0x4b: {  	v12 =	vld [tilespmem:s1+$0x6420]  }
0x4c: {  	v13 =	vld [tilespmem:s1+$0x6430]  }
0x4d: {  	v8 =	vimm.f32 $0.0e+00;
	s2 =	simm.s32 $0x400;
	v11 =	vmovc v0;
	v9 =	vmov v1;
	v10 =	vimm.f32 $0.0e+00;
	v14 =	vld [tilespmem:s1+$0x6440]  }
.LBB2_3:
0x4e: {  	p0 =	sne.s32 s2, $0x6000;
	v15 =	vld [tilespmem:s1+$0x6450]  }
0x4f: {  	v16 =	vld [tilespmem:s1+$0x6480]  }
0x50: {  	v17 =	vld [tilespmem:s1+$0x6490]  }
0x51: {  	v18 =	vld [tilespmem:s1+$0x64C0]  }
0x52: {  	v11 =	vadd.f32 v12, v11;
	v9 =	vadd.f32 v13, v9;
	v12 =	vld [tilespmem:s1+$0x64D0]  }
0x53: {  	v8 =	vadd.f32 v14, v8;
	v10 =	vadd.f32 v15, v10;
	v13 =	vld [tilespmem:s1+$0x6500]  }
0x54: {  	v6 =	vadd.f32 v6, v11;
	v7 =	vadd.f32 v7, v9;
	v14 =	vld [tilespmem:s1+$0x6510];
	s1 =	sshra.s32 s2, $0x2  }
0x55: {  	v8 =	vadd.f32 v16, v8;
	v15 =	vld [tilespmem:s1+$0x64E0];
	v9 =	vadd.f32 v17, v10  }
0x56: {  	v6 =	vadd.f32 v4, v6;
	v7 =	vadd.f32 v5, v7;
	v16 =	vld [tilespmem:s1+$0x64F0]  }
0x57: {  	v8 =	vadd.f32 v18, v8;
	v4 =	vld [tilespmem:s1+$0x64A0];
	v10 =	vadd.f32 v12, v9  }
0x58: {  	v11 =	vadd.f32 v2, v6;
	v9 =	vadd.f32 v3, v7;
	v5 =	vld [tilespmem:s1+$0x64B0]  }
.Ltmp2:
0x59: {  	v8 =	vadd.f32 v13, v8;
	v6 =	vld [tilespmem:s1+$0x6460];
	v10 =	vadd.f32 v14, v10;
	(pc) =	sbr.rel @p0 .LBB2_3-.Ltmp2, $4  }
0x5a: {  	v7 =	vld [tilespmem:s1+$0x6470];
	v2 =	vmov v15  }
0x5b: {  	v12 =	vld [tilespmem:s1+$0x6420];
	v3 =	vmov v16  }
0x5c: {  	v13 =	vld [tilespmem:s1+$0x6430]  }
0x5d: {  	s2 =	sadd.s32 $0x400, s2;
	v14 =	vld [tilespmem:s1+$0x6440]  }
0x5e: {  	v15 =	vld [tilespmem:s1+$0x6450]  }
0x5f: {  	v16 =	vld [tilespmem:s1+$0x6480]  }
0x60: {  	v17 =	vld [tilespmem:s1+$0x6490]  }
0x61: {  	v18 =	vld [tilespmem:s1+$0x64C0]  }
0x62: {  	v11 =	vadd.f32 v12, v11;
	v12 =	vld [tilespmem:s1+$0x64D0];
	v8 =	vadd.f32 v14, v8  }
0x63: {  	v9 =	vadd.f32 v13, v9;
	v13 =	vld [tilespmem:s1+$0x6500];
	v10 =	vadd.f32 v15, v10  }
0x64: {  	v6 =	vadd.f32 v6, v11;
	v11 =	vld [tilespmem:s1+$0x6510];
	v8 =	vadd.f32 v16, v8  }
0x65: {  	v7 =	vadd.f32 v7, v9;
	v9 =	vadd.f32 v17, v10  }
0x66: {  	v4 =	vadd.f32 v4, v6;
	v6 =	vadd.f32 v18, v8  }
0x67: {  	v5 =	vadd.f32 v5, v7;
	v7 =	vadd.f32 v12, v9  }
0x68: {  	v2 =	vadd.f32 v2, v4;
	v4 =	vadd.f32 v13, v6  }
0x69: {  	v3 =	vadd.f32 v3, v5;
	v5 =	vadd.f32 v11, v7  }
0x6a: {  	v2 =	vadd.f32 v4, v2  }
0x6b: {  	v3 =	vadd.f32 v5, v3  }
0x6c: {  	(xrf0) =	vmax.scan.msk.f32 $0xffff, v2  }
0x6d: {  	(xrf0) =	vmax.scan.msk.f32 $0xffff, v3;
	_ =	sdelay $0x4  }
0x6e: {  	v4, _, _ =	vpop (xrf0)  }
0x6f: {  	(v2sf) =	vpush v4, $0xF;
	v4, _, _ =	vpop (xrf0)  }
0x70: {  	(v2sf) =	vpush v4, $0xF;
	_ =	sdelay $0xd  }
0x71: {  	s14 =	spop (v2sf)  }
0x72: {  	s2 =	spop (v2sf)  }
0x73: {  	s1 =	smax.f32 s14, s2  }
0x74: {  	v4 =	vmov s1  }
0x75: {  	v2 =	vsub.f32 v2, v4  }
0x76: {  	v3 =	vsub.f32 v3, v4  }
0x77: {  	v2 =	vmul.f32 $1.442695020e+00, v2  }
0x78: {  	v3 =	vmul.f32 $1.442695020e+00, v3  }
0x79: {  	(erf) = vpow2.f32 v2  }
0x7a: {  	(erf) = vpow2.f32 v3;
	_ =	sdelay $0x7  }
0x7b: {  	v2 =	vpop (erf)  }
0x7c: {  	v3 =	vpop (erf);
	(xrf2) =	vadd.scan.msk.f32 $0xffff, v2  }
0x7d: {  	(xrf2) =	vadd.scan.msk.f32 $0xffff, v3;
	_ =	sdelay $0x8  }
0x7e: {  	v4, _, _ =	vpop (xrf2)  }
0x7f: {  	(v2sf) =	vpush v4, $0xF;
	v4, _, _ =	vpop (xrf2)  }
0x80: {  	(v2sf) =	vpush v4, $0xF;
	_ =	sdelay $0xd  }
0x81: {  	s9 =	spop (v2sf)  }
0x82: {  	s12 =	spop (v2sf)  }
0x83: {  	s1 =	sadd.f32 s12, s9;
	_ =	sdelay $0x1  }
0x84: {  	v4 =	vmov s1  }
0x85: {  	(erf) = vrcp.f32 v4;
	_ =	sdelay $0x8  }
0x86: {  	p0 =	seq.s32 s0, $0xF;
	v4 =	vpop (erf)  }
0x87: {  	s14 =	sshll.u32 s0, $0x8;
	s9 =	smul.u32 @!p0 $0x1900, s0;
	v2 =	vmul.f32 v4, v2  }
0x88: {  	s2 =	sand.u32 $0x3FFFFF00, s14;
	v3 =	vmul.f32 v4, v3  }
0x89: {  	s1 =	sshra.s32 @!p0 s9, $0x2;
	[tilespmem:s2+$0x12C20] =	vst v2  }
0x8a: {  	s14 =	simm.s32 @!p0 $0x6420;
	s12 =	simm.s32 @!p0 $0x68;
	s9 =	sadd.s32 @!p0 $0x640, s1;
	[tilespmem:s2+$0x12C30] =	vst v3  }
0x8b: {  	[tilespmem:s14], [sflag:$0x1] =	stream.indirect.gather @!p0 [hbm4b:s4+s12], $0x20, s9, s12, $0xb8;
	[tilespmem:$0x13C20] =	vst v63  }
0x8c: {  	s9 =	sadd.s32 @!p0 $0x6A8, s1;
	s12 =	simm.s32 @!p0 $0x60;
	s14 =	simm.s32 @!p0 $0x7120  }
0x8d: {  	[tilespmem:s14], [sflag:$0x1] =	stream.indirect.gather @!p0 [hbm4b:s4+s12], $0x20, s9, s12, $0xb8;
	[tilespmem:$0x13C20] =	vst v63  }
0x8e: {  	_ =	swait.ge [sflag:s22], $0xD00  }
0x8f: {  	[sflag:s22] =	ssyncset.done $0x0  }
0x90: {  	[sflag:s22] =	ssyncadd.s32 $0xFFFFF300  }
0x91: {  	_ =	swait.ge [sflag:s22], $0xC00  }
0x92: {  	[sflag:s22] =	ssyncset.done $0x0  }
0x93: {  	s9 =	simm.s32 $0x0;
	[sflag:s22] =	ssyncadd.s32 $0xFFFFF400  }
0x94: {  	v2 =	vld [tilespmem:s9+$0x7DE0]  }
0x95: {  	v3 =	vld [tilespmem:s9+$0x7DF0]  }
0x96: {  	v4 =	vld [tilespmem:s9+$0x7DA0]  }
0x97: {  	v5 =	vld [tilespmem:s9+$0x7DB0]  }
0x98: {  	v6 =	vld [tilespmem:s9+$0x7D60]  }
0x99: {  	v7 =	vld [tilespmem:s9+$0x7D70]  }
0x9a: {  	v12 =	vld [tilespmem:s9+$0x7D20]  }
0x9b: {  	v13 =	vld [tilespmem:s9+$0x7D30]  }
0x9c: {  	v10 =	vimm.f32 $0.0e+00;
	v8 =	vimm.f32 $0.0e+00;
	v11 =	vmovc v0;
	v9 =	vmov v1;
	s12 =	simm.s32 $0x400;
	v14 =	vld [tilespmem:s9+$0x7D40]  }
.LBB2_5:
0x9d: {  	p1 =	sne.s32 s12, $0x6000;
	v15 =	vld [tilespmem:s9+$0x7D50]  }
0x9e: {  	v16 =	vld [tilespmem:s9+$0x7D80]  }
0x9f: {  	v17 =	vld [tilespmem:s9+$0x7D90]  }
0xa0: {  	v18 =	vld [tilespmem:s9+$0x7DC0]  }
0xa1: {  	v11 =	vadd.f32 v12, v11;
	v9 =	vadd.f32 v13, v9;
	v12 =	vld [tilespmem:s9+$0x7DD0]  }
0xa2: {  	v8 =	vadd.f32 v14, v8;
	v10 =	vadd.f32 v15, v10;
	v13 =	vld [tilespmem:s9+$0x7E00]  }
0xa3: {  	v6 =	vadd.f32 v6, v11;
	v7 =	vadd.f32 v7, v9;
	v14 =	vld [tilespmem:s9+$0x7E10];
	s9 =	sshra.s32 s12, $0x2  }
0xa4: {  	v8 =	vadd.f32 v16, v8;
	v15 =	vld [tilespmem:s9+$0x7DE0];
	v9 =	vadd.f32 v17, v10  }
0xa5: {  	v6 =	vadd.f32 v4, v6;
	v7 =	vadd.f32 v5, v7;
	v16 =	vld [tilespmem:s9+$0x7DF0]  }
0xa6: {  	v8 =	vadd.f32 v18, v8;
	v4 =	vld [tilespmem:s9+$0x7DA0];
	v10 =	vadd.f32 v12, v9  }
0xa7: {  	v11 =	vadd.f32 v2, v6;
	v9 =	vadd.f32 v3, v7;
	v5 =	vld [tilespmem:s9+$0x7DB0]  }
.Ltmp3:
0xa8: {  	v8 =	vadd.f32 v13, v8;
	v6 =	vld [tilespmem:s9+$0x7D60];
	v10 =	vadd.f32 v14, v10;
	(pc) =	sbr.rel @p1 .LBB2_5-.Ltmp3, $4  }
0xa9: {  	v7 =	vld [tilespmem:s9+$0x7D70];
	v2 =	vmov v15  }
0xaa: {  	v12 =	vld [tilespmem:s9+$0x7D20];
	v3 =	vmov v16  }
0xab: {  	v13 =	vld [tilespmem:s9+$0x7D30]  }
0xac: {  	s12 =	sadd.s32 $0x400, s12;
	v14 =	vld [tilespmem:s9+$0x7D40]  }
0xad: {  	v15 =	vld [tilespmem:s9+$0x7D50]  }
0xae: {  	v16 =	vld [tilespmem:s9+$0x7D80]  }
0xaf: {  	v17 =	vld [tilespmem:s9+$0x7D90]  }
0xb0: {  	v18 =	vld [tilespmem:s9+$0x7DC0]  }
0xb1: {  	v11 =	vadd.f32 v12, v11;
	v12 =	vld [tilespmem:s9+$0x7DD0];
	v8 =	vadd.f32 v14, v8  }
0xb2: {  	v9 =	vadd.f32 v13, v9;
	v13 =	vld [tilespmem:s9+$0x7E00];
	v10 =	vadd.f32 v15, v10  }
0xb3: {  	v6 =	vadd.f32 v6, v11;
	v11 =	vld [tilespmem:s9+$0x7E10];
	v8 =	vadd.f32 v16, v8  }
0xb4: {  	v7 =	vadd.f32 v7, v9;
	v9 =	vadd.f32 v17, v10  }
0xb5: {  	v4 =	vadd.f32 v4, v6;
	v6 =	vadd.f32 v18, v8  }
0xb6: {  	v5 =	vadd.f32 v5, v7;
	v7 =	vadd.f32 v12, v9  }
0xb7: {  	v2 =	vadd.f32 v2, v4;
	v4 =	vadd.f32 v13, v6  }
0xb8: {  	v3 =	vadd.f32 v3, v5;
	v5 =	vadd.f32 v11, v7  }
0xb9: {  	v2 =	vadd.f32 v4, v2  }
0xba: {  	v3 =	vadd.f32 v5, v3  }
0xbb: {  	(xrf0) =	vmax.scan.msk.f32 $0xffff, v2  }
0xbc: {  	(xrf0) =	vmax.scan.msk.f32 $0xffff, v3;
	_ =	sdelay $0x4  }
0xbd: {  	v4, _, _ =	vpop (xrf0)  }
0xbe: {  	(v2sf) =	vpush v4, $0xF;
	v4, _, _ =	vpop (xrf0)  }
0xbf: {  	(v2sf) =	vpush v4, $0xF;
	_ =	sdelay $0xd  }
0xc0: {  	s14 =	spop (v2sf)  }
0xc1: {  	s12 =	spop (v2sf)  }
0xc2: {  	s9 =	smax.f32 s14, s12  }
0xc3: {  	v4 =	vmov s9  }
0xc4: {  	v2 =	vsub.f32 v2, v4  }
0xc5: {  	v3 =	vsub.f32 v3, v4  }
0xc6: {  	v2 =	vmul.f32 $1.442695020e+00, v2  }
0xc7: {  	v3 =	vmul.f32 $1.442695020e+00, v3  }
0xc8: {  	(erf) = vpow2.f32 v2  }
0xc9: {  	(erf) = vpow2.f32 v3;
	_ =	sdelay $0x7  }
0xca: {  	v2 =	vpop (erf)  }
0xcb: {  	v3 =	vpop (erf);
	(xrf2) =	vadd.scan.msk.f32 $0xffff, v2  }
0xcc: {  	(xrf2) =	vadd.scan.msk.f32 $0xffff, v3;
	_ =	sdelay $0x8  }
0xcd: {  	v4, _, _ =	vpop (xrf2)  }
0xce: {  	(v2sf) =	vpush v4, $0xF;
	v4, _, _ =	vpop (xrf2)  }
0xcf: {  	(v2sf) =	vpush v4, $0xF;
	_ =	sdelay $0xd  }
0xd0: {  	s12 =	spop (v2sf)  }
0xd1: {  	s14 =	spop (v2sf)  }
0xd2: {  	s9 =	sadd.f32 s14, s12;
	_ =	sdelay $0x1  }
0xd3: {  	v4 =	vmov s9  }
0xd4: {  	(erf) = vrcp.f32 v4;
	_ =	sdelay $0x8  }
0xd5: {  	v4 =	vpop (erf)  }
0xd6: {  	v2 =	vmul.f32 v4, v2  }
0xd7: {  	v3 =	vmul.f32 v4, v3  }
0xd8: {  	[tilespmem:s2+$0x12C40] =	vst v2  }
0xd9: {  	s12 =	simm.s32 @!p0 $0x68;
	s14 =	simm.s32 @!p0 $0x7D20;
	s9 =	sadd.s32 @!p0 $0x708, s1;
	[tilespmem:s2+$0x12C50] =	vst v3  }
0xda: {  	[tilespmem:s14], [sflag:$0x2] =	stream.indirect.gather @!p0 [hbm4b:s4+s12], $0x20, s9, s12, $0xb8;
	[tilespmem:$0x13C20] =	vst v63  }
0xdb: {  	s9 =	sadd.s32 @!p0 $0x770, s1;
	s12 =	simm.s32 @!p0 $0x60;
	s14 =	simm.s32 @!p0 $0x8A20  }
0xdc: {  	[tilespmem:s14], [sflag:$0x2] =	stream.indirect.gather @!p0 [hbm4b:s4+s12], $0x20, s9, s12, $0xb8;
	[tilespmem:$0x13C20] =	vst v63  }
0xdd: {  	_ =	swait.ge [sflag:s23], $0xD00  }
0xde: {  	[sflag:s23] =	ssyncset.done $0x0  }
0xdf: {  	[sflag:s23] =	ssyncadd.s32 $0xFFFFF300  }
0xe0: {  	_ =	swait.ge [sflag:s23], $0xC00  }
0xe1: {  	[sflag:s23] =	ssyncset.done $0x0  }
0xe2: {  	s9 =	simm.s32 $0x0;
	[sflag:s23] =	ssyncadd.s32 $0xFFFFF400  }
0xe3: {  	v2 =	vld [tilespmem:s9+$0x96E0]  }
0xe4: {  	v3 =	vld [tilespmem:s9+$0x96F0]  }
0xe5: {  	v4 =	vld [tilespmem:s9+$0x96A0]  }
0xe6: {  	v5 =	vld [tilespmem:s9+$0x96B0]  }
0xe7: {  	v6 =	vld [tilespmem:s9+$0x9660]  }
0xe8: {  	v7 =	vld [tilespmem:s9+$0x9670]  }
0xe9: {  	v12 =	vld [tilespmem:s9+$0x9620]  }
0xea: {  	v13 =	vld [tilespmem:s9+$0x9630]  }
0xeb: {  	v10 =	vimm.f32 $0.0e+00;
	v8 =	vimm.f32 $0.0e+00;
	v11 =	vmovc v0;
	v9 =	vmov v1;
	s12 =	simm.s32 $0x400;
	v14 =	vld [tilespmem:s9+$0x9640]  }
.LBB2_7:
0xec: {  	p1 =	sne.s32 s12, $0x6000;
	v15 =	vld [tilespmem:s9+$0x9650]  }
0xed: {  	v16 =	vld [tilespmem:s9+$0x9680]  }
0xee: {  	v17 =	vld [tilespmem:s9+$0x9690]  }
0xef: {  	v18 =	vld [tilespmem:s9+$0x96C0]  }
0xf0: {  	v11 =	vadd.f32 v12, v11;
	v9 =	vadd.f32 v13, v9;
	v12 =	vld [tilespmem:s9+$0x96D0]  }
0xf1: {  	v8 =	vadd.f32 v14, v8;
	v10 =	vadd.f32 v15, v10;
	v13 =	vld [tilespmem:s9+$0x9700]  }
0xf2: {  	v6 =	vadd.f32 v6, v11;
	v7 =	vadd.f32 v7, v9;
	v14 =	vld [tilespmem:s9+$0x9710];
	s9 =	sshra.s32 s12, $0x2  }
0xf3: {  	v8 =	vadd.f32 v16, v8;
	v15 =	vld [tilespmem:s9+$0x96E0];
	v9 =	vadd.f32 v17, v10  }
0xf4: {  	v6 =	vadd.f32 v4, v6;
	v7 =	vadd.f32 v5, v7;
	v16 =	vld [tilespmem:s9+$0x96F0]  }
0xf5: {  	v8 =	vadd.f32 v18, v8;
	v4 =	vld [tilespmem:s9+$0x96A0];
	v10 =	vadd.f32 v12, v9  }
0xf6: {  	v11 =	vadd.f32 v2, v6;
	v9 =	vadd.f32 v3, v7;
	v5 =	vld [tilespmem:s9+$0x96B0]  }
.Ltmp4:
0xf7: {  	v8 =	vadd.f32 v13, v8;
	v6 =	vld [tilespmem:s9+$0x9660];
	v10 =	vadd.f32 v14, v10;
	(pc) =	sbr.rel @p1 .LBB2_7-.Ltmp4, $4  }
0xf8: {  	v7 =	vld [tilespmem:s9+$0x9670];
	v2 =	vmov v15  }
0xf9: {  	v12 =	vld [tilespmem:s9+$0x9620];
	v3 =	vmov v16  }
0xfa: {  	v13 =	vld [tilespmem:s9+$0x9630]  }
0xfb: {  	s12 =	sadd.s32 $0x400, s12;
	v14 =	vld [tilespmem:s9+$0x9640]  }
0xfc: {  	v15 =	vld [tilespmem:s9+$0x9650]  }
0xfd: {  	v16 =	vld [tilespmem:s9+$0x9680]  }
0xfe: {  	v17 =	vld [tilespmem:s9+$0x9690]  }
0xff: {  	v18 =	vld [tilespmem:s9+$0x96C0]  }
0x100: {  	v11 =	vadd.f32 v12, v11;
	v12 =	vld [tilespmem:s9+$0x96D0];
	v8 =	vadd.f32 v14, v8  }
0x101: {  	v9 =	vadd.f32 v13, v9;
	v13 =	vld [tilespmem:s9+$0x9700];
	v10 =	vadd.f32 v15, v10  }
0x102: {  	v6 =	vadd.f32 v6, v11;
	v11 =	vld [tilespmem:s9+$0x9710];
	v8 =	vadd.f32 v16, v8  }
0x103: {  	v7 =	vadd.f32 v7, v9;
	v9 =	vadd.f32 v17, v10  }
0x104: {  	v4 =	vadd.f32 v4, v6;
	v6 =	vadd.f32 v18, v8  }
0x105: {  	v5 =	vadd.f32 v5, v7;
	v7 =	vadd.f32 v12, v9  }
0x106: {  	v2 =	vadd.f32 v2, v4;
	v4 =	vadd.f32 v13, v6  }
0x107: {  	v3 =	vadd.f32 v3, v5;
	v5 =	vadd.f32 v11, v7  }
0x108: {  	v2 =	vadd.f32 v4, v2  }
0x109: {  	v3 =	vadd.f32 v5, v3  }
0x10a: {  	(xrf0) =	vmax.scan.msk.f32 $0xffff, v2  }
0x10b: {  	(xrf0) =	vmax.scan.msk.f32 $0xffff, v3;
	_ =	sdelay $0x4  }
0x10c: {  	v4, _, _ =	vpop (xrf0)  }
0x10d: {  	(v2sf) =	vpush v4, $0xF;
	v4, _, _ =	vpop (xrf0)  }
0x10e: {  	(v2sf) =	vpush v4, $0xF;
	_ =	sdelay $0xd  }
0x10f: {  	s14 =	spop (v2sf)  }
0x110: {  	s12 =	spop (v2sf)  }
0x111: {  	s9 =	smax.f32 s14, s12  }
0x112: {  	v4 =	vmov s9  }
0x113: {  	v2 =	vsub.f32 v2, v4  }
0x114: {  	v3 =	vsub.f32 v3, v4  }
0x115: {  	v2 =	vmul.f32 $1.442695020e+00, v2  }
0x116: {  	v3 =	vmul.f32 $1.442695020e+00, v3  }
0x117: {  	(erf) = vpow2.f32 v2  }
0x118: {  	(erf) = vpow2.f32 v3;
	_ =	sdelay $0x7  }
0x119: {  	v2 =	vpop (erf)  }
0x11a: {  	v3 =	vpop (erf);
	(xrf2) =	vadd.scan.msk.f32 $0xffff, v2  }
0x11b: {  	(xrf2) =	vadd.scan.msk.f32 $0xffff, v3;
	_ =	sdelay $0x8  }
0x11c: {  	v4, _, _ =	vpop (xrf2)  }
0x11d: {  	(v2sf) =	vpush v4, $0xF;
	v4, _, _ =	vpop (xrf2)  }
0x11e: {  	(v2sf) =	vpush v4, $0xF;
	_ =	sdelay $0xd  }
0x11f: {  	s12 =	spop (v2sf)  }
0x120: {  	s14 =	spop (v2sf)  }
0x121: {  	s9 =	sadd.f32 s14, s12;
	_ =	sdelay $0x1  }
0x122: {  	v4 =	vmov s9  }
0x123: {  	(erf) = vrcp.f32 v4;
	_ =	sdelay $0x8  }
0x124: {  	v4 =	vpop (erf)  }
0x125: {  	v2 =	vmul.f32 v4, v2  }
0x126: {  	v3 =	vmul.f32 v4, v3  }
0x127: {  	[tilespmem:s2+$0x12C60] =	vst v2  }
0x128: {  	s12 =	simm.s32 @!p0 $0x68;
	s14 =	simm.s32 @!p0 $0x9620;
	s9 =	sadd.s32 @!p0 $0x7D0, s1;
	[tilespmem:s2+$0x12C70] =	vst v3  }
0x129: {  	[tilespmem:s14], [sflag:$0x3] =	stream.indirect.gather @!p0 [hbm4b:s4+s12], $0x20, s9, s12, $0xb8;
	[tilespmem:$0x13C20] =	vst v63  }
0x12a: {  	s9 =	sadd.s32 @!p0 $0x838, s1;
	s12 =	simm.s32 @!p0 $0x60;
	s14 =	simm.s32 @!p0 $0xA320  }
0x12b: {  	[tilespmem:s14], [sflag:$0x3] =	stream.indirect.gather @!p0 [hbm4b:s4+s12], $0x20, s9, s12, $0xb8;
	[tilespmem:$0x13C20] =	vst v63  }
0x12c: {  	_ =	swait.ge [sflag:s24], $0xD00  }
0x12d: {  	[sflag:s24] =	ssyncset.done $0x0  }
0x12e: {  	[sflag:s24] =	ssyncadd.s32 $0xFFFFF300  }
0x12f: {  	_ =	swait.ge [sflag:s24], $0xC00  }
0x130: {  	[sflag:s24] =	ssyncset.done $0x0  }
0x131: {  	s9 =	simm.s32 $0x0;
	[sflag:s24] =	ssyncadd.s32 $0xFFFFF400  }
0x132: {  	v2 =	vld [tilespmem:s9+$0xAFE0]  }
0x133: {  	v3 =	vld [tilespmem:s9+$0xAFF0]  }
0x134: {  	v4 =	vld [tilespmem:s9+$0xAFA0]  }
0x135: {  	v5 =	vld [tilespmem:s9+$0xAFB0]  }
0x136: {  	v6 =	vld [tilespmem:s9+$0xAF60]  }
0x137: {  	v7 =	vld [tilespmem:s9+$0xAF70]  }
0x138: {  	v12 =	vld [tilespmem:s9+$0xAF20]  }
0x139: {  	v13 =	vld [tilespmem:s9+$0xAF30]  }
0x13a: {  	v10 =	vimm.f32 $0.0e+00;
	v8 =	vimm.f32 $0.0e+00;
	v11 =	vmovc v0;
	v9 =	vmov v1;
	s12 =	simm.s32 $0x400;
	v14 =	vld [tilespmem:s9+$0xAF40]  }
.LBB2_9:
0x13b: {  	p1 =	sne.s32 s12, $0x6000;
	v15 =	vld [tilespmem:s9+$0xAF50]  }
0x13c: {  	v16 =	vld [tilespmem:s9+$0xAF80]  }
0x13d: {  	v17 =	vld [tilespmem:s9+$0xAF90]  }
0x13e: {  	v18 =	vld [tilespmem:s9+$0xAFC0]  }
0x13f: {  	v11 =	vadd.f32 v12, v11;
	v9 =	vadd.f32 v13, v9;
	v12 =	vld [tilespmem:s9+$0xAFD0]  }
0x140: {  	v8 =	vadd.f32 v14, v8;
	v10 =	vadd.f32 v15, v10;
	v13 =	vld [tilespmem:s9+$0xB000]  }
0x141: {  	v6 =	vadd.f32 v6, v11;
	v7 =	vadd.f32 v7, v9;
	v14 =	vld [tilespmem:s9+$0xB010];
	s9 =	sshra.s32 s12, $0x2  }
0x142: {  	v8 =	vadd.f32 v16, v8;
	v15 =	vld [tilespmem:s9+$0xAFE0];
	v9 =	vadd.f32 v17, v10  }
0x143: {  	v6 =	vadd.f32 v4, v6;
	v7 =	vadd.f32 v5, v7;
	v16 =	vld [tilespmem:s9+$0xAFF0]  }
0x144: {  	v8 =	vadd.f32 v18, v8;
	v4 =	vld [tilespmem:s9+$0xAFA0];
	v10 =	vadd.f32 v12, v9  }
0x145: {  	v11 =	vadd.f32 v2, v6;
	v9 =	vadd.f32 v3, v7;
	v5 =	vld [tilespmem:s9+$0xAFB0]  }
.Ltmp5:
0x146: {  	v8 =	vadd.f32 v13, v8;
	v6 =	vld [tilespmem:s9+$0xAF60];
	v10 =	vadd.f32 v14, v10;
	(pc) =	sbr.rel @p1 .LBB2_9-.Ltmp5, $4  }
0x147: {  	v7 =	vld [tilespmem:s9+$0xAF70];
	v2 =	vmov v15  }
0x148: {  	v12 =	vld [tilespmem:s9+$0xAF20];
	v3 =	vmov v16  }
0x149: {  	v13 =	vld [tilespmem:s9+$0xAF30]  }
0x14a: {  	s12 =	sadd.s32 $0x400, s12;
	v14 =	vld [tilespmem:s9+$0xAF40]  }
0x14b: {  	v15 =	vld [tilespmem:s9+$0xAF50]  }
0x14c: {  	v16 =	vld [tilespmem:s9+$0xAF80]  }
0x14d: {  	v17 =	vld [tilespmem:s9+$0xAF90]  }
0x14e: {  	v18 =	vld [tilespmem:s9+$0xAFC0]  }
0x14f: {  	v11 =	vadd.f32 v12, v11;
	v12 =	vld [tilespmem:s9+$0xAFD0];
	v8 =	vadd.f32 v14, v8  }
0x150: {  	v9 =	vadd.f32 v13, v9;
	v13 =	vld [tilespmem:s9+$0xB000];
	v10 =	vadd.f32 v15, v10  }
0x151: {  	v6 =	vadd.f32 v6, v11;
	v11 =	vld [tilespmem:s9+$0xB010];
	v8 =	vadd.f32 v16, v8  }
0x152: {  	v7 =	vadd.f32 v7, v9;
	v9 =	vadd.f32 v17, v10  }
0x153: {  	v4 =	vadd.f32 v4, v6;
	v6 =	vadd.f32 v18, v8  }
0x154: {  	v5 =	vadd.f32 v5, v7;
	v7 =	vadd.f32 v12, v9  }
0x155: {  	v2 =	vadd.f32 v2, v4;
	v4 =	vadd.f32 v13, v6  }
0x156: {  	v3 =	vadd.f32 v3, v5;
	v5 =	vadd.f32 v11, v7  }
0x157: {  	v2 =	vadd.f32 v4, v2  }
0x158: {  	v3 =	vadd.f32 v5, v3  }
0x159: {  	(xrf0) =	vmax.scan.msk.f32 $0xffff, v2  }
0x15a: {  	(xrf0) =	vmax.scan.msk.f32 $0xffff, v3;
	_ =	sdelay $0x4  }
0x15b: {  	v4, _, _ =	vpop (xrf0)  }
0x15c: {  	(v2sf) =	vpush v4, $0xF;
	v4, _, _ =	vpop (xrf0)  }
0x15d: {  	(v2sf) =	vpush v4, $0xF;
	_ =	sdelay $0xd  }
0x15e: {  	s14 =	spop (v2sf)  }
0x15f: {  	s12 =	spop (v2sf)  }
0x160: {  	s9 =	smax.f32 s14, s12  }
0x161: {  	v4 =	vmov s9  }
0x162: {  	v2 =	vsub.f32 v2, v4  }
0x163: {  	v3 =	vsub.f32 v3, v4  }
0x164: {  	v2 =	vmul.f32 $1.442695020e+00, v2  }
0x165: {  	v3 =	vmul.f32 $1.442695020e+00, v3  }
0x166: {  	(erf) = vpow2.f32 v2  }
0x167: {  	(erf) = vpow2.f32 v3;
	_ =	sdelay $0x7  }
0x168: {  	v2 =	vpop (erf)  }
0x169: {  	v3 =	vpop (erf);
	(xrf2) =	vadd.scan.msk.f32 $0xffff, v2  }
0x16a: {  	(xrf2) =	vadd.scan.msk.f32 $0xffff, v3;
	_ =	sdelay $0x8  }
0x16b: {  	v4, _, _ =	vpop (xrf2)  }
0x16c: {  	(v2sf) =	vpush v4, $0xF;
	v4, _, _ =	vpop (xrf2)  }
0x16d: {  	(v2sf) =	vpush v4, $0xF;
	_ =	sdelay $0xd  }
0x16e: {  	s12 =	spop (v2sf)  }
0x16f: {  	s14 =	spop (v2sf)  }
0x170: {  	s9 =	sadd.f32 s14, s12;
	_ =	sdelay $0x1  }
0x171: {  	v4 =	vmov s9  }
0x172: {  	(erf) = vrcp.f32 v4;
	_ =	sdelay $0x8  }
0x173: {  	v4 =	vpop (erf)  }
0x174: {  	v2 =	vmul.f32 v4, v2  }
0x175: {  	v3 =	vmul.f32 v4, v3  }
0x176: {  	[tilespmem:s2+$0x12C80] =	vst v2  }
0x177: {  	s12 =	simm.s32 @!p0 $0x68;
	s14 =	simm.s32 @!p0 $0xAF20;
	s9 =	sadd.s32 @!p0 $0x898, s1;
	[tilespmem:s2+$0x12C90] =	vst v3  }
0x178: {  	[tilespmem:s14], [sflag:$0x4] =	stream.indirect.gather @!p0 [hbm4b:s4+s12], $0x20, s9, s12, $0xb8;
	[tilespmem:$0x13C20] =	vst v63  }
0x179: {  	s9 =	sadd.s32 @!p0 $0x900, s1;
	s12 =	simm.s32 @!p0 $0x60;
	s14 =	simm.s32 @!p0 $0xBC20  }
0x17a: {  	[tilespmem:s14], [sflag:$0x4] =	stream.indirect.gather @!p0 [hbm4b:s4+s12], $0x20, s9, s12, $0xb8;
	[tilespmem:$0x13C20] =	vst v63  }
0x17b: {  	_ =	swait.ge [sflag:s25], $0xD00  }
0x17c: {  	[sflag:s25] =	ssyncset.done $0x0  }
0x17d: {  	[sflag:s25] =	ssyncadd.s32 $0xFFFFF300  }
0x17e: {  	_ =	swait.ge [sflag:s25], $0xC00  }
0x17f: {  	[sflag:s25] =	ssyncset.done $0x0  }
0x180: {  	s9 =	simm.s32 $0x0;
	[sflag:s25] =	ssyncadd.s32 $0xFFFFF400  }
0x181: {  	v2 =	vld [tilespmem:s9+$0xC8E0]  }
0x182: {  	v3 =	vld [tilespmem:s9+$0xC8F0]  }
0x183: {  	v4 =	vld [tilespmem:s9+$0xC8A0]  }
0x184: {  	v5 =	vld [tilespmem:s9+$0xC8B0]  }
0x185: {  	v6 =	vld [tilespmem:s9+$0xC860]  }
0x186: {  	v7 =	vld [tilespmem:s9+$0xC870]  }
0x187: {  	v12 =	vld [tilespmem:s9+$0xC820]  }
0x188: {  	v13 =	vld [tilespmem:s9+$0xC830]  }
0x189: {  	v10 =	vimm.f32 $0.0e+00;
	v8 =	vimm.f32 $0.0e+00;
	v11 =	vmovc v0;
	v9 =	vmov v1;
	s12 =	simm.s32 $0x400;
	v14 =	vld [tilespmem:s9+$0xC840]  }
.LBB2_11:
0x18a: {  	p1 =	sne.s32 s12, $0x6000;
	v15 =	vld [tilespmem:s9+$0xC850]  }
0x18b: {  	v16 =	vld [tilespmem:s9+$0xC880]  }
0x18c: {  	v17 =	vld [tilespmem:s9+$0xC890]  }
0x18d: {  	v18 =	vld [tilespmem:s9+$0xC8C0]  }
0x18e: {  	v11 =	vadd.f32 v12, v11;
	v9 =	vadd.f32 v13, v9;
	v12 =	vld [tilespmem:s9+$0xC8D0]  }
0x18f: {  	v8 =	vadd.f32 v14, v8;
	v10 =	vadd.f32 v15, v10;
	v13 =	vld [tilespmem:s9+$0xC900]  }
0x190: {  	v6 =	vadd.f32 v6, v11;
	v7 =	vadd.f32 v7, v9;
	v14 =	vld [tilespmem:s9+$0xC910];
	s9 =	sshra.s32 s12, $0x2  }
0x191: {  	v8 =	vadd.f32 v16, v8;
	v15 =	vld [tilespmem:s9+$0xC8E0];
	v9 =	vadd.f32 v17, v10  }
0x192: {  	v6 =	vadd.f32 v4, v6;
	v7 =	vadd.f32 v5, v7;
	v16 =	vld [tilespmem:s9+$0xC8F0]  }
0x193: {  	v8 =	vadd.f32 v18, v8;
	v4 =	vld [tilespmem:s9+$0xC8A0];
	v10 =	vadd.f32 v12, v9  }
0x194: {  	v11 =	vadd.f32 v2, v6;
	v9 =	vadd.f32 v3, v7;
	v5 =	vld [tilespmem:s9+$0xC8B0]  }
.Ltmp6:
0x195: {  	v8 =	vadd.f32 v13, v8;
	v6 =	vld [tilespmem:s9+$0xC860];
	v10 =	vadd.f32 v14, v10;
	(pc) =	sbr.rel @p1 .LBB2_11-.Ltmp6, $4  }
0x196: {  	v7 =	vld [tilespmem:s9+$0xC870];
	v2 =	vmov v15  }
0x197: {  	v12 =	vld [tilespmem:s9+$0xC820];
	v3 =	vmov v16  }
0x198: {  	v13 =	vld [tilespmem:s9+$0xC830]  }
0x199: {  	s12 =	sadd.s32 $0x400, s12;
	v14 =	vld [tilespmem:s9+$0xC840]  }
0x19a: {  	v15 =	vld [tilespmem:s9+$0xC850]  }
0x19b: {  	v16 =	vld [tilespmem:s9+$0xC880]  }
0x19c: {  	v17 =	vld [tilespmem:s9+$0xC890]  }
0x19d: {  	v18 =	vld [tilespmem:s9+$0xC8C0]  }
0x19e: {  	v11 =	vadd.f32 v12, v11;
	v12 =	vld [tilespmem:s9+$0xC8D0];
	v8 =	vadd.f32 v14, v8  }
0x19f: {  	v9 =	vadd.f32 v13, v9;
	v13 =	vld [tilespmem:s9+$0xC900];
	v10 =	vadd.f32 v15, v10  }
0x1a0: {  	v6 =	vadd.f32 v6, v11;
	v11 =	vld [tilespmem:s9+$0xC910];
	v8 =	vadd.f32 v16, v8  }
0x1a1: {  	v7 =	vadd.f32 v7, v9;
	v9 =	vadd.f32 v17, v10  }
0x1a2: {  	v4 =	vadd.f32 v4, v6;
	v6 =	vadd.f32 v18, v8  }
0x1a3: {  	v5 =	vadd.f32 v5, v7;
	v7 =	vadd.f32 v12, v9  }
0x1a4: {  	v2 =	vadd.f32 v2, v4;
	v4 =	vadd.f32 v13, v6  }
0x1a5: {  	v3 =	vadd.f32 v3, v5;
	v5 =	vadd.f32 v11, v7  }
0x1a6: {  	v2 =	vadd.f32 v4, v2  }
0x1a7: {  	v3 =	vadd.f32 v5, v3  }
0x1a8: {  	(xrf0) =	vmax.scan.msk.f32 $0xffff, v2  }
0x1a9: {  	(xrf0) =	vmax.scan.msk.f32 $0xffff, v3;
	_ =	sdelay $0x4  }
0x1aa: {  	v4, _, _ =	vpop (xrf0)  }
0x1ab: {  	(v2sf) =	vpush v4, $0xF;
	v4, _, _ =	vpop (xrf0)  }
0x1ac: {  	(v2sf) =	vpush v4, $0xF;
	_ =	sdelay $0xd  }
0x1ad: {  	s14 =	spop (v2sf)  }
0x1ae: {  	s12 =	spop (v2sf)  }
0x1af: {  	s9 =	smax.f32 s14, s12  }
0x1b0: {  	v4 =	vmov s9  }
0x1b1: {  	v2 =	vsub.f32 v2, v4  }
0x1b2: {  	v3 =	vsub.f32 v3, v4  }
0x1b3: {  	v2 =	vmul.f32 $1.442695020e+00, v2  }
0x1b4: {  	v3 =	vmul.f32 $1.442695020e+00, v3  }
0x1b5: {  	(erf) = vpow2.f32 v2  }
0x1b6: {  	(erf) = vpow2.f32 v3;
	_ =	sdelay $0x7  }
0x1b7: {  	v2 =	vpop (erf)  }
0x1b8: {  	v3 =	vpop (erf);
	(xrf2) =	vadd.scan.msk.f32 $0xffff, v2  }
0x1b9: {  	(xrf2) =	vadd.scan.msk.f32 $0xffff, v3;
	_ =	sdelay $0x8  }
0x1ba: {  	v4, _, _ =	vpop (xrf2)  }
0x1bb: {  	(v2sf) =	vpush v4, $0xF;
	v4, _, _ =	vpop (xrf2)  }
0x1bc: {  	(v2sf) =	vpush v4, $0xF;
	_ =	sdelay $0xd  }
0x1bd: {  	s12 =	spop (v2sf)  }
0x1be: {  	s14 =	spop (v2sf)  }
0x1bf: {  	s9 =	sadd.f32 s14, s12;
	_ =	sdelay $0x1  }
0x1c0: {  	v4 =	vmov s9  }
0x1c1: {  	(erf) = vrcp.f32 v4;
	_ =	sdelay $0x8  }
0x1c2: {  	v4 =	vpop (erf)  }
0x1c3: {  	v2 =	vmul.f32 v4, v2  }
0x1c4: {  	v3 =	vmul.f32 v4, v3  }
0x1c5: {  	[tilespmem:s2+$0x12CA0] =	vst v2  }
0x1c6: {  	s12 =	simm.s32 @!p0 $0x68;
	s14 =	simm.s32 @!p0 $0xC820;
	s9 =	sadd.s32 @!p0 $0x960, s1;
	[tilespmem:s2+$0x12CB0] =	vst v3  }
0x1c7: {  	[tilespmem:s14], [sflag:$0x5] =	stream.indirect.gather @!p0 [hbm4b:s4+s12], $0x20, s9, s12, $0xb8;
	[tilespmem:$0x13C20] =	vst v63  }
0x1c8: {  	s9 =	sadd.s32 @!p0 $0x9C8, s1;
	s12 =	simm.s32 @!p0 $0x60;
	s14 =	simm.s32 @!p0 $0xD520  }
0x1c9: {  	[tilespmem:s14], [sflag:$0x5] =	stream.indirect.gather @!p0 [hbm4b:s4+s12], $0x20, s9, s12, $0xb8;
	[tilespmem:$0x13C20] =	vst v63  }
0x1ca: {  	_ =	swait.ge [sflag:s26], $0xD00  }
0x1cb: {  	[sflag:s26] =	ssyncset.done $0x0  }
0x1cc: {  	[sflag:s26] =	ssyncadd.s32 $0xFFFFF300  }
0x1cd: {  	_ =	swait.ge [sflag:s26], $0xC00  }
0x1ce: {  	[sflag:s26] =	ssyncset.done $0x0  }
0x1cf: {  	s9 =	simm.s32 $0x0;
	[sflag:s26] =	ssyncadd.s32 $0xFFFFF400  }
0x1d0: {  	v2 =	vld [tilespmem:s9+$0xE1E0]  }
0x1d1: {  	v3 =	vld [tilespmem:s9+$0xE1F0]  }
0x1d2: {  	v4 =	vld [tilespmem:s9+$0xE1A0]  }
0x1d3: {  	v5 =	vld [tilespmem:s9+$0xE1B0]  }
0x1d4: {  	v6 =	vld [tilespmem:s9+$0xE160]  }
0x1d5: {  	v7 =	vld [tilespmem:s9+$0xE170]  }
0x1d6: {  	v12 =	vld [tilespmem:s9+$0xE120]  }
0x1d7: {  	v13 =	vld [tilespmem:s9+$0xE130]  }
0x1d8: {  	v10 =	vimm.f32 $0.0e+00;
	v8 =	vimm.f32 $0.0e+00;
	v11 =	vmovc v0;
	v9 =	vmov v1;
	s12 =	simm.s32 $0x400;
	v14 =	vld [tilespmem:s9+$0xE140]  }
.LBB2_13:
0x1d9: {  	p1 =	sne.s32 s12, $0x6000;
	v15 =	vld [tilespmem:s9+$0xE150]  }
0x1da: {  	v16 =	vld [tilespmem:s9+$0xE180]  }
0x1db: {  	v17 =	vld [tilespmem:s9+$0xE190]  }
0x1dc: {  	v18 =	vld [tilespmem:s9+$0xE1C0]  }
0x1dd: {  	v11 =	vadd.f32 v12, v11;
	v9 =	vadd.f32 v13, v9;
	v12 =	vld [tilespmem:s9+$0xE1D0]  }
0x1de: {  	v8 =	vadd.f32 v14, v8;
	v10 =	vadd.f32 v15, v10;
	v13 =	vld [tilespmem:s9+$0xE200]  }
0x1df: {  	v6 =	vadd.f32 v6, v11;
	v7 =	vadd.f32 v7, v9;
	v14 =	vld [tilespmem:s9+$0xE210];
	s9 =	sshra.s32 s12, $0x2  }
0x1e0: {  	v8 =	vadd.f32 v16, v8;
	v15 =	vld [tilespmem:s9+$0xE1E0];
	v9 =	vadd.f32 v17, v10  }
0x1e1: {  	v6 =	vadd.f32 v4, v6;
	v7 =	vadd.f32 v5, v7;
	v16 =	vld [tilespmem:s9+$0xE1F0]  }
0x1e2: {  	v8 =	vadd.f32 v18, v8;
	v4 =	vld [tilespmem:s9+$0xE1A0];
	v10 =	vadd.f32 v12, v9  }
0x1e3: {  	v11 =	vadd.f32 v2, v6;
	v9 =	vadd.f32 v3, v7;
	v5 =	vld [tilespmem:s9+$0xE1B0]  }
.Ltmp7:
0x1e4: {  	v8 =	vadd.f32 v13, v8;
	v6 =	vld [tilespmem:s9+$0xE160];
	v10 =	vadd.f32 v14, v10;
	(pc) =	sbr.rel @p1 .LBB2_13-.Ltmp7, $4  }
0x1e5: {  	v7 =	vld [tilespmem:s9+$0xE170];
	v2 =	vmov v15  }
0x1e6: {  	v12 =	vld [tilespmem:s9+$0xE120];
	v3 =	vmov v16  }
0x1e7: {  	v13 =	vld [tilespmem:s9+$0xE130]  }
0x1e8: {  	s12 =	sadd.s32 $0x400, s12;
	v14 =	vld [tilespmem:s9+$0xE140]  }
0x1e9: {  	v15 =	vld [tilespmem:s9+$0xE150]  }
0x1ea: {  	v16 =	vld [tilespmem:s9+$0xE180]  }
0x1eb: {  	v17 =	vld [tilespmem:s9+$0xE190]  }
0x1ec: {  	v18 =	vld [tilespmem:s9+$0xE1C0]  }
0x1ed: {  	v11 =	vadd.f32 v12, v11;
	v12 =	vld [tilespmem:s9+$0xE1D0];
	v8 =	vadd.f32 v14, v8  }
0x1ee: {  	v9 =	vadd.f32 v13, v9;
	v13 =	vld [tilespmem:s9+$0xE200];
	v10 =	vadd.f32 v15, v10  }
0x1ef: {  	v6 =	vadd.f32 v6, v11;
	v11 =	vld [tilespmem:s9+$0xE210];
	v8 =	vadd.f32 v16, v8  }
0x1f0: {  	v7 =	vadd.f32 v7, v9;
	v9 =	vadd.f32 v17, v10  }
0x1f1: {  	v4 =	vadd.f32 v4, v6;
	v6 =	vadd.f32 v18, v8  }
0x1f2: {  	v5 =	vadd.f32 v5, v7;
	v7 =	vadd.f32 v12, v9  }
0x1f3: {  	v2 =	vadd.f32 v2, v4;
	v4 =	vadd.f32 v13, v6  }
0x1f4: {  	v3 =	vadd.f32 v3, v5;
	v5 =	vadd.f32 v11, v7  }
0x1f5: {  	v2 =	vadd.f32 v4, v2  }
0x1f6: {  	v3 =	vadd.f32 v5, v3  }
0x1f7: {  	(xrf0) =	vmax.scan.msk.f32 $0xffff, v2  }
0x1f8: {  	(xrf0) =	vmax.scan.msk.f32 $0xffff, v3;
	_ =	sdelay $0x4  }
0x1f9: {  	v4, _, _ =	vpop (xrf0)  }
0x1fa: {  	(v2sf) =	vpush v4, $0xF;
	v4, _, _ =	vpop (xrf0)  }
0x1fb: {  	(v2sf) =	vpush v4, $0xF;
	_ =	sdelay $0xd  }
0x1fc: {  	s14 =	spop (v2sf)  }
0x1fd: {  	s12 =	spop (v2sf)  }
0x1fe: {  	s9 =	smax.f32 s14, s12  }
0x1ff: {  	v4 =	vmov s9  }
0x200: {  	v2 =	vsub.f32 v2, v4  }
0x201: {  	v3 =	vsub.f32 v3, v4  }
0x202: {  	v2 =	vmul.f32 $1.442695020e+00, v2  }
0x203: {  	v3 =	vmul.f32 $1.442695020e+00, v3  }
0x204: {  	(erf) = vpow2.f32 v2  }
0x205: {  	(erf) = vpow2.f32 v3;
	_ =	sdelay $0x7  }
0x206: {  	v2 =	vpop (erf)  }
0x207: {  	v3 =	vpop (erf);
	(xrf2) =	vadd.scan.msk.f32 $0xffff, v2  }
0x208: {  	(xrf2) =	vadd.scan.msk.f32 $0xffff, v3;
	_ =	sdelay $0x8  }
0x209: {  	v4, _, _ =	vpop (xrf2)  }
0x20a: {  	(v2sf) =	vpush v4, $0xF;
	v4, _, _ =	vpop (xrf2)  }
0x20b: {  	(v2sf) =	vpush v4, $0xF;
	_ =	sdelay $0xd  }
0x20c: {  	s12 =	spop (v2sf)  }
0x20d: {  	s14 =	spop (v2sf)  }
0x20e: {  	s9 =	sadd.f32 s14, s12;
	_ =	sdelay $0x1  }
0x20f: {  	v4 =	vmov s9  }
0x210: {  	(erf) = vrcp.f32 v4;
	_ =	sdelay $0x8  }
0x211: {  	v4 =	vpop (erf)  }
0x212: {  	v2 =	vmul.f32 v4, v2  }
0x213: {  	v3 =	vmul.f32 v4, v3  }
0x214: {  	[tilespmem:s2+$0x12CC0] =	vst v2  }
0x215: {  	s12 =	simm.s32 @!p0 $0x68;
	s14 =	simm.s32 @!p0 $0xE120;
	s9 =	sadd.s32 @!p0 $0xA28, s1;
	[tilespmem:s2+$0x12CD0] =	vst v3  }
0x216: {  	[tilespmem:s14], [sflag:$0x6] =	stream.indirect.gather @!p0 [hbm4b:s4+s12], $0x20, s9, s12, $0xb8;
	[tilespmem:$0x13C20] =	vst v63  }
0x217: {  	s9 =	sadd.s32 @!p0 $0xA90, s1;
	s12 =	simm.s32 @!p0 $0x60;
	s14 =	simm.s32 @!p0 $0xEE20  }
0x218: {  	[tilespmem:s14], [sflag:$0x6] =	stream.indirect.gather @!p0 [hbm4b:s4+s12], $0x20, s9, s12, $0xb8;
	[tilespmem:$0x13C20] =	vst v63  }
0x219: {  	_ =	swait.ge [sflag:s28], $0xD00  }
0x21a: {  	[sflag:s28] =	ssyncset.done $0x0  }
0x21b: {  	[sflag:s28] =	ssyncadd.s32 $0xFFFFF300  }
0x21c: {  	_ =	swait.ge [sflag:s28], $0xC00  }
0x21d: {  	[sflag:s28] =	ssyncset.done $0x0  }
0x21e: {  	s9 =	simm.s32 $0x0;
	[sflag:s28] =	ssyncadd.s32 $0xFFFFF400  }
0x21f: {  	v2 =	vld [tilespmem:s9+$0xFAE0]  }
0x220: {  	v3 =	vld [tilespmem:s9+$0xFAF0]  }
0x221: {  	v4 =	vld [tilespmem:s9+$0xFAA0]  }
0x222: {  	v5 =	vld [tilespmem:s9+$0xFAB0]  }
0x223: {  	v6 =	vld [tilespmem:s9+$0xFA60]  }
0x224: {  	v7 =	vld [tilespmem:s9+$0xFA70]  }
0x225: {  	v12 =	vld [tilespmem:s9+$0xFA20]  }
0x226: {  	v13 =	vld [tilespmem:s9+$0xFA30]  }
0x227: {  	v10 =	vimm.f32 $0.0e+00;
	v8 =	vimm.f32 $0.0e+00;
	v11 =	vmovc v0;
	v9 =	vmov v1;
	s12 =	simm.s32 $0x400;
	v14 =	vld [tilespmem:s9+$0xFA40]  }
.LBB2_15:
0x228: {  	p1 =	sne.s32 s12, $0x6000;
	v15 =	vld [tilespmem:s9+$0xFA50]  }
0x229: {  	v16 =	vld [tilespmem:s9+$0xFA80]  }
0x22a: {  	v17 =	vld [tilespmem:s9+$0xFA90]  }
0x22b: {  	v18 =	vld [tilespmem:s9+$0xFAC0]  }
0x22c: {  	v11 =	vadd.f32 v12, v11;
	v9 =	vadd.f32 v13, v9;
	v12 =	vld [tilespmem:s9+$0xFAD0]  }
0x22d: {  	v8 =	vadd.f32 v14, v8;
	v10 =	vadd.f32 v15, v10;
	v13 =	vld [tilespmem:s9+$0xFB00]  }
0x22e: {  	v6 =	vadd.f32 v6, v11;
	v7 =	vadd.f32 v7, v9;
	v14 =	vld [tilespmem:s9+$0xFB10];
	s9 =	sshra.s32 s12, $0x2  }
0x22f: {  	v8 =	vadd.f32 v16, v8;
	v15 =	vld [tilespmem:s9+$0xFAE0];
	v9 =	vadd.f32 v17, v10  }
0x230: {  	v6 =	vadd.f32 v4, v6;
	v7 =	vadd.f32 v5, v7;
	v16 =	vld [tilespmem:s9+$0xFAF0]  }
0x231: {  	v8 =	vadd.f32 v18, v8;
	v4 =	vld [tilespmem:s9+$0xFAA0];
	v10 =	vadd.f32 v12, v9  }
0x232: {  	v11 =	vadd.f32 v2, v6;
	v9 =	vadd.f32 v3, v7;
	v5 =	vld [tilespmem:s9+$0xFAB0]  }
.Ltmp8:
0x233: {  	v8 =	vadd.f32 v13, v8;
	v6 =	vld [tilespmem:s9+$0xFA60];
	v10 =	vadd.f32 v14, v10;
	(pc) =	sbr.rel @p1 .LBB2_15-.Ltmp8, $4  }
0x234: {  	v7 =	vld [tilespmem:s9+$0xFA70];
	v2 =	vmov v15  }
0x235: {  	v12 =	vld [tilespmem:s9+$0xFA20];
	v3 =	vmov v16  }
0x236: {  	v13 =	vld [tilespmem:s9+$0xFA30]  }
0x237: {  	s12 =	sadd.s32 $0x400, s12;
	v14 =	vld [tilespmem:s9+$0xFA40]  }
0x238: {  	v15 =	vld [tilespmem:s9+$0xFA50]  }
0x239: {  	v16 =	vld [tilespmem:s9+$0xFA80]  }
0x23a: {  	v17 =	vld [tilespmem:s9+$0xFA90]  }
0x23b: {  	v18 =	vld [tilespmem:s9+$0xFAC0]  }
0x23c: {  	v11 =	vadd.f32 v12, v11;
	v12 =	vld [tilespmem:s9+$0xFAD0];
	v8 =	vadd.f32 v14, v8  }
0x23d: {  	v9 =	vadd.f32 v13, v9;
	v13 =	vld [tilespmem:s9+$0xFB00];
	v10 =	vadd.f32 v15, v10  }
0x23e: {  	v6 =	vadd.f32 v6, v11;
	v11 =	vld [tilespmem:s9+$0xFB10];
	v8 =	vadd.f32 v16, v8  }
0x23f: {  	v7 =	vadd.f32 v7, v9;
	v9 =	vadd.f32 v17, v10  }
0x240: {  	v4 =	vadd.f32 v4, v6;
	v6 =	vadd.f32 v18, v8  }
0x241: {  	v5 =	vadd.f32 v5, v7;
	v7 =	vadd.f32 v12, v9  }
0x242: {  	v2 =	vadd.f32 v2, v4;
	v4 =	vadd.f32 v13, v6  }
0x243: {  	v3 =	vadd.f32 v3, v5;
	v5 =	vadd.f32 v11, v7  }
0x244: {  	v2 =	vadd.f32 v4, v2  }
0x245: {  	v3 =	vadd.f32 v5, v3  }
0x246: {  	(xrf0) =	vmax.scan.msk.f32 $0xffff, v2  }
0x247: {  	(xrf0) =	vmax.scan.msk.f32 $0xffff, v3;
	_ =	sdelay $0x4  }
0x248: {  	v4, _, _ =	vpop (xrf0)  }
0x249: {  	(v2sf) =	vpush v4, $0xF;
	v4, _, _ =	vpop (xrf0)  }
0x24a: {  	(v2sf) =	vpush v4, $0xF;
	_ =	sdelay $0xd  }
0x24b: {  	s14 =	spop (v2sf)  }
0x24c: {  	s12 =	spop (v2sf)  }
0x24d: {  	s9 =	smax.f32 s14, s12  }
0x24e: {  	v4 =	vmov s9  }
0x24f: {  	v2 =	vsub.f32 v2, v4  }
0x250: {  	v3 =	vsub.f32 v3, v4  }
0x251: {  	v2 =	vmul.f32 $1.442695020e+00, v2  }
0x252: {  	v3 =	vmul.f32 $1.442695020e+00, v3  }
0x253: {  	(erf) = vpow2.f32 v2  }
0x254: {  	(erf) = vpow2.f32 v3;
	_ =	sdelay $0x7  }
0x255: {  	v2 =	vpop (erf)  }
0x256: {  	v3 =	vpop (erf);
	(xrf2) =	vadd.scan.msk.f32 $0xffff, v2  }
0x257: {  	(xrf2) =	vadd.scan.msk.f32 $0xffff, v3;
	_ =	sdelay $0x8  }
0x258: {  	v4, _, _ =	vpop (xrf2)  }
0x259: {  	(v2sf) =	vpush v4, $0xF;
	v4, _, _ =	vpop (xrf2)  }
0x25a: {  	(v2sf) =	vpush v4, $0xF;
	_ =	sdelay $0xd  }
0x25b: {  	s12 =	spop (v2sf)  }
0x25c: {  	s14 =	spop (v2sf)  }
0x25d: {  	s9 =	sadd.f32 s14, s12;
	_ =	sdelay $0x1  }
0x25e: {  	v4 =	vmov s9  }
0x25f: {  	(erf) = vrcp.f32 v4;
	_ =	sdelay $0x8  }
0x260: {  	v4 =	vpop (erf)  }
0x261: {  	v2 =	vmul.f32 v4, v2  }
0x262: {  	v3 =	vmul.f32 v4, v3  }
0x263: {  	[tilespmem:s2+$0x12CE0] =	vst v2  }
0x264: {  	s12 =	simm.s32 @!p0 $0x68;
	s14 =	simm.s32 @!p0 $0xFA20;
	s9 =	sadd.s32 @!p0 $0xAF0, s1;
	[tilespmem:s2+$0x12CF0] =	vst v3  }
0x265: {  	[tilespmem:s14], [sflag:$0x7] =	stream.indirect.gather @!p0 [hbm4b:s4+s12], $0x20, s9, s12, $0xb8;
	[tilespmem:$0x13C20] =	vst v63  }
0x266: {  	s1 =	sadd.s32 @!p0 $0xB58, s1;
	s9 =	simm.s32 @!p0 $0x60;
	s12 =	simm.s32 @!p0 $0x10720  }
0x267: {  	[tilespmem:s12], [sflag:$0x7] =	stream.indirect.gather @!p0 [hbm4b:s4+s9], $0x20, s1, s9, $0xb8;
	[tilespmem:$0x13C20] =	vst v63  }
0x268: {  	_ =	swait.ge [sflag:s29], $0xD00  }
0x269: {  	[sflag:s29] =	ssyncset.done $0x0  }
0x26a: {  	[sflag:s29] =	ssyncadd.s32 $0xFFFFF300  }
0x26b: {  	_ =	swait.ge [sflag:s29], $0xC00  }
0x26c: {  	[sflag:s29] =	ssyncset.done $0x0  }
0x26d: {  	s1 =	simm.s32 $0x0;
	[sflag:s29] =	ssyncadd.s32 $0xFFFFF400  }
0x26e: {  	v2 =	vld [tilespmem:s1+$0x113E0]  }
0x26f: {  	v3 =	vld [tilespmem:s1+$0x113F0]  }
0x270: {  	v4 =	vld [tilespmem:s1+$0x113A0]  }
0x271: {  	v5 =	vld [tilespmem:s1+$0x113B0]  }
0x272: {  	v6 =	vld [tilespmem:s1+$0x11360]  }
0x273: {  	v7 =	vld [tilespmem:s1+$0x11370]  }
0x274: {  	v12 =	vld [tilespmem:s1+$0x11320]  }
0x275: {  	v13 =	vld [tilespmem:s1+$0x11330]  }
0x276: {  	v10 =	vimm.f32 $0.0e+00;
	v8 =	vimm.f32 $0.0e+00;
	v11 =	vmovc v0;
	v9 =	vmov v1;
	s9 =	simm.s32 $0x400;
	v14 =	vld [tilespmem:s1+$0x11340]  }
.LBB2_17:
0x277: {  	p1 =	sne.s32 s9, $0x6000;
	v15 =	vld [tilespmem:s1+$0x11350]  }
0x278: {  	v16 =	vld [tilespmem:s1+$0x11380]  }
0x279: {  	v17 =	vld [tilespmem:s1+$0x11390]  }
0x27a: {  	v18 =	vld [tilespmem:s1+$0x113C0]  }
0x27b: {  	v11 =	vadd.f32 v12, v11;
	v9 =	vadd.f32 v13, v9;
	v12 =	vld [tilespmem:s1+$0x113D0]  }
0x27c: {  	v8 =	vadd.f32 v14, v8;
	v10 =	vadd.f32 v15, v10;
	v13 =	vld [tilespmem:s1+$0x11400]  }
0x27d: {  	v6 =	vadd.f32 v6, v11;
	v7 =	vadd.f32 v7, v9;
	v14 =	vld [tilespmem:s1+$0x11410];
	s1 =	sshra.s32 s9, $0x2  }
0x27e: {  	v8 =	vadd.f32 v16, v8;
	v15 =	vld [tilespmem:s1+$0x113E0];
	v9 =	vadd.f32 v17, v10  }
0x27f: {  	v6 =	vadd.f32 v4, v6;
	v7 =	vadd.f32 v5, v7;
	v16 =	vld [tilespmem:s1+$0x113F0]  }
0x280: {  	v8 =	vadd.f32 v18, v8;
	v4 =	vld [tilespmem:s1+$0x113A0];
	v10 =	vadd.f32 v12, v9  }
0x281: {  	v11 =	vadd.f32 v2, v6;
	v9 =	vadd.f32 v3, v7;
	v5 =	vld [tilespmem:s1+$0x113B0]  }
.Ltmp9:
0x282: {  	v8 =	vadd.f32 v13, v8;
	v6 =	vld [tilespmem:s1+$0x11360];
	v10 =	vadd.f32 v14, v10;
	(pc) =	sbr.rel @p1 .LBB2_17-.Ltmp9, $4  }
0x283: {  	v7 =	vld [tilespmem:s1+$0x11370];
	v2 =	vmov v15  }
0x284: {  	v12 =	vld [tilespmem:s1+$0x11320];
	v3 =	vmov v16  }
0x285: {  	v13 =	vld [tilespmem:s1+$0x11330]  }
0x286: {  	s9 =	sadd.s32 $0x400, s9;
	v14 =	vld [tilespmem:s1+$0x11340]  }
0x287: {  	v15 =	vld [tilespmem:s1+$0x11350]  }
0x288: {  	v16 =	vld [tilespmem:s1+$0x11380]  }
0x289: {  	v17 =	vld [tilespmem:s1+$0x11390]  }
0x28a: {  	v18 =	vld [tilespmem:s1+$0x113C0]  }
0x28b: {  	v50 =	vld [tilespmem:s1+$0x113D0];
	v11 =	vadd.f32 v12, v11;
	v8 =	vadd.f32 v14, v8  }
0x28c: {  	v51 =	vld [tilespmem:s1+$0x11400];
	v9 =	vadd.f32 v13, v9;
	v10 =	vadd.f32 v15, v10  }
0x28d: {  	v52 =	vld [tilespmem:s1+$0x11410];
	v6 =	vadd.f32 v6, v11;
	v8 =	vadd.f32 v16, v8  }
0x28e: {  	v7 =	vadd.f32 v7, v9;
	v53 =	vadd.f32 v17, v10  }
0x28f: {  	v4 =	vadd.f32 v4, v6;
	v54 =	vadd.f32 v18, v8  }
0x290: {  	v5 =	vadd.f32 v5, v7;
	v55 =	vadd.f32 v50, v53  }
0x291: {  	v2 =	vadd.f32 v2, v4;
	v56 =	vadd.f32 v51, v54  }
0x292: {  	v3 =	vadd.f32 v3, v5;
	v57 =	vadd.f32 v52, v55  }
0x293: {  	v2 =	vadd.f32 v56, v2  }
0x294: {  	v3 =	vadd.f32 v57, v3  }
0x295: {  	(xrf0) =	vmax.scan.msk.f32 $0xffff, v2  }
0x296: {  	(xrf0) =	vmax.scan.msk.f32 $0xffff, v3;
	_ =	sdelay $0x4  }
0x297: {  	v58, _, _ =	vpop (xrf0)  }
0x298: {  	(v2sf) =	vpush v58, $0xF;
	v59, _, _ =	vpop (xrf0)  }
0x299: {  	(v2sf) =	vpush v59, $0xF;
	_ =	sdelay $0xd  }
0x29a: {  	s14 =	spop (v2sf)  }
0x29b: {  	s9 =	spop (v2sf)  }
0x29c: {  	s1 =	smax.f32 s14, s9  }
0x29d: {  	v60 =	vmov s1  }
0x29e: {  	v2 =	vsub.f32 v2, v60  }
0x29f: {  	v3 =	vsub.f32 v3, v60  }
0x2a0: {  	v2 =	vmul.f32 $1.442695020e+00, v2  }
0x2a1: {  	v3 =	vmul.f32 $1.442695020e+00, v3  }
0x2a2: {  	(erf) = vpow2.f32 v2  }
0x2a3: {  	(erf) = vpow2.f32 v3;
	_ =	sdelay $0x7  }
0x2a4: {  	v2 =	vpop (erf)  }
0x2a5: {  	v3 =	vpop (erf);
	(xrf2) =	vadd.scan.msk.f32 $0xffff, v2  }
0x2a6: {  	(xrf2) =	vadd.scan.msk.f32 $0xffff, v3;
	_ =	sdelay $0x8  }
0x2a7: {  	v61, _, _ =	vpop (xrf2)  }
0x2a8: {  	(v2sf) =	vpush v61, $0xF;
	v62, _, _ =	vpop (xrf2)  }
0x2a9: {  	(v2sf) =	vpush v62, $0xF;
	_ =	sdelay $0xd  }
0x2aa: {  	s12 =	spop (v2sf)  }
0x2ab: {  	s14 =	spop (v2sf)  }
0x2ac: {  	s1 =	sadd.f32 s14, s12;
	_ =	sdelay $0x1  }
0x2ad: {  	v63 =	vmov s1  }
0x2ae: {  	(erf) = vrcp.f32 v63;
	_ =	sdelay $0x8  }
.Ltmp10:
0x2af: {  	v4 =	vpop (erf);
	(pc) =	sbr.rel @p0 .LBB2_20-.Ltmp10, $4  }
0x2b0: {  	v2 =	vmul.f32 v4, v2  }
0x2b1: {  	v3 =	vmul.f32 v4, v3  }
0x2b2: {  	[tilespmem:s2+$0x12D00] =	vst v2  }
0x2b3: {  	[tilespmem:s2+$0x12D10] =	vst v3  }
0x2b4: {  	s1 =	smul.u32 $0x1900, s0;
	_ =	sdelay $0x1  }
.Ltmp11:
0x2b5: {  	s1 =	sshra.s32 s1, $0x2;
	(pc) =	sbr.rel .LBB2_2-.Ltmp11, $4  }
0x2b6: {  	s2 =	sadd.s32 $0xBB8, s1  }
0x2b7: {  	[tilespmem:s18], [sflag:$0x8] =	stream.indirect.gather [hbm4b:s4+s11], $0x20, s2, s11, $0xb8;
	[tilespmem:$0x13C20] =	vst v63  }
0x2b8: {  	s0 =	sadd.s32 $0x1, s0;
	s1 =	sadd.s32 $0xC20, s1  }
0x2b9: {  	[tilespmem:s20], [sflag:$0x8] =	stream.indirect.gather [hbm4b:s4+s13], $0x20, s1, s13, $0xb8;
	[tilespmem:$0x13C20] =	vst v63  }
.LBB2_21:
0x2ba: {  	_ =	sfence.sel $0x180000  }
0x2bb: {  	[bflag:$0x0] =	sbarrier.arrive $0xFFFF  }
0x2bc: {  	_ =	strace $0x90000047  }
0x2bd: {  	s0 =	stileid.u32;
	[bflag:$0x2] =	sbarrier.arrive $0xFFFF  }
0x2be: {  	p0 =	sne.s32 s0, $0x0;
	s0 =	rddreg [dreg:$0x2]  }
0x2bf: {  	s0 =	sadd.s32 @!p0 $0x100000, s0  }
0x2c0: {  	[sflag:s0] =	ssyncadd.tile.s32 @!p0 $0x1;
	_ =	shalt  }
.Lfunc_end2:
_tile_overlayer_lowered:
.L_overlay_start_2:
0x2c1: {  	(tag) =	ssettag $0x2  }
0x2c2: {  	s0 =	rddreg [dreg:$0x0];
	s2 =	stileid.u32  }
0x2c3: {  	s1 =	rddreg [dreg:$0x1];
	p0 =	sne.s32 s2, $0x0  }
0x2c4: {  	s3 =	rddreg [dreg:$0x2];
	[bflag:$0x3] =	sbarrier.arrive $0xFFFF;
	s2 =	simm.s32 @!p0 $0x1C0A  }
0x2c5: {  	[timem:s3], [sflag:s2] =	dma.local @!p0 [hbm:s0], s1  }
0x2c6: {  	s0 =	simm.s32 @!p0 $0xA  }
0x2c7: {  	_ =	swait.ge @!p0 [sflag:s0], s1  }
0x2c8: {  	s1 =	ssub.s32 @!p0 $0x0, s1;
	[sflag:s0] =	ssyncset.done @!p0 $0x0  }
0x2c9: {  	[sflag:s0] =	ssyncadd.s32 @!p0 s1  }
0x2ca: {  	[bflag:$0x3] =	sbarrier.arrive $0xFFFF  }
0x2cb: {  	_ =	shalt  }

</sc_bundles>
